<compile_context>
chip_gen: v7x
topology: tpu7x:2x2x1
jax: 0.10.2.dev20260603
libtpu: 0.0.44.dev20260713+nightly
codegen_flags: <defaults>
</compile_context>

<pallas_src>
import functools

import jax
import jax.numpy as jnp
from jax import lax
from jax.experimental import pallas as pl
from jax.experimental.pallas import tpu as pltpu
from jax.experimental.pallas import tpu_sc as plsc

B = 16384
D = 64
LANES = 16
PAD = 17

_info = plsc.get_sparse_core_info()
NC = _info.num_cores
NS = _info.num_subcores
NW = NC * NS
BPW = B // NW
CH = 32
NCH = BPW // CH

_mesh = plsc.VectorSubcoreMesh(core_axis_name="c", subcore_axis_name="s")


@functools.partial(
    pl.kernel,
    out_type=jax.ShapeDtypeStruct((B,), jnp.float32),
    mesh=_mesh,
    compiler_params=pltpu.CompilerParams(
        needs_layout_passes=False, use_tc_tiling_on_sc=True),
    scratch_types=[
        pltpu.VMEM((BPW,), jnp.int32),
        pltpu.VMEM((BPW,), jnp.int32),
        pltpu.VMEM((CH, D), jnp.float32),
        pltpu.VMEM((CH, D), jnp.float32),
        pltpu.VMEM((BPW * PAD,), jnp.float32),
        pltpu.VMEM((BPW,), jnp.float32),
        pltpu.SemaphoreType.DMA,
        pltpu.SemaphoreType.DMA,
    ],
)
def _sc_dot(user_hbm, item_hbm, uemb_hbm, iemb_hbm, out_hbm,
            uidx, iidx, urows, irows, part, outc, usem, isem):
    wid = lax.axis_index("s") * NC + lax.axis_index("c")
    base = wid * BPW

    pltpu.sync_copy(user_hbm.at[pl.ds(base, BPW)], uidx)
    pltpu.sync_copy(item_hbm.at[pl.ds(base, BPW)], iidx)

    def chunk_body(g, carry):
        descs = []
        for k2 in range(CH // LANES):
            uvec = uidx[pl.ds(g * CH + k2 * LANES, LANES)]
            ivec = iidx[pl.ds(g * CH + k2 * LANES, LANES)]
            for j in range(LANES):
                e2 = k2 * LANES + j
                descs.append(pltpu.async_copy(
                    uemb_hbm.at[pl.ds(uvec[j], 1)],
                    urows.at[pl.ds(e2, 1)], usem))
                descs.append(pltpu.async_copy(
                    iemb_hbm.at[pl.ds(ivec[j], 1)],
                    irows.at[pl.ds(e2, 1)], isem))
        for dsc in descs:
            dsc.wait()

        def row_body(r, carry2):
            acc = urows[r, pl.ds(0, LANES)] * irows[r, pl.ds(0, LANES)]
            for k in range(1, D // LANES):
                acc += (urows[r, pl.ds(k * LANES, LANES)]
                        * irows[r, pl.ds(k * LANES, LANES)])
            part[pl.ds((g * CH + r) * PAD, LANES)] = acc
            return carry2

        lax.fori_loop(0, CH, row_body, 0, unroll=2)
        return carry

    lax.fori_loop(0, NCH, chunk_body, 0)

    def grp_body(g, carry):
        rows = (g * LANES + lax.iota(jnp.int32, LANES)) * PAD
        acc = plsc.load_gather(part, [rows])
        for j in range(1, LANES):
            acc += plsc.load_gather(part, [rows + j])
        outc[pl.ds(g * LANES, LANES)] = acc
        return carry

    lax.fori_loop(0, BPW // LANES, grp_body, 0, unroll=2)

    pltpu.sync_copy(outc, out_hbm.at[pl.ds(base, BPW)])


def kernel(user, item, attr, user_embedding, item_embedding):
    del attr
    return _sc_dot(user.astype(jnp.int32), item.astype(jnp.int32),
                   user_embedding, item_embedding)

# --- scband reference (transcript-rebuilt; emitter-appended) ---
"""Pipeline reference for scband-bcemodel-24833500905538 (READ-ONLY COPY).

The authoritative reference and input builder live on the scoring server;
editing this copy changes nothing except your own understanding.
"""

import jax, jax.numpy as jnp
import numpy as np

N_USER = 1000000
N_ITEM = 1000000
N_LATENT = 64
BATCH = 16384

def setup_inputs(seed: int = 0) -> dict:
    key = jax.random.key(seed)
    k1, k2, k3, k4, k5 = jax.random.split(key, 5)
    user = jax.random.randint(k1, (BATCH,), 0, N_USER, dtype=jnp.int64) if jax.config.jax_enable_x64 else jax.random.randint(k1, (BATCH,), 0, N_USER, dtype=jnp.int32)
    item = jax.random.randint(k2, (BATCH,), 0, N_ITEM, dtype=jnp.int32)
    attr = jax.random.normal(k3, (BATCH,), dtype=jnp.float32)
    # Learned parameters: embedding tables (orthogonal init in torch; random normal is
    # numerically equivalent for benchmarking the lookup + dot kernel).
    user_embedding = jax.random.normal(k4, (N_USER, N_LATENT), dtype=jnp.float32) * 0.01
    item_embedding = jax.random.normal(k5, (N_ITEM, N_LATENT), dtype=jnp.float32) * 0.01
    return {"user": user, "item": item, "attr": attr,
            "user_embedding": user_embedding, "item_embedding": item_embedding}

def reference(user, item, attr, user_embedding, item_embedding):
    # (self.user_embedding.weight[user] * self.item_embedding.weight[item]).sum(dim=1)
    u = jnp.take(user_embedding, user, axis=0)  # gather [B, d]
    v = jnp.take(item_embedding, item, axis=0)  # gather [B, d]
    return (u * v).sum(axis=1)  # [B]

if __name__ == "__main__":
    import jax
    _d = setup_inputs()
    print(jax.jit(kernel)(*tuple(_d.values())))

</pallas_src>

<mosaic_0001>
#map = affine_map<(d0, d1) -> (0)>
#map1 = affine_map<(d0, d1) -> (0, 0)>
module attributes {stable_mosaic.version = 14 : i64} {
  func.func @_sc_dot(%arg0: i32, %arg1: i32, %arg2: memref<16384xi32, #tpu.memory_space<hbm>>, %arg3: memref<16384xi32, #tpu.memory_space<hbm>>, %arg4: memref<1000000x64xf32, #tpu.memory_space<hbm>>, %arg5: memref<1000000x64xf32, #tpu.memory_space<hbm>>, %arg6: memref<16384xf32, #tpu.memory_space<hbm>>, %arg7: memref<512xi32, #tpu.memory_space<vmem>>, %arg8: memref<512xi32, #tpu.memory_space<vmem>>, %arg9: memref<32x64xf32, #tpu.memory_space<vmem>>, %arg10: memref<32x64xf32, #tpu.memory_space<vmem>>, %arg11: memref<8704xf32, #tpu.memory_space<vmem>>, %arg12: memref<512xf32, #tpu.memory_space<vmem>>, %arg13: memref<!tpu.dma_semaphore, #tpu.memory_space<semaphore_mem>>, %arg14: memref<!tpu.dma_semaphore, #tpu.memory_space<semaphore_mem>>) attributes {dimension_semantics = [#tpu.dimension_semantics<core_parallel>, #tpu.dimension_semantics<subcore_parallel>], iteration_bounds = array<i64: 2, 16>, scalar_prefetch = 0 : i64, scratch_operands = 8 : i64, tpu.core_type = #tpu.core_type<sc_vector_subcore>, window_params = [{transform_indices = #map}, {transform_indices = #map}, {transform_indices = #map1}, {transform_indices = #map1}, {transform_indices = #map}]} {
    %mul3A = arith.constant 2 : i32
    %mul3A_0 = arith.muli %arg1, %mul3A : i32
    %add3A = arith.addi %mul3A_0, %arg0 : i32
    %mul3A_1 = arith.constant 512 : i32
    %mul3A_2 = arith.muli %add3A, %mul3A_1 : i32
    "tpu.region"() ({
      %run_scoped3A = tpu.sem_alloc : memref<!tpu.dma_semaphore, #tpu.memory_space<semaphore_mem>>
      %dma_start3A = tpu.memref_slice %arg2[%mul3A_2] : memref<16384xi32, #tpu.memory_space<hbm>> -> memref<512xi32, #tpu.memory_space<hbm>>
      %dma_start3A_14 = tpu.memref_slice %arg2[%mul3A_2] : memref<16384xi32, #tpu.memory_space<hbm>> -> memref<512xi32, #tpu.memory_space<hbm>>
      tpu.enqueue_dma source(%dma_start3A_14 : memref<512xi32, #tpu.memory_space<hbm>>) target(%arg7 : memref<512xi32, #tpu.memory_space<vmem>>) target_semaphore(%run_scoped3A : memref<!tpu.dma_semaphore, #tpu.memory_space<semaphore_mem>>)
      %dma_wait3A = tpu.memref_slice %arg2[%mul3A_2] : memref<16384xi32, #tpu.memory_space<hbm>> -> memref<512xi32, #tpu.memory_space<hbm>>
      %dma_wait3A_15 = tpu.memref_slice %arg2[%mul3A_2] : memref<16384xi32, #tpu.memory_space<hbm>> -> memref<512xi32, #tpu.memory_space<hbm>>
      tpu.wait_dma2 semaphore(%run_scoped3A : memref<!tpu.dma_semaphore, #tpu.memory_space<semaphore_mem>>) src(%dma_wait3A_15 : memref<512xi32, #tpu.memory_space<hbm>>) dst(%arg7 : memref<512xi32, #tpu.memory_space<vmem>>)
      tpu.yield
    }) : () -> ()
    "tpu.region"() ({
      %run_scoped3A = tpu.sem_alloc : memref<!tpu.dma_semaphore, #tpu.memory_space<semaphore_mem>>
      %dma_start3A = tpu.memref_slice %arg3[%mul3A_2] : memref<16384xi32, #tpu.memory_space<hbm>> -> memref<512xi32, #tpu.memory_space<hbm>>
      %dma_start3A_14 = tpu.memref_slice %arg3[%mul3A_2] : memref<16384xi32, #tpu.memory_space<hbm>> -> memref<512xi32, #tpu.memory_space<hbm>>
      tpu.enqueue_dma source(%dma_start3A_14 : memref<512xi32, #tpu.memory_space<hbm>>) target(%arg8 : memref<512xi32, #tpu.memory_space<vmem>>) target_semaphore(%run_scoped3A : memref<!tpu.dma_semaphore, #tpu.memory_space<semaphore_mem>>)
      %dma_wait3A = tpu.memref_slice %arg3[%mul3A_2] : memref<16384xi32, #tpu.memory_space<hbm>> -> memref<512xi32, #tpu.memory_space<hbm>>
      %dma_wait3A_15 = tpu.memref_slice %arg3[%mul3A_2] : memref<16384xi32, #tpu.memory_space<hbm>> -> memref<512xi32, #tpu.memory_space<hbm>>
      tpu.wait_dma2 semaphore(%run_scoped3A : memref<!tpu.dma_semaphore, #tpu.memory_space<semaphore_mem>>) src(%dma_wait3A_15 : memref<512xi32, #tpu.memory_space<hbm>>) dst(%arg8 : memref<512xi32, #tpu.memory_space<vmem>>)
      tpu.yield
    }) : () -> ()
    %scan3A = arith.constant 0 : i32
    %scan3A_3 = arith.constant 0 : i32
    %scan3A_4 = arith.constant 16 : i32
    %scan3A_5 = arith.addi %scan3A_3, %scan3A_4 : i32
    %scan3A_6 = arith.constant 1 : i32
    scf.for %scan3A_14 = %scan3A_3 to %scan3A_5 step %scan3A_6  : i32 {
      %mul3A_15 = arith.constant 32 : i32
      %mul3A_16 = arith.muli %scan3A_14, %mul3A_15 : i32
      %add3A_17 = arith.constant 0 : i32
      %add3A_18 = arith.addi %mul3A_16, %add3A_17 : i32
      %get3A = arith.index_cast %add3A_18 : i32 to index
      %get3A_19 = tpu.vector_load %arg7[%get3A] {strides = array<i32>} : memref<512xi32, #tpu.memory_space<vmem>>, vector<16xi32>,
      %mul3A_20 = arith.constant 32 : i32
      %mul3A_21 = arith.muli %scan3A_14, %mul3A_20 : i32
      %add3A_22 = arith.constant 0 : i32
      %add3A_23 = arith.addi %mul3A_21, %add3A_22 : i32
      %get3A_24 = arith.index_cast %add3A_23 : i32 to index
      %get3A_25 = tpu.vector_load %arg8[%get3A_24] {strides = array<i32>} : memref<512xi32, #tpu.memory_space<vmem>>, vector<16xi32>,
      %slice3A = vector.extract_strided_slice %get3A_19 {offsets = [0], sizes = [1], strides = [1]} : vector<16xi32> to vector<1xi32>
      %squeeze3A = vector.extract %slice3A[0] : i32 from vector<1xi32>
      %dma_start3A = arith.constant 0 : i32
      %dma_start3A_26 = arith.constant 0 : i32
      %dma_start3A_27 = tpu.memref_slice %arg9[%dma_start3A, %dma_start3A_26] : memref<32x64xf32, #tpu.memory_space<vmem>> -> memref<1x64xf32, #tpu.memory_space<vmem>>
      %dma_start3A_28 = arith.constant 0 : i32
      %dma_start3A_29 = tpu.memref_slice %arg4[%squeeze3A, %dma_start3A_28] : memref<1000000x64xf32, #tpu.memory_space<hbm>> -> memref<1x64xf32, #tpu.memory_space<hbm>>
      %dma_start3A_30 = arith.constant 0 : i32
      %dma_start3A_31 = arith.constant 0 : i32
      %dma_start3A_32 = tpu.memref_slice %arg9[%dma_start3A_30, %dma_start3A_31] : memref<32x64xf32, #tpu.memory_space<vmem>> -> memref<1x64xf32, #tpu.memory_space<vmem>>
      %dma_start3A_33 = arith.constant 0 : i32
      %dma_start3A_34 = tpu.memref_slice %arg4[%squeeze3A, %dma_start3A_33] : memref<1000000x64xf32, #tpu.memory_space<hbm>> -> memref<1x64xf32, #tpu.memory_space<hbm>>
      tpu.enqueue_dma source(%dma_start3A_34 : memref<1x64xf32, #tpu.memory_space<hbm>>) target(%dma_start3A_32 : memref<1x64xf32, #tpu.memory_space<vmem>>) target_semaphore(%arg13 : memref<!tpu.dma_semaphore, #tpu.memory_space<semaphore_mem>>)
      %slice3A_35 = vector.extract_strided_slice %get3A_25 {offsets = [0], sizes = [1], strides = [1]} : vector<16xi32> to vector<1xi32>
      %squeeze3A_36 = vector.extract %slice3A_35[0] : i32 from vector<1xi32>
      %dma_start3A_37 = arith.constant 0 : i32
      %dma_start3A_38 = arith.constant 0 : i32
      %dma_start3A_39 = tpu.memref_slice %arg10[%dma_start3A_37, %dma_start3A_38] : memref<32x64xf32, #tpu.memory_space<vmem>> -> memref<1x64xf32, #tpu.memory_space<vmem>>
      %dma_start3A_40 = arith.constant 0 : i32
      %dma_start3A_41 = tpu.memref_slice %arg5[%squeeze3A_36, %dma_start3A_40] : memref<1000000x64xf32, #tpu.memory_space<hbm>> -> memref<1x64xf32, #tpu.memory_space<hbm>>
      %dma_start3A_42 = arith.constant 0 : i32
      %dma_start3A_43 = arith.constant 0 : i32
      %dma_start3A_44 = tpu.memref_slice %arg10[%dma_start3A_42, %dma_start3A_43] : memref<32x64xf32, #tpu.memory_space<vmem>> -> memref<1x64xf32, #tpu.memory_space<vmem>>
      %dma_start3A_45 = arith.constant 0 : i32
      %dma_start3A_46 = tpu.memref_slice %arg5[%squeeze3A_36, %dma_start3A_45] : memref<1000000x64xf32, #tpu.memory_space<hbm>> -> memref<1x64xf32, #tpu.memory_space<hbm>>
      tpu.enqueue_dma source(%dma_start3A_46 : memref<1x64xf32, #tpu.memory_space<hbm>>) target(%dma_start3A_44 : memref<1x64xf32, #tpu.memory_space<vmem>>) target_semaphore(%arg14 : memref<!tpu.dma_semaphore, #tpu.memory_space<semaphore_mem>>)
      %slice3A_47 = vector.extract_strided_slice %get3A_19 {offsets = [1], sizes = [1], strides = [1]} : vector<16xi32> to vector<1xi32>
      %squeeze3A_48 = vector.extract %slice3A_47[0] : i32 from vector<1xi32>
      %dma_start3A_49 = arith.constant 1 : i32
      %dma_start3A_50 = arith.constant 0 : i32
      %dma_start3A_51 = tpu.memref_slice %arg9[%dma_start3A_49, %dma_start3A_50] : memref<32x64xf32, #tpu.memory_space<vmem>> -> memref<1x64xf32, #tpu.memory_space<vmem>>
      %dma_start3A_52 = arith.constant 0 : i32
      %dma_start3A_53 = tpu.memref_slice %arg4[%squeeze3A_48, %dma_start3A_52] : memref<1000000x64xf32, #tpu.memory_space<hbm>> -> memref<1x64xf32, #tpu.memory_space<hbm>>
      %dma_start3A_54 = arith.constant 1 : i32
      %dma_start3A_55 = arith.constant 0 : i32
      %dma_start3A_56 = tpu.memref_slice %arg9[%dma_start3A_54, %dma_start3A_55] : memref<32x64xf32, #tpu.memory_space<vmem>> -> memref<1x64xf32, #tpu.memory_space<vmem>>
      %dma_start3A_57 = arith.constant 0 : i32
      %dma_start3A_58 = tpu.memref_slice %arg4[%squeeze3A_48, %dma_start3A_57] : memref<1000000x64xf32, #tpu.memory_space<hbm>> -> memref<1x64xf32, #tpu.memory_space<hbm>>
      tpu.enqueue_dma source(%dma_start3A_58 : memref<1x64xf32, #tpu.memory_space<hbm>>) target(%dma_start3A_56 : memref<1x64xf32, #tpu.memory_space<vmem>>) target_semaphore(%arg13 : memref<!tpu.dma_semaphore, #tpu.memory_space<semaphore_mem>>)
      %slice3A_59 = vector.extract_strided_slice %get3A_25 {offsets = [1], sizes = [1], strides = [1]} : vector<16xi32> to vector<1xi32>
      %squeeze3A_60 = vector.extract %slice3A_59[0] : i32 from vector<1xi32>
      %dma_start3A_61 = arith.constant 1 : i32
      %dma_start3A_62 = arith.constant 0 : i32
      %dma_start3A_63 = tpu.memref_slice %arg10[%dma_start3A_61, %dma_start3A_62] : memref<32x64xf32, #tpu.memory_space<vmem>> -> memref<1x64xf32, #tpu.memory_space<vmem>>
      %dma_start3A_64 = arith.constant 0 : i32
      %dma_start3A_65 = tpu.memref_slice %arg5[%squeeze3A_60, %dma_start3A_64] : memref<1000000x64xf32, #tpu.memory_space<hbm>> -> memref<1x64xf32, #tpu.memory_space<hbm>>
      %dma_start3A_66 = arith.constant 1 : i32
      %dma_start3A_67 = arith.constant 0 : i32
      %dma_start3A_68 = tpu.memref_slice %arg10[%dma_start3A_66, %dma_start3A_67] : memref<32x64xf32, #tpu.memory_space<vmem>> -> memref<1x64xf32, #tpu.memory_space<vmem>>
      %dma_start3A_69 = arith.constant 0 : i32
      %dma_start3A_70 = tpu.memref_slice %arg5[%squeeze3A_60, %dma_start3A_69] : memref<1000000x64xf32, #tpu.memory_space<hbm>> -> memref<1x64xf32, #tpu.memory_space<hbm>>
      tpu.enqueue_dma source(%dma_start3A_70 : memref<1x64xf32, #tpu.memory_space<hbm>>) target(%dma_start3A_68 : memref<1x64xf32, #tpu.memory_space<vmem>>) target_semaphore(%arg14 : memref<!tpu.dma_semaphore, #tpu.memory_space<semaphore_mem>>)
      %slice3A_71 = vector.extract_strided_slice %get3A_19 {offsets = [2], sizes = [1], strides = [1]} : vector<16xi32> to vector<1xi32>
      %squeeze3A_72 = vector.extract %slice3A_71[0] : i32 from vector<1xi32>
      %dma_start3A_73 = arith.constant 2 : i32
      %dma_start3A_74 = arith.constant 0 : i32
      %dma_start3A_75 = tpu.memref_slice %arg9[%dma_start3A_73, %dma_start3A_74] : memref<32x64xf32, #tpu.memory_space<vmem>> -> memref<1x64xf32, #tpu.memory_space<vmem>>
      %dma_start3A_76 = arith.constant 0 : i32
      %dma_start3A_77 = tpu.memref_slice %arg4[%squeeze3A_72, %dma_start3A_76] : memref<1000000x64xf32, #tpu.memory_space<hbm>> -> memref<1x64xf32, #tpu.memory_space<hbm>>
      %dma_start3A_78 = arith.constant 2 : i32
      %dma_start3A_79 = arith.constant 0 : i32
      %dma_start3A_80 = tpu.memref_slice %arg9[%dma_start3A_78, %dma_start3A_79] : memref<32x64xf32, #tpu.memory_space<vmem>> -> memref<1x64xf32, #tpu.memory_space<vmem>>
      %dma_start3A_81 = arith.constant 0 : i32
      %dma_start3A_82 = tpu.memref_slice %arg4[%squeeze3A_72, %dma_start3A_81] : memref<1000000x64xf32, #tpu.memory_space<hbm>> -> memref<1x64xf32, #tpu.memory_space<hbm>>
      tpu.enqueue_dma source(%dma_start3A_82 : memref<1x64xf32, #tpu.memory_space<hbm>>) target(%dma_start3A_80 : memref<1x64xf32, #tpu.memory_space<vmem>>) target_semaphore(%arg13 : memref<!tpu.dma_semaphore, #tpu.memory_space<semaphore_mem>>)
      %slice3A_83 = vector.extract_strided_slice %get3A_25 {offsets = [2], sizes = [1], strides = [1]} : vector<16xi32> to vector<1xi32>
      %squeeze3A_84 = vector.extract %slice3A_83[0] : i32 from vector<1xi32>
      %dma_start3A_85 = arith.constant 2 : i32
      %dma_start3A_86 = arith.constant 0 : i32
      %dma_start3A_87 = tpu.memref_slice %arg10[%dma_start3A_85, %dma_start3A_86] : memref<32x64xf32, #tpu.memory_space<vmem>> -> memref<1x64xf32, #tpu.memory_space<vmem>>
      %dma_start3A_88 = arith.constant 0 : i32
      %dma_start3A_89 = tpu.memref_slice %arg5[%squeeze3A_84, %dma_start3A_88] : memref<1000000x64xf32, #tpu.memory_space<hbm>> -> memref<1x64xf32, #tpu.memory_space<hbm>>
      %dma_start3A_90 = arith.constant 2 : i32
      %dma_start3A_91 = arith.constant 0 : i32
      %dma_start3A_92 = tpu.memref_slice %arg10[%dma_start3A_90, %dma_start3A_91] : memref<32x64xf32, #tpu.memory_space<vmem>> -> memref<1x64xf32, #tpu.memory_space<vmem>>
      %dma_start3A_93 = arith.constant 0 : i32
      %dma_start3A_94 = tpu.memref_slice %arg5[%squeeze3A_84, %dma_start3A_93] : memref<1000000x64xf32, #tpu.memory_space<hbm>> -> memref<1x64xf32, #tpu.memory_space<hbm>>
      tpu.enqueue_dma source(%dma_start3A_94 : memref<1x64xf32, #tpu.memory_space<hbm>>) target(%dma_start3A_92 : memref<1x64xf32, #tpu.memory_space<vmem>>) target_semaphore(%arg14 : memref<!tpu.dma_semaphore, #tpu.memory_space<semaphore_mem>>)
      %slice3A_95 = vector.extract_strided_slice %get3A_19 {offsets = [3], sizes = [1], strides = [1]} : vector<16xi32> to vector<1xi32>
      %squeeze3A_96 = vector.extract %slice3A_95[0] : i32 from vector<1xi32>
      %dma_start3A_97 = arith.constant 3 : i32
      %dma_start3A_98 = arith.constant 0 : i32
      %dma_start3A_99 = tpu.memref_slice %arg9[%dma_start3A_97, %dma_start3A_98] : memref<32x64xf32, #tpu.memory_space<vmem>> -> memref<1x64xf32, #tpu.memory_space<vmem>>
      %dma_start3A_100 = arith.constant 0 : i32
      %dma_start3A_101 = tpu.memref_slice %arg4[%squeeze3A_96, %dma_start3A_100] : memref<1000000x64xf32, #tpu.memory_space<hbm>> -> memref<1x64xf32, #tpu.memory_space<hbm>>
      %dma_start3A_102 = arith.constant 3 : i32
      %dma_start3A_103 = arith.constant 0 : i32
      %dma_start3A_104 = tpu.memref_slice %arg9[%dma_start3A_102, %dma_start3A_103] : memref<32x64xf32, #tpu.memory_space<vmem>> -> memref<1x64xf32, #tpu.memory_space<vmem>>
      %dma_start3A_105 = arith.constant 0 : i32
      %dma_start3A_106 = tpu.memref_slice %arg4[%squeeze3A_96, %dma_start3A_105] : memref<1000000x64xf32, #tpu.memory_space<hbm>> -> memref<1x64xf32, #tpu.memory_space<hbm>>
      tpu.enqueue_dma source(%dma_start3A_106 : memref<1x64xf32, #tpu.memory_space<hbm>>) target(%dma_start3A_104 : memref<1x64xf32, #tpu.memory_space<vmem>>) target_semaphore(%arg13 : memref<!tpu.dma_semaphore, #tpu.memory_space<semaphore_mem>>)
      %slice3A_107 = vector.extract_strided_slice %get3A_25 {offsets = [3], sizes = [1], strides = [1]} : vector<16xi32> to vector<1xi32>
      %squeeze3A_108 = vector.extract %slice3A_107[0] : i32 from vector<1xi32>
      %dma_start3A_109 = arith.constant 3 : i32
      %dma_start3A_110 = arith.constant 0 : i32
      %dma_start3A_111 = tpu.memref_slice %arg10[%dma_start3A_109, %dma_start3A_110] : memref<32x64xf32, #tpu.memory_space<vmem>> -> memref<1x64xf32, #tpu.memory_space<vmem>>
      %dma_start3A_112 = arith.constant 0 : i32
      %dma_start3A_113 = tpu.memref_slice %arg5[%squeeze3A_108, %dma_start3A_112] : memref<1000000x64xf32, #tpu.memory_space<hbm>> -> memref<1x64xf32, #tpu.memory_space<hbm>>
      %dma_start3A_114 = arith.constant 3 : i32
      %dma_start3A_115 = arith.constant 0 : i32
      %dma_start3A_116 = tpu.memref_slice %arg10[%dma_start3A_114, %dma_start3A_115] : memref<32x64xf32, #tpu.memory_space<vmem>> -> memref<1x64xf32, #tpu.memory_space<vmem>>
      %dma_start3A_117 = arith.constant 0 : i32
      %dma_start3A_118 = tpu.memref_slice %arg5[%squeeze3A_108, %dma_start3A_117] : memref<1000000x64xf32, #tpu.memory_space<hbm>> -> memref<1x64xf32, #tpu.memory_space<hbm>>
      tpu.enqueue_dma source(%dma_start3A_118 : memref<1x64xf32, #tpu.memory_space<hbm>>) target(%dma_start3A_116 : memref<1x64xf32, #tpu.memory_space<vmem>>) target_semaphore(%arg14 : memref<!tpu.dma_semaphore, #tpu.memory_space<semaphore_mem>>)
      %slice3A_119 = vector.extract_strided_slice %get3A_19 {offsets = [4], sizes = [1], strides = [1]} : vector<16xi32> to vector<1xi32>
      %squeeze3A_120 = vector.extract %slice3A_119[0] : i32 from vector<1xi32>
      %dma_start3A_121 = arith.constant 4 : i32
      %dma_start3A_122 = arith.constant 0 : i32
      %dma_start3A_123 = tpu.memref_slice %arg9[%dma_start3A_121, %dma_start3A_122] : memref<32x64xf32, #tpu.memory_space<vmem>> -> memref<1x64xf32, #tpu.memory_space<vmem>>
      %dma_start3A_124 = arith.constant 0 : i32
      %dma_start3A_125 = tpu.memref_slice %arg4[%squeeze3A_120, %dma_start3A_124] : memref<1000000x64xf32, #tpu.memory_space<hbm>> -> memref<1x64xf32, #tpu.memory_space<hbm>>
      %dma_start3A_126 = arith.constant 4 : i32
      %dma_start3A_127 = arith.constant 0 : i32
      %dma_start3A_128 = tpu.memref_slice %arg9[%dma_start3A_126, %dma_start3A_127] : memref<32x64xf32, #tpu.memory_space<vmem>> -> memref<1x64xf32, #tpu.memory_space<vmem>>
      %dma_start3A_129 = arith.constant 0 : i32
      %dma_start3A_130 = tpu.memref_slice %arg4[%squeeze3A_120, %dma_start3A_129] : memref<1000000x64xf32, #tpu.memory_space<hbm>> -> memref<1x64xf32, #tpu.memory_space<hbm>>
      tpu.enqueue_dma source(%dma_start3A_130 : memref<1x64xf32, #tpu.memory_space<hbm>>) target(%dma_start3A_128 : memref<1x64xf32, #tpu.memory_space<vmem>>) target_semaphore(%arg13 : memref<!tpu.dma_semaphore, #tpu.memory_space<semaphore_mem>>)
      %slice3A_131 = vector.extract_strided_slice %get3A_25 {offsets = [4], sizes = [1], strides = [1]} : vector<16xi32> to vector<1xi32>
      %squeeze3A_132 = vector.extract %slice3A_131[0] : i32 from vector<1xi32>
      %dma_start3A_133 = arith.constant 4 : i32
      %dma_start3A_134 = arith.constant 0 : i32
      %dma_start3A_135 = tpu.memref_slice %arg10[%dma_start3A_133, %dma_start3A_134] : memref<32x64xf32, #tpu.memory_space<vmem>> -> memref<1x64xf32, #tpu.memory_space<vmem>>
      %dma_start3A_136 = arith.constant 0 : i32
      %dma_start3A_137 = tpu.memref_slice %arg5[%squeeze3A_132, %dma_start3A_136] : memref<1000000x64xf32, #tpu.memory_space<hbm>> -> memref<1x64xf32, #tpu.memory_space<hbm>>
      %dma_start3A_138 = arith.constant 4 : i32
      %dma_start3A_139 = arith.constant 0 : i32
      %dma_start3A_140 = tpu.memref_slice %arg10[%dma_start3A_138, %dma_start3A_139] : memref<32x64xf32, #tpu.memory_space<vmem>> -> memref<1x64xf32, #tpu.memory_space<vmem>>
      %dma_start3A_141 = arith.constant 0 : i32
      %dma_start3A_142 = tpu.memref_slice %arg5[%squeeze3A_132, %dma_start3A_141] : memref<1000000x64xf32, #tpu.memory_space<hbm>> -> memref<1x64xf32, #tpu.memory_space<hbm>>
      tpu.enqueue_dma source(%dma_start3A_142 : memref<1x64xf32, #tpu.memory_space<hbm>>) target(%dma_start3A_140 : memref<1x64xf32, #tpu.memory_space<vmem>>) target_semaphore(%arg14 : memref<!tpu.dma_semaphore, #tpu.memory_space<semaphore_mem>>)
      %slice3A_143 = vector.extract_strided_slice %get3A_19 {offsets = [5], sizes = [1], strides = [1]} : vector<16xi32> to vector<1xi32>
      %squeeze3A_144 = vector.extract %slice3A_143[0] : i32 from vector<1xi32>
      %dma_start3A_145 = arith.constant 5 : i32
      %dma_start3A_146 = arith.constant 0 : i32
      %dma_start3A_147 = tpu.memref_slice %arg9[%dma_start3A_145, %dma_start3A_146] : memref<32x64xf32, #tpu.memory_space<vmem>> -> memref<1x64xf32, #tpu.memory_space<vmem>>
      %dma_start3A_148 = arith.constant 0 : i32
      %dma_start3A_149 = tpu.memref_slice %arg4[%squeeze3A_144, %dma_start3A_148] : memref<1000000x64xf32, #tpu.memory_space<hbm>> -> memref<1x64xf32, #tpu.memory_space<hbm>>
      %dma_start3A_150 = arith.constant 5 : i32
      %dma_start3A_151 = arith.constant 0 : i32
      %dma_start3A_152 = tpu.memref_slice %arg9[%dma_start3A_150, %dma_start3A_151] : memref<32x64xf32, #tpu.memory_space<vmem>> -> memref<1x64xf32, #tpu.memory_space<vmem>>
      %dma_start3A_153 = arith.constant 0 : i32
      %dma_start3A_154 = tpu.memref_slice %arg4[%squeeze3A_144, %dma_start3A_153] : memref<1000000x64xf32, #tpu.memory_space<hbm>> -> memref<1x64xf32, #tpu.memory_space<hbm>>
      tpu.enqueue_dma source(%dma_start3A_154 : memref<1x64xf32, #tpu.memory_space<hbm>>) target(%dma_start3A_152 : memref<1x64xf32, #tpu.memory_space<vmem>>) target_semaphore(%arg13 : memref<!tpu.dma_semaphore, #tpu.memory_space<semaphore_mem>>)
      %slice3A_155 = vector.extract_strided_slice %get3A_25 {offsets = [5], sizes = [1], strides = [1]} : vector<16xi32> to vector<1xi32>
      %squeeze3A_156 = vector.extract %slice3A_155[0] : i32 from vector<1xi32>
      %dma_start3A_157 = arith.constant 5 : i32
      %dma_start3A_158 = arith.constant 0 : i32
      %dma_start3A_159 = tpu.memref_slice %arg10[%dma_start3A_157, %dma_start3A_158] : memref<32x64xf32, #tpu.memory_space<vmem>> -> memref<1x64xf32, #tpu.memory_space<vmem>>
      %dma_start3A_160 = arith.constant 0 : i32
      %dma_start3A_161 = tpu.memref_slice %arg5[%squeeze3A_156, %dma_start3A_160] : memref<1000000x64xf32, #tpu.memory_space<hbm>> -> memref<1x64xf32, #tpu.memory_space<hbm>>
      %dma_start3A_162 = arith.constant 5 : i32
      %dma_start3A_163 = arith.constant 0 : i32
      %dma_start3A_164 = tpu.memref_slice %arg10[%dma_start3A_162, %dma_start3A_163] : memref<32x64xf32, #tpu.memory_space<vmem>> -> memref<1x64xf32, #tpu.memory_space<vmem>>
      %dma_start3A_165 = arith.constant 0 : i32
      %dma_start3A_166 = tpu.memref_slice %arg5[%squeeze3A_156, %dma_start3A_165] : memref<1000000x64xf32, #tpu.memory_space<hbm>> -> memref<1x64xf32, #tpu.memory_space<hbm>>
      tpu.enqueue_dma source(%dma_start3A_166 : memref<1x64xf32, #tpu.memory_space<hbm>>) target(%dma_start3A_164 : memref<1x64xf32, #tpu.memory_space<vmem>>) target_semaphore(%arg14 : memref<!tpu.dma_semaphore, #tpu.memory_space<semaphore_mem>>)
      %slice3A_167 = vector.extract_strided_slice %get3A_19 {offsets = [6], sizes = [1], strides = [1]} : vector<16xi32> to vector<1xi32>
      %squeeze3A_168 = vector.extract %slice3A_167[0] : i32 from vector<1xi32>
      %dma_start3A_169 = arith.constant 6 : i32
      %dma_start3A_170 = arith.constant 0 : i32
      %dma_start3A_171 = tpu.memref_slice %arg9[%dma_start3A_169, %dma_start3A_170] : memref<32x64xf32, #tpu.memory_space<vmem>> -> memref<1x64xf32, #tpu.memory_space<vmem>>
      %dma_start3A_172 = arith.constant 0 : i32
      %dma_start3A_173 = tpu.memref_slice %arg4[%squeeze3A_168, %dma_start3A_172] : memref<1000000x64xf32, #tpu.memory_space<hbm>> -> memref<1x64xf32, #tpu.memory_space<hbm>>
      %dma_start3A_174 = arith.constant 6 : i32
      %dma_start3A_175 = arith.constant 0 : i32
      %dma_start3A_176 = tpu.memref_slice %arg9[%dma_start3A_174, %dma_start3A_175] : memref<32x64xf32, #tpu.memory_space<vmem>> -> memref<1x64xf32, #tpu.memory_space<vmem>>
      %dma_start3A_177 = arith.constant 0 : i32
      %dma_start3A_178 = tpu.memref_slice %arg4[%squeeze3A_168, %dma_start3A_177] : memref<1000000x64xf32, #tpu.memory_space<hbm>> -> memref<1x64xf32, #tpu.memory_space<hbm>>
      tpu.enqueue_dma source(%dma_start3A_178 : memref<1x64xf32, #tpu.memory_space<hbm>>) target(%dma_start3A_176 : memref<1x64xf32, #tpu.memory_space<vmem>>) target_semaphore(%arg13 : memref<!tpu.dma_semaphore, #tpu.memory_space<semaphore_mem>>)
      %slice3A_179 = vector.extract_strided_slice %get3A_25 {offsets = [6], sizes = [1], strides = [1]} : vector<16xi32> to vector<1xi32>
      %squeeze3A_180 = vector.extract %slice3A_179[0] : i32 from vector<1xi32>
      %dma_start3A_181 = arith.constant 6 : i32
      %dma_start3A_182 = arith.constant 0 : i32
      %dma_start3A_183 = tpu.memref_slice %arg10[%dma_start3A_181, %dma_start3A_182] : memref<32x64xf32, #tpu.memory_space<vmem>> -> memref<1x64xf32, #tpu.memory_space<vmem>>
      %dma_start3A_184 = arith.constant 0 : i32
      %dma_start3A_185 = tpu.memref_slice %arg5[%squeeze3A_180, %dma_start3A_184] : memref<1000000x64xf32, #tpu.memory_space<hbm>> -> memref<1x64xf32, #tpu.memory_space<hbm>>
      %dma_start3A_186 = arith.constant 6 : i32
      %dma_start3A_187 = arith.constant 0 : i32
      %dma_start3A_188 = tpu.memref_slice %arg10[%dma_start3A_186, %dma_start3A_187] : memref<32x64xf32, #tpu.memory_space<vmem>> -> memref<1x64xf32, #tpu.memory_space<vmem>>
      %dma_start3A_189 = arith.constant 0 : i32
      %dma_start3A_190 = tpu.memref_slice %arg5[%squeeze3A_180, %dma_start3A_189] : memref<1000000x64xf32, #tpu.memory_space<hbm>> -> memref<1x64xf32, #tpu.memory_space<hbm>>
      tpu.enqueue_dma source(%dma_start3A_190 : memref<1x64xf32, #tpu.memory_space<hbm>>) target(%dma_start3A_188 : memref<1x64xf32, #tpu.memory_space<vmem>>) target_semaphore(%arg14 : memref<!tpu.dma_semaphore, #tpu.memory_space<semaphore_mem>>)
      %slice3A_191 = vector.extract_strided_slice %get3A_19 {offsets = [7], sizes = [1], strides = [1]} : vector<16xi32> to vector<1xi32>
      %squeeze3A_192 = vector.extract %slice3A_191[0] : i32 from vector<1xi32>
      %dma_start3A_193 = arith.constant 7 : i32
      %dma_start3A_194 = arith.constant 0 : i32
      %dma_start3A_195 = tpu.memref_slice %arg9[%dma_start3A_193, %dma_start3A_194] : memref<32x64xf32, #tpu.memory_space<vmem>> -> memref<1x64xf32, #tpu.memory_space<vmem>>
      %dma_start3A_196 = arith.constant 0 : i32
      %dma_start3A_197 = tpu.memref_slice %arg4[%squeeze3A_192, %dma_start3A_196] : memref<1000000x64xf32, #tpu.memory_space<hbm>> -> memref<1x64xf32, #tpu.memory_space<hbm>>
      %dma_start3A_198 = arith.constant 7 : i32
      %dma_start3A_199 = arith.constant 0 : i32
      %dma_start3A_200 = tpu.memref_slice %arg9[%dma_start3A_198, %dma_start3A_199] : memref<32x64xf32, #tpu.memory_space<vmem>> -> memref<1x64xf32, #tpu.memory_space<vmem>>
      %dma_start3A_201 = arith.constant 0 : i32
      %dma_start3A_202 = tpu.memref_slice %arg4[%squeeze3A_192, %dma_start3A_201] : memref<1000000x64xf32, #tpu.memory_space<hbm>> -> memref<1x64xf32, #tpu.memory_space<hbm>>
      tpu.enqueue_dma source(%dma_start3A_202 : memref<1x64xf32, #tpu.memory_space<hbm>>) target(%dma_start3A_200 : memref<1x64xf32, #tpu.memory_space<vmem>>) target_semaphore(%arg13 : memref<!tpu.dma_semaphore, #tpu.memory_space<semaphore_mem>>)
      %slice3A_203 = vector.extract_strided_slice %get3A_25 {offsets = [7], sizes = [1], strides = [1]} : vector<16xi32> to vector<1xi32>
      %squeeze3A_204 = vector.extract %slice3A_203[0] : i32 from vector<1xi32>
      %dma_start3A_205 = arith.constant 7 : i32
      %dma_start3A_206 = arith.constant 0 : i32
      %dma_start3A_207 = tpu.memref_slice %arg10[%dma_start3A_205, %dma_start3A_206] : memref<32x64xf32, #tpu.memory_space<vmem>> -> memref<1x64xf32, #tpu.memory_space<vmem>>
      %dma_start3A_208 = arith.constant 0 : i32
      %dma_start3A_209 = tpu.memref_slice %arg5[%squeeze3A_204, %dma_start3A_208] : memref<1000000x64xf32, #tpu.memory_space<hbm>> -> memref<1x64xf32, #tpu.memory_space<hbm>>
      %dma_start3A_210 = arith.constant 7 : i32
      %dma_start3A_211 = arith.constant 0 : i32
      %dma_start3A_212 = tpu.memref_slice %arg10[%dma_start3A_210, %dma_start3A_211] : memref<32x64xf32, #tpu.memory_space<vmem>> -> memref<1x64xf32, #tpu.memory_space<vmem>>
      %dma_start3A_213 = arith.constant 0 : i32
      %dma_start3A_214 = tpu.memref_slice %arg5[%squeeze3A_204, %dma_start3A_213] : memref<1000000x64xf32, #tpu.memory_space<hbm>> -> memref<1x64xf32, #tpu.memory_space<hbm>>
      tpu.enqueue_dma source(%dma_start3A_214 : memref<1x64xf32, #tpu.memory_space<hbm>>) target(%dma_start3A_212 : memref<1x64xf32, #tpu.memory_space<vmem>>) target_semaphore(%arg14 : memref<!tpu.dma_semaphore, #tpu.memory_space<semaphore_mem>>)
      %slice3A_215 = vector.extract_strided_slice %get3A_19 {offsets = [8], sizes = [1], strides = [1]} : vector<16xi32> to vector<1xi32>
      %squeeze3A_216 = vector.extract %slice3A_215[0] : i32 from vector<1xi32>
      %dma_start3A_217 = arith.constant 8 : i32
      %dma_start3A_218 = arith.constant 0 : i32
      %dma_start3A_219 = tpu.memref_slice %arg9[%dma_start3A_217, %dma_start3A_218] : memref<32x64xf32, #tpu.memory_space<vmem>> -> memref<1x64xf32, #tpu.memory_space<vmem>>
      %dma_start3A_220 = arith.constant 0 : i32
      %dma_start3A_221 = tpu.memref_slice %arg4[%squeeze3A_216, %dma_start3A_220] : memref<1000000x64xf32, #tpu.memory_space<hbm>> -> memref<1x64xf32, #tpu.memory_space<hbm>>
      %dma_start3A_222 = arith.constant 8 : i32
      %dma_start3A_223 = arith.constant 0 : i32
      %dma_start3A_224 = tpu.memref_slice %arg9[%dma_start3A_222, %dma_start3A_223] : memref<32x64xf32, #tpu.memory_space<vmem>> -> memref<1x64xf32, #tpu.memory_space<vmem>>
      %dma_start3A_225 = arith.constant 0 : i32
      %dma_start3A_226 = tpu.memref_slice %arg4[%squeeze3A_216, %dma_start3A_225] : memref<1000000x64xf32, #tpu.memory_space<hbm>> -> memref<1x64xf32, #tpu.memory_space<hbm>>
      tpu.enqueue_dma source(%dma_start3A_226 : memref<1x64xf32, #tpu.memory_space<hbm>>) target(%dma_start3A_224 : memref<1x64xf32, #tpu.memory_space<vmem>>) target_semaphore(%arg13 : memref<!tpu.dma_semaphore, #tpu.memory_space<semaphore_mem>>)
      %slice3A_227 = vector.extract_strided_slice %get3A_25 {offsets = [8], sizes = [1], strides = [1]} : vector<16xi32> to vector<1xi32>
      %squeeze3A_228 = vector.extract %slice3A_227[0] : i32 from vector<1xi32>
      %dma_start3A_229 = arith.constant 8 : i32
      %dma_start3A_230 = arith.constant 0 : i32
      %dma_start3A_231 = tpu.memref_slice %arg10[%dma_start3A_229, %dma_start3A_230] : memref<32x64xf32, #tpu.memory_space<vmem>> -> memref<1x64xf32, #tpu.memory_space<vmem>>
      %dma_start3A_232 = arith.constant 0 : i32
      %dma_start3A_233 = tpu.memref_slice %arg5[%squeeze3A_228, %dma_start3A_232] : memref<1000000x64xf32, #tpu.memory_space<hbm>> -> memref<1x64xf32, #tpu.memory_space<hbm>>
      %dma_start3A_234 = arith.constant 8 : i32
      %dma_start3A_235 = arith.constant 0 : i32
      %dma_start3A_236 = tpu.memref_slice %arg10[%dma_start3A_234, %dma_start3A_235] : memref<32x64xf32, #tpu.memory_space<vmem>> -> memref<1x64xf32, #tpu.memory_space<vmem>>
      %dma_start3A_237 = arith.constant 0 : i32
      %dma_start3A_238 = tpu.memref_slice %arg5[%squeeze3A_228, %dma_start3A_237] : memref<1000000x64xf32, #tpu.memory_space<hbm>> -> memref<1x64xf32, #tpu.memory_space<hbm>>
      tpu.enqueue_dma source(%dma_start3A_238 : memref<1x64xf32, #tpu.memory_space<hbm>>) target(%dma_start3A_236 : memref<1x64xf32, #tpu.memory_space<vmem>>) target_semaphore(%arg14 : memref<!tpu.dma_semaphore, #tpu.memory_space<semaphore_mem>>)
      %slice3A_239 = vector.extract_strided_slice %get3A_19 {offsets = [9], sizes = [1], strides = [1]} : vector<16xi32> to vector<1xi32>
      %squeeze3A_240 = vector.extract %slice3A_239[0] : i32 from vector<1xi32>
      %dma_start3A_241 = arith.constant 9 : i32
      %dma_start3A_242 = arith.constant 0 : i32
      %dma_start3A_243 = tpu.memref_slice %arg9[%dma_start3A_241, %dma_start3A_242] : memref<32x64xf32, #tpu.memory_space<vmem>> -> memref<1x64xf32, #tpu.memory_space<vmem>>
      %dma_start3A_244 = arith.constant 0 : i32
      %dma_start3A_245 = tpu.memref_slice %arg4[%squeeze3A_240, %dma_start3A_244] : memref<1000000x64xf32, #tpu.memory_space<hbm>> -> memref<1x64xf32, #tpu.memory_space<hbm>>
      %dma_start3A_246 = arith.constant 9 : i32
      %dma_start3A_247 = arith.constant 0 : i32
      %dma_start3A_248 = tpu.memref_slice %arg9[%dma_start3A_246, %dma_start3A_247] : memref<32x64xf32, #tpu.memory_space<vmem>> -> memref<1x64xf32, #tpu.memory_space<vmem>>
      %dma_start3A_249 = arith.constant 0 : i32
      %dma_start3A_250 = tpu.memref_slice %arg4[%squeeze3A_240, %dma_start3A_249] : memref<1000000x64xf32, #tpu.memory_space<hbm>> -> memref<1x64xf32, #tpu.memory_space<hbm>>
      tpu.enqueue_dma source(%dma_start3A_250 : memref<1x64xf32, #tpu.memory_space<hbm>>) target(%dma_start3A_248 : memref<1x64xf32, #tpu.memory_space<vmem>>) target_semaphore(%arg13 : memref<!tpu.dma_semaphore, #tpu.memory_space<semaphore_mem>>)
      %slice3A_251 = vector.extract_strided_slice %get3A_25 {offsets = [9], sizes = [1], strides = [1]} : vector<16xi32> to vector<1xi32>
      %squeeze3A_252 = vector.extract %slice3A_251[0] : i32 from vector<1xi32>
      %dma_start3A_253 = arith.constant 9 : i32
      %dma_start3A_254 = arith.constant 0 : i32
      %dma_start3A_255 = tpu.memref_slice %arg10[%dma_start3A_253, %dma_start3A_254] : memref<32x64xf32, #tpu.memory_space<vmem>> -> memref<1x64xf32, #tpu.memory_space<vmem>>
      %dma_start3A_256 = arith.constant 0 : i32
      %dma_start3A_257 = tpu.memref_slice %arg5[%squeeze3A_252, %dma_start3A_256] : memref<1000000x64xf32, #tpu.memory_space<hbm>> -> memref<1x64xf32, #tpu.memory_space<hbm>>
      %dma_start3A_258 = arith.constant 9 : i32
      %dma_start3A_259 = arith.constant 0 : i32
      %dma_start3A_260 = tpu.memref_slice %arg10[%dma_start3A_258, %dma_start3A_259] : memref<32x64xf32, #tpu.memory_space<vmem>> -> memref<1x64xf32, #tpu.memory_space<vmem>>
      %dma_start3A_261 = arith.constant 0 : i32
      %dma_start3A_262 = tpu.memref_slice %arg5[%squeeze3A_252, %dma_start3A_261] : memref<1000000x64xf32, #tpu.memory_space<hbm>> -> memref<1x64xf32, #tpu.memory_space<hbm>>
      tpu.enqueue_dma source(%dma_start3A_262 : memref<1x64xf32, #tpu.memory_space<hbm>>) target(%dma_start3A_260 : memref<1x64xf32, #tpu.memory_space<vmem>>) target_semaphore(%arg14 : memref<!tpu.dma_semaphore, #tpu.memory_space<semaphore_mem>>)
      %slice3A_263 = vector.extract_strided_slice %get3A_19 {offsets = [10], sizes = [1], strides = [1]} : vector<16xi32> to vector<1xi32>
      %squeeze3A_264 = vector.extract %slice3A_263[0] : i32 from vector<1xi32>
      %dma_start3A_265 = arith.constant 10 : i32
      %dma_start3A_266 = arith.constant 0 : i32
      %dma_start3A_267 = tpu.memref_slice %arg9[%dma_start3A_265, %dma_start3A_266] : memref<32x64xf32, #tpu.memory_space<vmem>> -> memref<1x64xf32, #tpu.memory_space<vmem>>
      %dma_start3A_268 = arith.constant 0 : i32
      %dma_start3A_269 = tpu.memref_slice %arg4[%squeeze3A_264, %dma_start3A_268] : memref<1000000x64xf32, #tpu.memory_space<hbm>> -> memref<1x64xf32, #tpu.memory_space<hbm>>
      %dma_start3A_270 = arith.constant 10 : i32
      %dma_start3A_271 = arith.constant 0 : i32
      %dma_start3A_272 = tpu.memref_slice %arg9[%dma_start3A_270, %dma_start3A_271] : memref<32x64xf32, #tpu.memory_space<vmem>> -> memref<1x64xf32, #tpu.memory_space<vmem>>
      %dma_start3A_273 = arith.constant 0 : i32
      %dma_start3A_274 = tpu.memref_slice %arg4[%squeeze3A_264, %dma_start3A_273] : memref<1000000x64xf32, #tpu.memory_space<hbm>> -> memref<1x64xf32, #tpu.memory_space<hbm>>
      tpu.enqueue_dma source(%dma_start3A_274 : memref<1x64xf32, #tpu.memory_space<hbm>>) target(%dma_start3A_272 : memref<1x64xf32, #tpu.memory_space<vmem>>) target_semaphore(%arg13 : memref<!tpu.dma_semaphore, #tpu.memory_space<semaphore_mem>>)
      %slice3A_275 = vector.extract_strided_slice %get3A_25 {offsets = [10], sizes = [1], strides = [1]} : vector<16xi32> to vector<1xi32>
      %squeeze3A_276 = vector.extract %slice3A_275[0] : i32 from vector<1xi32>
      %dma_start3A_277 = arith.constant 10 : i32
      %dma_start3A_278 = arith.constant 0 : i32
      %dma_start3A_279 = tpu.memref_slice %arg10[%dma_start3A_277, %dma_start3A_278] : memref<32x64xf32, #tpu.memory_space<vmem>> -> memref<1x64xf32, #tpu.memory_space<vmem>>
      %dma_start3A_280 = arith.constant 0 : i32
      %dma_start3A_281 = tpu.memref_slice %arg5[%squeeze3A_276, %dma_start3A_280] : memref<1000000x64xf32, #tpu.memory_space<hbm>> -> memref<1x64xf32, #tpu.memory_space<hbm>>
      %dma_start3A_282 = arith.constant 10 : i32
      %dma_start3A_283 = arith.constant 0 : i32
      %dma_start3A_284 = tpu.memref_slice %arg10[%dma_start3A_282, %dma_start3A_283] : memref<32x64xf32, #tpu.memory_space<vmem>> -> memref<1x64xf32, #tpu.memory_space<vmem>>
      %dma_start3A_285 = arith.constant 0 : i32
      %dma_start3A_286 = tpu.memref_slice %arg5[%squeeze3A_276, %dma_start3A_285] : memref<1000000x64xf32, #tpu.memory_space<hbm>> -> memref<1x64xf32, #tpu.memory_space<hbm>>
      tpu.enqueue_dma source(%dma_start3A_286 : memref<1x64xf32, #tpu.memory_space<hbm>>) target(%dma_start3A_284 : memref<1x64xf32, #tpu.memory_space<vmem>>) target_semaphore(%arg14 : memref<!tpu.dma_semaphore, #tpu.memory_space<semaphore_mem>>)
      %slice3A_287 = vector.extract_strided_slice %get3A_19 {offsets = [11], sizes = [1], strides = [1]} : vector<16xi32> to vector<1xi32>
      %squeeze3A_288 = vector.extract %slice3A_287[0] : i32 from vector<1xi32>
      %dma_start3A_289 = arith.constant 11 : i32
      %dma_start3A_290 = arith.constant 0 : i32
      %dma_start3A_291 = tpu.memref_slice %arg9[%dma_start3A_289, %dma_start3A_290] : memref<32x64xf32, #tpu.memory_space<vmem>> -> memref<1x64xf32, #tpu.memory_space<vmem>>
      %dma_start3A_292 = arith.constant 0 : i32
      %dma_start3A_293 = tpu.memref_slice %arg4[%squeeze3A_288, %dma_start3A_292] : memref<1000000x64xf32, #tpu.memory_space<hbm>> -> memref<1x64xf32, #tpu.memory_space<hbm>>
      %dma_start3A_294 = arith.constant 11 : i32
      %dma_start3A_295 = arith.constant 0 : i32
      %dma_start3A_296 = tpu.memref_slice %arg9[%dma_start3A_294, %dma_start3A_295] : memref<32x64xf32, #tpu.memory_space<vmem>> -> memref<1x64xf32, #tpu.memory_space<vmem>>
      %dma_start3A_297 = arith.constant 0 : i32
      %dma_start3A_298 = tpu.memref_slice %arg4[%squeeze3A_288, %dma_start3A_297] : memref<1000000x64xf32, #tpu.memory_space<hbm>> -> memref<1x64xf32, #tpu.memory_space<hbm>>
      tpu.enqueue_dma source(%dma_start3A_298 : memref<1x64xf32, #tpu.memory_space<hbm>>) target(%dma_start3A_296 : memref<1x64xf32, #tpu.memory_space<vmem>>) target_semaphore(%arg13 : memref<!tpu.dma_semaphore, #tpu.memory_space<semaphore_mem>>)
      %slice3A_299 = vector.extract_strided_slice %get3A_25 {offsets = [11], sizes = [1], strides = [1]} : vector<16xi32> to vector<1xi32>
      %squeeze3A_300 = vector.extract %slice3A_299[0] : i32 from vector<1xi32>
      %dma_start3A_301 = arith.constant 11 : i32
      %dma_start3A_302 = arith.constant 0 : i32
      %dma_start3A_303 = tpu.memref_slice %arg10[%dma_start3A_301, %dma_start3A_302] : memref<32x64xf32, #tpu.memory_space<vmem>> -> memref<1x64xf32, #tpu.memory_space<vmem>>
      %dma_start3A_304 = arith.constant 0 : i32
      %dma_start3A_305 = tpu.memref_slice %arg5[%squeeze3A_300, %dma_start3A_304] : memref<1000000x64xf32, #tpu.memory_space<hbm>> -> memref<1x64xf32, #tpu.memory_space<hbm>>
      %dma_start3A_306 = arith.constant 11 : i32
      %dma_start3A_307 = arith.constant 0 : i32
      %dma_start3A_308 = tpu.memref_slice %arg10[%dma_start3A_306, %dma_start3A_307] : memref<32x64xf32, #tpu.memory_space<vmem>> -> memref<1x64xf32, #tpu.memory_space<vmem>>
      %dma_start3A_309 = arith.constant 0 : i32
      %dma_start3A_310 = tpu.memref_slice %arg5[%squeeze3A_300, %dma_start3A_309] : memref<1000000x64xf32, #tpu.memory_space<hbm>> -> memref<1x64xf32, #tpu.memory_space<hbm>>
      tpu.enqueue_dma source(%dma_start3A_310 : memref<1x64xf32, #tpu.memory_space<hbm>>) target(%dma_start3A_308 : memref<1x64xf32, #tpu.memory_space<vmem>>) target_semaphore(%arg14 : memref<!tpu.dma_semaphore, #tpu.memory_space<semaphore_mem>>)
      %slice3A_311 = vector.extract_strided_slice %get3A_19 {offsets = [12], sizes = [1], strides = [1]} : vector<16xi32> to vector<1xi32>
      %squeeze3A_312 = vector.extract %slice3A_311[0] : i32 from vector<1xi32>
      %dma_start3A_313 = arith.constant 12 : i32
      %dma_start3A_314 = arith.constant 0 : i32
      %dma_start3A_315 = tpu.memref_slice %arg9[%dma_start3A_313, %dma_start3A_314] : memref<32x64xf32, #tpu.memory_space<vmem>> -> memref<1x64xf32, #tpu.memory_space<vmem>>
      %dma_start3A_316 = arith.constant 0 : i32
      %dma_start3A_317 = tpu.memref_slice %arg4[%squeeze3A_312, %dma_start3A_316] : memref<1000000x64xf32, #tpu.memory_space<hbm>> -> memref<1x64xf32, #tpu.memory_space<hbm>>
      %dma_start3A_318 = arith.constant 12 : i32
      %dma_start3A_319 = arith.constant 0 : i32
      %dma_start3A_320 = tpu.memref_slice %arg9[%dma_start3A_318, %dma_start3A_319] : memref<32x64xf32, #tpu.memory_space<vmem>> -> memref<1x64xf32, #tpu.memory_space<vmem>>
      %dma_start3A_321 = arith.constant 0 : i32
      %dma_start3A_322 = tpu.memref_slice %arg4[%squeeze3A_312, %dma_start3A_321] : memref<1000000x64xf32, #tpu.memory_space<hbm>> -> memref<1x64xf32, #tpu.memory_space<hbm>>
      tpu.enqueue_dma source(%dma_start3A_322 : memref<1x64xf32, #tpu.memory_space<hbm>>) target(%dma_start3A_320 : memref<1x64xf32, #tpu.memory_space<vmem>>) target_semaphore(%arg13 : memref<!tpu.dma_semaphore, #tpu.memory_space<semaphore_mem>>)
      %slice3A_323 = vector.extract_strided_slice %get3A_25 {offsets = [12], sizes = [1], strides = [1]} : vector<16xi32> to vector<1xi32>
      %squeeze3A_324 = vector.extract %slice3A_323[0] : i32 from vector<1xi32>
      %dma_start3A_325 = arith.constant 12 : i32
      %dma_start3A_326 = arith.constant 0 : i32
      %dma_start3A_327 = tpu.memref_slice %arg10[%dma_start3A_325, %dma_start3A_326] : memref<32x64xf32, #tpu.memory_space<vmem>> -> memref<1x64xf32, #tpu.memory_space<vmem>>
      %dma_start3A_328 = arith.constant 0 : i32
      %dma_start3A_329 = tpu.memref_slice %arg5[%squeeze3A_324, %dma_start3A_328] : memref<1000000x64xf32, #tpu.memory_space<hbm>> -> memref<1x64xf32, #tpu.memory_space<hbm>>
      %dma_start3A_330 = arith.constant 12 : i32
      %dma_start3A_331 = arith.constant 0 : i32
      %dma_start3A_332 = tpu.memref_slice %arg10[%dma_start3A_330, %dma_start3A_331] : memref<32x64xf32, #tpu.memory_space<vmem>> -> memref<1x64xf32, #tpu.memory_space<vmem>>
      %dma_start3A_333 = arith.constant 0 : i32
      %dma_start3A_334 = tpu.memref_slice %arg5[%squeeze3A_324, %dma_start3A_333] : memref<1000000x64xf32, #tpu.memory_space<hbm>> -> memref<1x64xf32, #tpu.memory_space<hbm>>
      tpu.enqueue_dma source(%dma_start3A_334 : memref<1x64xf32, #tpu.memory_space<hbm>>) target(%dma_start3A_332 : memref<1x64xf32, #tpu.memory_space<vmem>>) target_semaphore(%arg14 : memref<!tpu.dma_semaphore, #tpu.memory_space<semaphore_mem>>)
      %slice3A_335 = vector.extract_strided_slice %get3A_19 {offsets = [13], sizes = [1], strides = [1]} : vector<16xi32> to vector<1xi32>
      %squeeze3A_336 = vector.extract %slice3A_335[0] : i32 from vector<1xi32>
      %dma_start3A_337 = arith.constant 13 : i32
      %dma_start3A_338 = arith.constant 0 : i32
      %dma_start3A_339 = tpu.memref_slice %arg9[%dma_start3A_337, %dma_start3A_338] : memref<32x64xf32, #tpu.memory_space<vmem>> -> memref<1x64xf32, #tpu.memory_space<vmem>>
      %dma_start3A_340 = arith.constant 0 : i32
      %dma_start3A_341 = tpu.memref_slice %arg4[%squeeze3A_336, %dma_start3A_340] : memref<1000000x64xf32, #tpu.memory_space<hbm>> -> memref<1x64xf32, #tpu.memory_space<hbm>>
      %dma_start3A_342 = arith.constant 13 : i32
      %dma_start3A_343 = arith.constant 0 : i32
      %dma_start3A_344 = tpu.memref_slice %arg9[%dma_start3A_342, %dma_start3A_343] : memref<32x64xf32, #tpu.memory_space<vmem>> -> memref<1x64xf32, #tpu.memory_space<vmem>>
      %dma_start3A_345 = arith.constant 0 : i32
      %dma_start3A_346 = tpu.memref_slice %arg4[%squeeze3A_336, %dma_start3A_345] : memref<1000000x64xf32, #tpu.memory_space<hbm>> -> memref<1x64xf32, #tpu.memory_space<hbm>>
      tpu.enqueue_dma source(%dma_start3A_346 : memref<1x64xf32, #tpu.memory_space<hbm>>) target(%dma_start3A_344 : memref<1x64xf32, #tpu.memory_space<vmem>>) target_semaphore(%arg13 : memref<!tpu.dma_semaphore, #tpu.memory_space<semaphore_mem>>)
      %slice3A_347 = vector.extract_strided_slice %get3A_25 {offsets = [13], sizes = [1], strides = [1]} : vector<16xi32> to vector<1xi32>
      %squeeze3A_348 = vector.extract %slice3A_347[0] : i32 from vector<1xi32>
      %dma_start3A_349 = arith.constant 13 : i32
      %dma_start3A_350 = arith.constant 0 : i32
      %dma_start3A_351 = tpu.memref_slice %arg10[%dma_start3A_349, %dma_start3A_350] : memref<32x64xf32, #tpu.memory_space<vmem>> -> memref<1x64xf32, #tpu.memory_space<vmem>>
      %dma_start3A_352 = arith.constant 0 : i32
      %dma_start3A_353 = tpu.memref_slice %arg5[%squeeze3A_348, %dma_start3A_352] : memref<1000000x64xf32, #tpu.memory_space<hbm>> -> memref<1x64xf32, #tpu.memory_space<hbm>>
      %dma_start3A_354 = arith.constant 13 : i32
      %dma_start3A_355 = arith.constant 0 : i32
      %dma_start3A_356 = tpu.memref_slice %arg10[%dma_start3A_354, %dma_start3A_355] : memref<32x64xf32, #tpu.memory_space<vmem>> -> memref<1x64xf32, #tpu.memory_space<vmem>>
      %dma_start3A_357 = arith.constant 0 : i32
      %dma_start3A_358 = tpu.memref_slice %arg5[%squeeze3A_348, %dma_start3A_357] : memref<1000000x64xf32, #tpu.memory_space<hbm>> -> memref<1x64xf32, #tpu.memory_space<hbm>>
      tpu.enqueue_dma source(%dma_start3A_358 : memref<1x64xf32, #tpu.memory_space<hbm>>) target(%dma_start3A_356 : memref<1x64xf32, #tpu.memory_space<vmem>>) target_semaphore(%arg14 : memref<!tpu.dma_semaphore, #tpu.memory_space<semaphore_mem>>)
      %slice3A_359 = vector.extract_strided_slice %get3A_19 {offsets = [14], sizes = [1], strides = [1]} : vector<16xi32> to vector<1xi32>
      %squeeze3A_360 = vector.extract %slice3A_359[0] : i32 from vector<1xi32>
      %dma_start3A_361 = arith.constant 14 : i32
      %dma_start3A_362 = arith.constant 0 : i32
      %dma_start3A_363 = tpu.memref_slice %arg9[%dma_start3A_361, %dma_start3A_362] : memref<32x64xf32, #tpu.memory_space<vmem>> -> memref<1x64xf32, #tpu.memory_space<vmem>>
      %dma_start3A_364 = arith.constant 0 : i32
      %dma_start3A_365 = tpu.memref_slice %arg4[%squeeze3A_360, %dma_start3A_364] : memref<1000000x64xf32, #tpu.memory_space<hbm>> -> memref<1x64xf32, #tpu.memory_space<hbm>>
      %dma_start3A_366 = arith.constant 14 : i32
      %dma_start3A_367 = arith.constant 0 : i32
      %dma_start3A_368 = tpu.memref_slice %arg9[%dma_start3A_366, %dma_start3A_367] : memref<32x64xf32, #tpu.memory_space<vmem>> -> memref<1x64xf32, #tpu.memory_space<vmem>>
      %dma_start3A_369 = arith.constant 0 : i32
      %dma_start3A_370 = tpu.memref_slice %arg4[%squeeze3A_360, %dma_start3A_369] : memref<1000000x64xf32, #tpu.memory_space<hbm>> -> memref<1x64xf32, #tpu.memory_space<hbm>>
      tpu.enqueue_dma source(%dma_start3A_370 : memref<1x64xf32, #tpu.memory_space<hbm>>) target(%dma_start3A_368 : memref<1x64xf32, #tpu.memory_space<vmem>>) target_semaphore(%arg13 : memref<!tpu.dma_semaphore, #tpu.memory_space<semaphore_mem>>)
      %slice3A_371 = vector.extract_strided_slice %get3A_25 {offsets = [14], sizes = [1], strides = [1]} : vector<16xi32> to vector<1xi32>
      %squeeze3A_372 = vector.extract %slice3A_371[0] : i32 from vector<1xi32>
      %dma_start3A_373 = arith.constant 14 : i32
      %dma_start3A_374 = arith.constant 0 : i32
      %dma_start3A_375 = tpu.memref_slice %arg10[%dma_start3A_373, %dma_start3A_374] : memref<32x64xf32, #tpu.memory_space<vmem>> -> memref<1x64xf32, #tpu.memory_space<vmem>>
      %dma_start3A_376 = arith.constant 0 : i32
      %dma_start3A_377 = tpu.memref_slice %arg5[%squeeze3A_372, %dma_start3A_376] : memref<1000000x64xf32, #tpu.memory_space<hbm>> -> memref<1x64xf32, #tpu.memory_space<hbm>>
      %dma_start3A_378 = arith.constant 14 : i32
      %dma_start3A_379 = arith.constant 0 : i32
      %dma_start3A_380 = tpu.memref_slice %arg10[%dma_start3A_378, %dma_start3A_379] : memref<32x64xf32, #tpu.memory_space<vmem>> -> memref<1x64xf32, #tpu.memory_space<vmem>>
      %dma_start3A_381 = arith.constant 0 : i32
      %dma_start3A_382 = tpu.memref_slice %arg5[%squeeze3A_372, %dma_start3A_381] : memref<1000000x64xf32, #tpu.memory_space<hbm>> -> memref<1x64xf32, #tpu.memory_space<hbm>>
      tpu.enqueue_dma source(%dma_start3A_382 : memref<1x64xf32, #tpu.memory_space<hbm>>) target(%dma_start3A_380 : memref<1x64xf32, #tpu.memory_space<vmem>>) target_semaphore(%arg14 : memref<!tpu.dma_semaphore, #tpu.memory_space<semaphore_mem>>)
      %slice3A_383 = vector.extract_strided_slice %get3A_19 {offsets = [15], sizes = [1], strides = [1]} : vector<16xi32> to vector<1xi32>
      %squeeze3A_384 = vector.extract %slice3A_383[0] : i32 from vector<1xi32>
      %dma_start3A_385 = arith.constant 15 : i32
      %dma_start3A_386 = arith.constant 0 : i32
      %dma_start3A_387 = tpu.memref_slice %arg9[%dma_start3A_385, %dma_start3A_386] : memref<32x64xf32, #tpu.memory_space<vmem>> -> memref<1x64xf32, #tpu.memory_space<vmem>>
      %dma_start3A_388 = arith.constant 0 : i32
      %dma_start3A_389 = tpu.memref_slice %arg4[%squeeze3A_384, %dma_start3A_388] : memref<1000000x64xf32, #tpu.memory_space<hbm>> -> memref<1x64xf32, #tpu.memory_space<hbm>>
      %dma_start3A_390 = arith.constant 15 : i32
      %dma_start3A_391 = arith.constant 0 : i32
      %dma_start3A_392 = tpu.memref_slice %arg9[%dma_start3A_390, %dma_start3A_391] : memref<32x64xf32, #tpu.memory_space<vmem>> -> memref<1x64xf32, #tpu.memory_space<vmem>>
      %dma_start3A_393 = arith.constant 0 : i32
      %dma_start3A_394 = tpu.memref_slice %arg4[%squeeze3A_384, %dma_start3A_393] : memref<1000000x64xf32, #tpu.memory_space<hbm>> -> memref<1x64xf32, #tpu.memory_space<hbm>>
      tpu.enqueue_dma source(%dma_start3A_394 : memref<1x64xf32, #tpu.memory_space<hbm>>) target(%dma_start3A_392 : memref<1x64xf32, #tpu.memory_space<vmem>>) target_semaphore(%arg13 : memref<!tpu.dma_semaphore, #tpu.memory_space<semaphore_mem>>)
      %slice3A_395 = vector.extract_strided_slice %get3A_25 {offsets = [15], sizes = [1], strides = [1]} : vector<16xi32> to vector<1xi32>
      %squeeze3A_396 = vector.extract %slice3A_395[0] : i32 from vector<1xi32>
      %dma_start3A_397 = arith.constant 15 : i32
      %dma_start3A_398 = arith.constant 0 : i32
      %dma_start3A_399 = tpu.memref_slice %arg10[%dma_start3A_397, %dma_start3A_398] : memref<32x64xf32, #tpu.memory_space<vmem>> -> memref<1x64xf32, #tpu.memory_space<vmem>>
      %dma_start3A_400 = arith.constant 0 : i32
      %dma_start3A_401 = tpu.memref_slice %arg5[%squeeze3A_396, %dma_start3A_400] : memref<1000000x64xf32, #tpu.memory_space<hbm>> -> memref<1x64xf32, #tpu.memory_space<hbm>>
      %dma_start3A_402 = arith.constant 15 : i32
      %dma_start3A_403 = arith.constant 0 : i32
      %dma_start3A_404 = tpu.memref_slice %arg10[%dma_start3A_402, %dma_start3A_403] : memref<32x64xf32, #tpu.memory_space<vmem>> -> memref<1x64xf32, #tpu.memory_space<vmem>>
      %dma_start3A_405 = arith.constant 0 : i32
      %dma_start3A_406 = tpu.memref_slice %arg5[%squeeze3A_396, %dma_start3A_405] : memref<1000000x64xf32, #tpu.memory_space<hbm>> -> memref<1x64xf32, #tpu.memory_space<hbm>>
      tpu.enqueue_dma source(%dma_start3A_406 : memref<1x64xf32, #tpu.memory_space<hbm>>) target(%dma_start3A_404 : memref<1x64xf32, #tpu.memory_space<vmem>>) target_semaphore(%arg14 : memref<!tpu.dma_semaphore, #tpu.memory_space<semaphore_mem>>)
      %mul3A_407 = arith.constant 32 : i32
      %mul3A_408 = arith.muli %scan3A_14, %mul3A_407 : i32
      %add3A_409 = arith.constant 16 : i32
      %add3A_410 = arith.addi %mul3A_408, %add3A_409 : i32
      %get3A_411 = arith.index_cast %add3A_410 : i32 to index
      %get3A_412 = tpu.vector_load %arg7[%get3A_411] {strides = array<i32>} : memref<512xi32, #tpu.memory_space<vmem>>, vector<16xi32>,
      %mul3A_413 = arith.constant 32 : i32
      %mul3A_414 = arith.muli %scan3A_14, %mul3A_413 : i32
      %add3A_415 = arith.constant 16 : i32
      %add3A_416 = arith.addi %mul3A_414, %add3A_415 : i32
      %get3A_417 = arith.index_cast %add3A_416 : i32 to index
      %get3A_418 = tpu.vector_load %arg8[%get3A_417] {strides = array<i32>} : memref<512xi32, #tpu.memory_space<vmem>>, vector<16xi32>,
      %slice3A_419 = vector.extract_strided_slice %get3A_412 {offsets = [0], sizes = [1], strides = [1]} : vector<16xi32> to vector<1xi32>
      %squeeze3A_420 = vector.extract %slice3A_419[0] : i32 from vector<1xi32>
      %dma_start3A_421 = arith.constant 16 : i32
      %dma_start3A_422 = arith.constant 0 : i32
      %dma_start3A_423 = tpu.memref_slice %arg9[%dma_start3A_421, %dma_start3A_422] : memref<32x64xf32, #tpu.memory_space<vmem>> -> memref<1x64xf32, #tpu.memory_space<vmem>>
      %dma_start3A_424 = arith.constant 0 : i32
      %dma_start3A_425 = tpu.memref_slice %arg4[%squeeze3A_420, %dma_start3A_424] : memref<1000000x64xf32, #tpu.memory_space<hbm>> -> memref<1x64xf32, #tpu.memory_space<hbm>>
      %dma_start3A_426 = arith.constant 16 : i32
      %dma_start3A_427 = arith.constant 0 : i32
      %dma_start3A_428 = tpu.memref_slice %arg9[%dma_start3A_426, %dma_start3A_427] : memref<32x64xf32, #tpu.memory_space<vmem>> -> memref<1x64xf32, #tpu.memory_space<vmem>>
      %dma_start3A_429 = arith.constant 0 : i32
      %dma_start3A_430 = tpu.memref_slice %arg4[%squeeze3A_420, %dma_start3A_429] : memref<1000000x64xf32, #tpu.memory_space<hbm>> -> memref<1x64xf32, #tpu.memory_space<hbm>>
      tpu.enqueue_dma source(%dma_start3A_430 : memref<1x64xf32, #tpu.memory_space<hbm>>) target(%dma_start3A_428 : memref<1x64xf32, #tpu.memory_space<vmem>>) target_semaphore(%arg13 : memref<!tpu.dma_semaphore, #tpu.memory_space<semaphore_mem>>)
      %slice3A_431 = vector.extract_strided_slice %get3A_418 {offsets = [0], sizes = [1], strides = [1]} : vector<16xi32> to vector<1xi32>
      %squeeze3A_432 = vector.extract %slice3A_431[0] : i32 from vector<1xi32>
      %dma_start3A_433 = arith.constant 16 : i32
      %dma_start3A_434 = arith.constant 0 : i32
      %dma_start3A_435 = tpu.memref_slice %arg10[%dma_start3A_433, %dma_start3A_434] : memref<32x64xf32, #tpu.memory_space<vmem>> -> memref<1x64xf32, #tpu.memory_space<vmem>>
      %dma_start3A_436 = arith.constant 0 : i32
      %dma_start3A_437 = tpu.memref_slice %arg5[%squeeze3A_432, %dma_start3A_436] : memref<1000000x64xf32, #tpu.memory_space<hbm>> -> memref<1x64xf32, #tpu.memory_space<hbm>>
      %dma_start3A_438 = arith.constant 16 : i32
      %dma_start3A_439 = arith.constant 0 : i32
      %dma_start3A_440 = tpu.memref_slice %arg10[%dma_start3A_438, %dma_start3A_439] : memref<32x64xf32, #tpu.memory_space<vmem>> -> memref<1x64xf32, #tpu.memory_space<vmem>>
      %dma_start3A_441 = arith.constant 0 : i32
      %dma_start3A_442 = tpu.memref_slice %arg5[%squeeze3A_432, %dma_start3A_441] : memref<1000000x64xf32, #tpu.memory_space<hbm>> -> memref<1x64xf32, #tpu.memory_space<hbm>>
      tpu.enqueue_dma source(%dma_start3A_442 : memref<1x64xf32, #tpu.memory_space<hbm>>) target(%dma_start3A_440 : memref<1x64xf32, #tpu.memory_space<vmem>>) target_semaphore(%arg14 : memref<!tpu.dma_semaphore, #tpu.memory_space<semaphore_mem>>)
      %slice3A_443 = vector.extract_strided_slice %get3A_412 {offsets = [1], sizes = [1], strides = [1]} : vector<16xi32> to vector<1xi32>
      %squeeze3A_444 = vector.extract %slice3A_443[0] : i32 from vector<1xi32>
      %dma_start3A_445 = arith.constant 17 : i32
      %dma_start3A_446 = arith.constant 0 : i32
      %dma_start3A_447 = tpu.memref_slice %arg9[%dma_start3A_445, %dma_start3A_446] : memref<32x64xf32, #tpu.memory_space<vmem>> -> memref<1x64xf32, #tpu.memory_space<vmem>>
      %dma_start3A_448 = arith.constant 0 : i32
      %dma_start3A_449 = tpu.memref_slice %arg4[%squeeze3A_444, %dma_start3A_448] : memref<1000000x64xf32, #tpu.memory_space<hbm>> -> memref<1x64xf32, #tpu.memory_space<hbm>>
      %dma_start3A_450 = arith.constant 17 : i32
      %dma_start3A_451 = arith.constant 0 : i32
      %dma_start3A_452 = tpu.memref_slice %arg9[%dma_start3A_450, %dma_start3A_451] : memref<32x64xf32, #tpu.memory_space<vmem>> -> memref<1x64xf32, #tpu.memory_space<vmem>>
      %dma_start3A_453 = arith.constant 0 : i32
      %dma_start3A_454 = tpu.memref_slice %arg4[%squeeze3A_444, %dma_start3A_453] : memref<1000000x64xf32, #tpu.memory_space<hbm>> -> memref<1x64xf32, #tpu.memory_space<hbm>>
      tpu.enqueue_dma source(%dma_start3A_454 : memref<1x64xf32, #tpu.memory_space<hbm>>) target(%dma_start3A_452 : memref<1x64xf32, #tpu.memory_space<vmem>>) target_semaphore(%arg13 : memref<!tpu.dma_semaphore, #tpu.memory_space<semaphore_mem>>)
      %slice3A_455 = vector.extract_strided_slice %get3A_418 {offsets = [1], sizes = [1], strides = [1]} : vector<16xi32> to vector<1xi32>
      %squeeze3A_456 = vector.extract %slice3A_455[0] : i32 from vector<1xi32>
      %dma_start3A_457 = arith.constant 17 : i32
      %dma_start3A_458 = arith.constant 0 : i32
      %dma_start3A_459 = tpu.memref_slice %arg10[%dma_start3A_457, %dma_start3A_458] : memref<32x64xf32, #tpu.memory_space<vmem>> -> memref<1x64xf32, #tpu.memory_space<vmem>>
      %dma_start3A_460 = arith.constant 0 : i32
      %dma_start3A_461 = tpu.memref_slice %arg5[%squeeze3A_456, %dma_start3A_460] : memref<1000000x64xf32, #tpu.memory_space<hbm>> -> memref<1x64xf32, #tpu.memory_space<hbm>>
      %dma_start3A_462 = arith.constant 17 : i32
      %dma_start3A_463 = arith.constant 0 : i32
      %dma_start3A_464 = tpu.memref_slice %arg10[%dma_start3A_462, %dma_start3A_463] : memref<32x64xf32, #tpu.memory_space<vmem>> -> memref<1x64xf32, #tpu.memory_space<vmem>>
      %dma_start3A_465 = arith.constant 0 : i32
      %dma_start3A_466 = tpu.memref_slice %arg5[%squeeze3A_456, %dma_start3A_465] : memref<1000000x64xf32, #tpu.memory_space<hbm>> -> memref<1x64xf32, #tpu.memory_space<hbm>>
      tpu.enqueue_dma source(%dma_start3A_466 : memref<1x64xf32, #tpu.memory_space<hbm>>) target(%dma_start3A_464 : memref<1x64xf32, #tpu.memory_space<vmem>>) target_semaphore(%arg14 : memref<!tpu.dma_semaphore, #tpu.memory_space<semaphore_mem>>)
      %slice3A_467 = vector.extract_strided_slice %get3A_412 {offsets = [2], sizes = [1], strides = [1]} : vector<16xi32> to vector<1xi32>
      %squeeze3A_468 = vector.extract %slice3A_467[0] : i32 from vector<1xi32>
      %dma_start3A_469 = arith.constant 18 : i32
      %dma_start3A_470 = arith.constant 0 : i32
      %dma_start3A_471 = tpu.memref_slice %arg9[%dma_start3A_469, %dma_start3A_470] : memref<32x64xf32, #tpu.memory_space<vmem>> -> memref<1x64xf32, #tpu.memory_space<vmem>>
      %dma_start3A_472 = arith.constant 0 : i32
      %dma_start3A_473 = tpu.memref_slice %arg4[%squeeze3A_468, %dma_start3A_472] : memref<1000000x64xf32, #tpu.memory_space<hbm>> -> memref<1x64xf32, #tpu.memory_space<hbm>>
      %dma_start3A_474 = arith.constant 18 : i32
      %dma_start3A_475 = arith.constant 0 : i32
      %dma_start3A_476 = tpu.memref_slice %arg9[%dma_start3A_474, %dma_start3A_475] : memref<32x64xf32, #tpu.memory_space<vmem>> -> memref<1x64xf32, #tpu.memory_space<vmem>>
      %dma_start3A_477 = arith.constant 0 : i32
      %dma_start3A_478 = tpu.memref_slice %arg4[%squeeze3A_468, %dma_start3A_477] : memref<1000000x64xf32, #tpu.memory_space<hbm>> -> memref<1x64xf32, #tpu.memory_space<hbm>>
      tpu.enqueue_dma source(%dma_start3A_478 : memref<1x64xf32, #tpu.memory_space<hbm>>) target(%dma_start3A_476 : memref<1x64xf32, #tpu.memory_space<vmem>>) target_semaphore(%arg13 : memref<!tpu.dma_semaphore, #tpu.memory_space<semaphore_mem>>)
      %slice3A_479 = vector.extract_strided_slice %get3A_418 {offsets = [2], sizes = [1], strides = [1]} : vector<16xi32> to vector<1xi32>
      %squeeze3A_480 = vector.extract %slice3A_479[0] : i32 from vector<1xi32>
      %dma_start3A_481 = arith.constant 18 : i32
      %dma_start3A_482 = arith.constant 0 : i32
      %dma_start3A_483 = tpu.memref_slice %arg10[%dma_start3A_481, %dma_start3A_482] : memref<32x64xf32, #tpu.memory_space<vmem>> -> memref<1x64xf32, #tpu.memory_space<vmem>>
      %dma_start3A_484 = arith.constant 0 : i32
      %dma_start3A_485 = tpu.memref_slice %arg5[%squeeze3A_480, %dma_start3A_484] : memref<1000000x64xf32, #tpu.memory_space<hbm>> -> memref<1x64xf32, #tpu.memory_space<hbm>>
      %dma_start3A_486 = arith.constant 18 : i32
      %dma_start3A_487 = arith.constant 0 : i32
      %dma_start3A_488 = tpu.memref_slice %arg10[%dma_start3A_486, %dma_start3A_487] : memref<32x64xf32, #tpu.memory_space<vmem>> -> memref<1x64xf32, #tpu.memory_space<vmem>>
      %dma_start3A_489 = arith.constant 0 : i32
      %dma_start3A_490 = tpu.memref_slice %arg5[%squeeze3A_480, %dma_start3A_489] : memref<1000000x64xf32, #tpu.memory_space<hbm>> -> memref<1x64xf32, #tpu.memory_space<hbm>>
      tpu.enqueue_dma source(%dma_start3A_490 : memref<1x64xf32, #tpu.memory_space<hbm>>) target(%dma_start3A_488 : memref<1x64xf32, #tpu.memory_space<vmem>>) target_semaphore(%arg14 : memref<!tpu.dma_semaphore, #tpu.memory_space<semaphore_mem>>)
      %slice3A_491 = vector.extract_strided_slice %get3A_412 {offsets = [3], sizes = [1], strides = [1]} : vector<16xi32> to vector<1xi32>
      %squeeze3A_492 = vector.extract %slice3A_491[0] : i32 from vector<1xi32>
      %dma_start3A_493 = arith.constant 19 : i32
      %dma_start3A_494 = arith.constant 0 : i32
      %dma_start3A_495 = tpu.memref_slice %arg9[%dma_start3A_493, %dma_start3A_494] : memref<32x64xf32, #tpu.memory_space<vmem>> -> memref<1x64xf32, #tpu.memory_space<vmem>>
      %dma_start3A_496 = arith.constant 0 : i32
      %dma_start3A_497 = tpu.memref_slice %arg4[%squeeze3A_492, %dma_start3A_496] : memref<1000000x64xf32, #tpu.memory_space<hbm>> -> memref<1x64xf32, #tpu.memory_space<hbm>>
      %dma_start3A_498 = arith.constant 19 : i32
      %dma_start3A_499 = arith.constant 0 : i32
      %dma_start3A_500 = tpu.memref_slice %arg9[%dma_start3A_498, %dma_start3A_499] : memref<32x64xf32, #tpu.memory_space<vmem>> -> memref<1x64xf32, #tpu.memory_space<vmem>>
      %dma_start3A_501 = arith.constant 0 : i32
      %dma_start3A_502 = tpu.memref_slice %arg4[%squeeze3A_492, %dma_start3A_501] : memref<1000000x64xf32, #tpu.memory_space<hbm>> -> memref<1x64xf32, #tpu.memory_space<hbm>>
      tpu.enqueue_dma source(%dma_start3A_502 : memref<1x64xf32, #tpu.memory_space<hbm>>) target(%dma_start3A_500 : memref<1x64xf32, #tpu.memory_space<vmem>>) target_semaphore(%arg13 : memref<!tpu.dma_semaphore, #tpu.memory_space<semaphore_mem>>)
      %slice3A_503 = vector.extract_strided_slice %get3A_418 {offsets = [3], sizes = [1], strides = [1]} : vector<16xi32> to vector<1xi32>
      %squeeze3A_504 = vector.extract %slice3A_503[0] : i32 from vector<1xi32>
      %dma_start3A_505 = arith.constant 19 : i32
      %dma_start3A_506 = arith.constant 0 : i32
      %dma_start3A_507 = tpu.memref_slice %arg10[%dma_start3A_505, %dma_start3A_506] : memref<32x64xf32, #tpu.memory_space<vmem>> -> memref<1x64xf32, #tpu.memory_space<vmem>>
      %dma_start3A_508 = arith.constant 0 : i32
      %dma_start3A_509 = tpu.memref_slice %arg5[%squeeze3A_504, %dma_start3A_508] : memref<1000000x64xf32, #tpu.memory_space<hbm>> -> memref<1x64xf32, #tpu.memory_space<hbm>>
      %dma_start3A_510 = arith.constant 19 : i32
      %dma_start3A_511 = arith.constant 0 : i32
      %dma_start3A_512 = tpu.memref_slice %arg10[%dma_start3A_510, %dma_start3A_511] : memref<32x64xf32, #tpu.memory_space<vmem>> -> memref<1x64xf32, #tpu.memory_space<vmem>>
      %dma_start3A_513 = arith.constant 0 : i32
      %dma_start3A_514 = tpu.memref_slice %arg5[%squeeze3A_504, %dma_start3A_513] : memref<1000000x64xf32, #tpu.memory_space<hbm>> -> memref<1x64xf32, #tpu.memory_space<hbm>>
      tpu.enqueue_dma source(%dma_start3A_514 : memref<1x64xf32, #tpu.memory_space<hbm>>) target(%dma_start3A_512 : memref<1x64xf32, #tpu.memory_space<vmem>>) target_semaphore(%arg14 : memref<!tpu.dma_semaphore, #tpu.memory_space<semaphore_mem>>)
      %slice3A_515 = vector.extract_strided_slice %get3A_412 {offsets = [4], sizes = [1], strides = [1]} : vector<16xi32> to vector<1xi32>
      %squeeze3A_516 = vector.extract %slice3A_515[0] : i32 from vector<1xi32>
      %dma_start3A_517 = arith.constant 20 : i32
      %dma_start3A_518 = arith.constant 0 : i32
      %dma_start3A_519 = tpu.memref_slice %arg9[%dma_start3A_517, %dma_start3A_518] : memref<32x64xf32, #tpu.memory_space<vmem>> -> memref<1x64xf32, #tpu.memory_space<vmem>>
      %dma_start3A_520 = arith.constant 0 : i32
      %dma_start3A_521 = tpu.memref_slice %arg4[%squeeze3A_516, %dma_start3A_520] : memref<1000000x64xf32, #tpu.memory_space<hbm>> -> memref<1x64xf32, #tpu.memory_space<hbm>>
      %dma_start3A_522 = arith.constant 20 : i32
      %dma_start3A_523 = arith.constant 0 : i32
      %dma_start3A_524 = tpu.memref_slice %arg9[%dma_start3A_522, %dma_start3A_523] : memref<32x64xf32, #tpu.memory_space<vmem>> -> memref<1x64xf32, #tpu.memory_space<vmem>>
      %dma_start3A_525 = arith.constant 0 : i32
      %dma_start3A_526 = tpu.memref_slice %arg4[%squeeze3A_516, %dma_start3A_525] : memref<1000000x64xf32, #tpu.memory_space<hbm>> -> memref<1x64xf32, #tpu.memory_space<hbm>>
      tpu.enqueue_dma source(%dma_start3A_526 : memref<1x64xf32, #tpu.memory_space<hbm>>) target(%dma_start3A_524 : memref<1x64xf32, #tpu.memory_space<vmem>>) target_semaphore(%arg13 : memref<!tpu.dma_semaphore, #tpu.memory_space<semaphore_mem>>)
      %slice3A_527 = vector.extract_strided_slice %get3A_418 {offsets = [4], sizes = [1], strides = [1]} : vector<16xi32> to vector<1xi32>
      %squeeze3A_528 = vector.extract %slice3A_527[0] : i32 from vector<1xi32>
      %dma_start3A_529 = arith.constant 20 : i32
      %dma_start3A_530 = arith.constant 0 : i32
      %dma_start3A_531 = tpu.memref_slice %arg10[%dma_start3A_529, %dma_start3A_530] : memref<32x64xf32, #tpu.memory_space<vmem>> -> memref<1x64xf32, #tpu.memory_space<vmem>>
      %dma_start3A_532 = arith.constant 0 : i32
      %dma_start3A_533 = tpu.memref_slice %arg5[%squeeze3A_528, %dma_start3A_532] : memref<1000000x64xf32, #tpu.memory_space<hbm>> -> memref<1x64xf32, #tpu.memory_space<hbm>>
      %dma_start3A_534 = arith.constant 20 : i32
      %dma_start3A_535 = arith.constant 0 : i32
      %dma_start3A_536 = tpu.memref_slice %arg10[%dma_start3A_534, %dma_start3A_535] : memref<32x64xf32, #tpu.memory_space<vmem>> -> memref<1x64xf32, #tpu.memory_space<vmem>>
      %dma_start3A_537 = arith.constant 0 : i32
      %dma_start3A_538 = tpu.memref_slice %arg5[%squeeze3A_528, %dma_start3A_537] : memref<1000000x64xf32, #tpu.memory_space<hbm>> -> memref<1x64xf32, #tpu.memory_space<hbm>>
      tpu.enqueue_dma source(%dma_start3A_538 : memref<1x64xf32, #tpu.memory_space<hbm>>) target(%dma_start3A_536 : memref<1x64xf32, #tpu.memory_space<vmem>>) target_semaphore(%arg14 : memref<!tpu.dma_semaphore, #tpu.memory_space<semaphore_mem>>)
      %slice3A_539 = vector.extract_strided_slice %get3A_412 {offsets = [5], sizes = [1], strides = [1]} : vector<16xi32> to vector<1xi32>
      %squeeze3A_540 = vector.extract %slice3A_539[0] : i32 from vector<1xi32>
      %dma_start3A_541 = arith.constant 21 : i32
      %dma_start3A_542 = arith.constant 0 : i32
      %dma_start3A_543 = tpu.memref_slice %arg9[%dma_start3A_541, %dma_start3A_542] : memref<32x64xf32, #tpu.memory_space<vmem>> -> memref<1x64xf32, #tpu.memory_space<vmem>>
      %dma_start3A_544 = arith.constant 0 : i32
      %dma_start3A_545 = tpu.memref_slice %arg4[%squeeze3A_540, %dma_start3A_544] : memref<1000000x64xf32, #tpu.memory_space<hbm>> -> memref<1x64xf32, #tpu.memory_space<hbm>>
      %dma_start3A_546 = arith.constant 21 : i32
      %dma_start3A_547 = arith.constant 0 : i32
      %dma_start3A_548 = tpu.memref_slice %arg9[%dma_start3A_546, %dma_start3A_547] : memref<32x64xf32, #tpu.memory_space<vmem>> -> memref<1x64xf32, #tpu.memory_space<vmem>>
      %dma_start3A_549 = arith.constant 0 : i32
      %dma_start3A_550 = tpu.memref_slice %arg4[%squeeze3A_540, %dma_start3A_549] : memref<1000000x64xf32, #tpu.memory_space<hbm>> -> memref<1x64xf32, #tpu.memory_space<hbm>>
      tpu.enqueue_dma source(%dma_start3A_550 : memref<1x64xf32, #tpu.memory_space<hbm>>) target(%dma_start3A_548 : memref<1x64xf32, #tpu.memory_space<vmem>>) target_semaphore(%arg13 : memref<!tpu.dma_semaphore, #tpu.memory_space<semaphore_mem>>)
      %slice3A_551 = vector.extract_strided_slice %get3A_418 {offsets = [5], sizes = [1], strides = [1]} : vector<16xi32> to vector<1xi32>
      %squeeze3A_552 = vector.extract %slice3A_551[0] : i32 from vector<1xi32>
      %dma_start3A_553 = arith.constant 21 : i32
      %dma_start3A_554 = arith.constant 0 : i32
      %dma_start3A_555 = tpu.memref_slice %arg10[%dma_start3A_553, %dma_start3A_554] : memref<32x64xf32, #tpu.memory_space<vmem>> -> memref<1x64xf32, #tpu.memory_space<vmem>>
      %dma_start3A_556 = arith.constant 0 : i32
      %dma_start3A_557 = tpu.memref_slice %arg5[%squeeze3A_552, %dma_start3A_556] : memref<1000000x64xf32, #tpu.memory_space<hbm>> -> memref<1x64xf32, #tpu.memory_space<hbm>>
      %dma_start3A_558 = arith.constant 21 : i32
      %dma_start3A_559 = arith.constant 0 : i32
      %dma_start3A_560 = tpu.memref_slice %arg10[%dma_start3A_558, %dma_start3A_559] : memref<32x64xf32, #tpu.memory_space<vmem>> -> memref<1x64xf32, #tpu.memory_space<vmem>>
      %dma_start3A_561 = arith.constant 0 : i32
      %dma_start3A_562 = tpu.memref_slice %arg5[%squeeze3A_552, %dma_start3A_561] : memref<1000000x64xf32, #tpu.memory_space<hbm>> -> memref<1x64xf32, #tpu.memory_space<hbm>>
      tpu.enqueue_dma source(%dma_start3A_562 : memref<1x64xf32, #tpu.memory_space<hbm>>) target(%dma_start3A_560 : memref<1x64xf32, #tpu.memory_space<vmem>>) target_semaphore(%arg14 : memref<!tpu.dma_semaphore, #tpu.memory_space<semaphore_mem>>)
      %slice3A_563 = vector.extract_strided_slice %get3A_412 {offsets = [6], sizes = [1], strides = [1]} : vector<16xi32> to vector<1xi32>
      %squeeze3A_564 = vector.extract %slice3A_563[0] : i32 from vector<1xi32>
      %dma_start3A_565 = arith.constant 22 : i32
      %dma_start3A_566 = arith.constant 0 : i32
      %dma_start3A_567 = tpu.memref_slice %arg9[%dma_start3A_565, %dma_start3A_566] : memref<32x64xf32, #tpu.memory_space<vmem>> -> memref<1x64xf32, #tpu.memory_space<vmem>>
      %dma_start3A_568 = arith.constant 0 : i32
      %dma_start3A_569 = tpu.memref_slice %arg4[%squeeze3A_564, %dma_start3A_568] : memref<1000000x64xf32, #tpu.memory_space<hbm>> -> memref<1x64xf32, #tpu.memory_space<hbm>>
      %dma_start3A_570 = arith.constant 22 : i32
      %dma_start3A_571 = arith.constant 0 : i32
      %dma_start3A_572 = tpu.memref_slice %arg9[%dma_start3A_570, %dma_start3A_571] : memref<32x64xf32, #tpu.memory_space<vmem>> -> memref<1x64xf32, #tpu.memory_space<vmem>>
      %dma_start3A_573 = arith.constant 0 : i32
      %dma_start3A_574 = tpu.memref_slice %arg4[%squeeze3A_564, %dma_start3A_573] : memref<1000000x64xf32, #tpu.memory_space<hbm>> -> memref<1x64xf32, #tpu.memory_space<hbm>>
      tpu.enqueue_dma source(%dma_start3A_574 : memref<1x64xf32, #tpu.memory_space<hbm>>) target(%dma_start3A_572 : memref<1x64xf32, #tpu.memory_space<vmem>>) target_semaphore(%arg13 : memref<!tpu.dma_semaphore, #tpu.memory_space<semaphore_mem>>)
      %slice3A_575 = vector.extract_strided_slice %get3A_418 {offsets = [6], sizes = [1], strides = [1]} : vector<16xi32> to vector<1xi32>
      %squeeze3A_576 = vector.extract %slice3A_575[0] : i32 from vector<1xi32>
      %dma_start3A_577 = arith.constant 22 : i32
      %dma_start3A_578 = arith.constant 0 : i32
      %dma_start3A_579 = tpu.memref_slice %arg10[%dma_start3A_577, %dma_start3A_578] : memref<32x64xf32, #tpu.memory_space<vmem>> -> memref<1x64xf32, #tpu.memory_space<vmem>>
      %dma_start3A_580 = arith.constant 0 : i32
      %dma_start3A_581 = tpu.memref_slice %arg5[%squeeze3A_576, %dma_start3A_580] : memref<1000000x64xf32, #tpu.memory_space<hbm>> -> memref<1x64xf32, #tpu.memory_space<hbm>>
      %dma_start3A_582 = arith.constant 22 : i32
      %dma_start3A_583 = arith.constant 0 : i32
      %dma_start3A_584 = tpu.memref_slice %arg10[%dma_start3A_582, %dma_start3A_583] : memref<32x64xf32, #tpu.memory_space<vmem>> -> memref<1x64xf32, #tpu.memory_space<vmem>>
      %dma_start3A_585 = arith.constant 0 : i32
      %dma_start3A_586 = tpu.memref_slice %arg5[%squeeze3A_576, %dma_start3A_585] : memref<1000000x64xf32, #tpu.memory_space<hbm>> -> memref<1x64xf32, #tpu.memory_space<hbm>>
      tpu.enqueue_dma source(%dma_start3A_586 : memref<1x64xf32, #tpu.memory_space<hbm>>) target(%dma_start3A_584 : memref<1x64xf32, #tpu.memory_space<vmem>>) target_semaphore(%arg14 : memref<!tpu.dma_semaphore, #tpu.memory_space<semaphore_mem>>)
      %slice3A_587 = vector.extract_strided_slice %get3A_412 {offsets = [7], sizes = [1], strides = [1]} : vector<16xi32> to vector<1xi32>
      %squeeze3A_588 = vector.extract %slice3A_587[0] : i32 from vector<1xi32>
      %dma_start3A_589 = arith.constant 23 : i32
      %dma_start3A_590 = arith.constant 0 : i32
      %dma_start3A_591 = tpu.memref_slice %arg9[%dma_start3A_589, %dma_start3A_590] : memref<32x64xf32, #tpu.memory_space<vmem>> -> memref<1x64xf32, #tpu.memory_space<vmem>>
      %dma_start3A_592 = arith.constant 0 : i32
      %dma_start3A_593 = tpu.memref_slice %arg4[%squeeze3A_588, %dma_start3A_592] : memref<1000000x64xf32, #tpu.memory_space<hbm>> -> memref<1x64xf32, #tpu.memory_space<hbm>>
      %dma_start3A_594 = arith.constant 23 : i32
      %dma_start3A_595 = arith.constant 0 : i32
      %dma_start3A_596 = tpu.memref_slice %arg9[%dma_start3A_594, %dma_start3A_595] : memref<32x64xf32, #tpu.memory_space<vmem>> -> memref<1x64xf32, #tpu.memory_space<vmem>>
      %dma_start3A_597 = arith.constant 0 : i32
      %dma_start3A_598 = tpu.memref_slice %arg4[%squeeze3A_588, %dma_start3A_597] : memref<1000000x64xf32, #tpu.memory_space<hbm>> -> memref<1x64xf32, #tpu.memory_space<hbm>>
      tpu.enqueue_dma source(%dma_start3A_598 : memref<1x64xf32, #tpu.memory_space<hbm>>) target(%dma_start3A_596 : memref<1x64xf32, #tpu.memory_space<vmem>>) target_semaphore(%arg13 : memref<!tpu.dma_semaphore, #tpu.memory_space<semaphore_mem>>)
      %slice3A_599 = vector.extract_strided_slice %get3A_418 {offsets = [7], sizes = [1], strides = [1]} : vector<16xi32> to vector<1xi32>
      %squeeze3A_600 = vector.extract %slice3A_599[0] : i32 from vector<1xi32>
      %dma_start3A_601 = arith.constant 23 : i32
      %dma_start3A_602 = arith.constant 0 : i32
      %dma_start3A_603 = tpu.memref_slice %arg10[%dma_start3A_601, %dma_start3A_602] : memref<32x64xf32, #tpu.memory_space<vmem>> -> memref<1x64xf32, #tpu.memory_space<vmem>>
      %dma_start3A_604 = arith.constant 0 : i32
      %dma_start3A_605 = tpu.memref_slice %arg5[%squeeze3A_600, %dma_start3A_604] : memref<1000000x64xf32, #tpu.memory_space<hbm>> -> memref<1x64xf32, #tpu.memory_space<hbm>>
      %dma_start3A_606 = arith.constant 23 : i32
      %dma_start3A_607 = arith.constant 0 : i32
      %dma_start3A_608 = tpu.memref_slice %arg10[%dma_start3A_606, %dma_start3A_607] : memref<32x64xf32, #tpu.memory_space<vmem>> -> memref<1x64xf32, #tpu.memory_space<vmem>>
      %dma_start3A_609 = arith.constant 0 : i32
      %dma_start3A_610 = tpu.memref_slice %arg5[%squeeze3A_600, %dma_start3A_609] : memref<1000000x64xf32, #tpu.memory_space<hbm>> -> memref<1x64xf32, #tpu.memory_space<hbm>>
      tpu.enqueue_dma source(%dma_start3A_610 : memref<1x64xf32, #tpu.memory_space<hbm>>) target(%dma_start3A_608 : memref<1x64xf32, #tpu.memory_space<vmem>>) target_semaphore(%arg14 : memref<!tpu.dma_semaphore, #tpu.memory_space<semaphore_mem>>)
      %slice3A_611 = vector.extract_strided_slice %get3A_412 {offsets = [8], sizes = [1], strides = [1]} : vector<16xi32> to vector<1xi32>
      %squeeze3A_612 = vector.extract %slice3A_611[0] : i32 from vector<1xi32>
      %dma_start3A_613 = arith.constant 24 : i32
      %dma_start3A_614 = arith.constant 0 : i32
      %dma_start3A_615 = tpu.memref_slice %arg9[%dma_start3A_613, %dma_start3A_614] : memref<32x64xf32, #tpu.memory_space<vmem>> -> memref<1x64xf32, #tpu.memory_space<vmem>>
      %dma_start3A_616 = arith.constant 0 : i32
      %dma_start3A_617 = tpu.memref_slice %arg4[%squeeze3A_612, %dma_start3A_616] : memref<1000000x64xf32, #tpu.memory_space<hbm>> -> memref<1x64xf32, #tpu.memory_space<hbm>>
      %dma_start3A_618 = arith.constant 24 : i32
      %dma_start3A_619 = arith.constant 0 : i32
      %dma_start3A_620 = tpu.memref_slice %arg9[%dma_start3A_618, %dma_start3A_619] : memref<32x64xf32, #tpu.memory_space<vmem>> -> memref<1x64xf32, #tpu.memory_space<vmem>>
      %dma_start3A_621 = arith.constant 0 : i32
      %dma_start3A_622 = tpu.memref_slice %arg4[%squeeze3A_612, %dma_start3A_621] : memref<1000000x64xf32, #tpu.memory_space<hbm>> -> memref<1x64xf32, #tpu.memory_space<hbm>>
      tpu.enqueue_dma source(%dma_start3A_622 : memref<1x64xf32, #tpu.memory_space<hbm>>) target(%dma_start3A_620 : memref<1x64xf32, #tpu.memory_space<vmem>>) target_semaphore(%arg13 : memref<!tpu.dma_semaphore, #tpu.memory_space<semaphore_mem>>)
      %slice3A_623 = vector.extract_strided_slice %get3A_418 {offsets = [8], sizes = [1], strides = [1]} : vector<16xi32> to vector<1xi32>
      %squeeze3A_624 = vector.extract %slice3A_623[0] : i32 from vector<1xi32>
      %dma_start3A_625 = arith.constant 24 : i32
      %dma_start3A_626 = arith.constant 0 : i32
      %dma_start3A_627 = tpu.memref_slice %arg10[%dma_start3A_625, %dma_start3A_626] : memref<32x64xf32, #tpu.memory_space<vmem>> -> memref<1x64xf32, #tpu.memory_space<vmem>>
      %dma_start3A_628 = arith.constant 0 : i32
      %dma_start3A_629 = tpu.memref_slice %arg5[%squeeze3A_624, %dma_start3A_628] : memref<1000000x64xf32, #tpu.memory_space<hbm>> -> memref<1x64xf32, #tpu.memory_space<hbm>>
      %dma_start3A_630 = arith.constant 24 : i32
      %dma_start3A_631 = arith.constant 0 : i32
      %dma_start3A_632 = tpu.memref_slice %arg10[%dma_start3A_630, %dma_start3A_631] : memref<32x64xf32, #tpu.memory_space<vmem>> -> memref<1x64xf32, #tpu.memory_space<vmem>>
      %dma_start3A_633 = arith.constant 0 : i32
      %dma_start3A_634 = tpu.memref_slice %arg5[%squeeze3A_624, %dma_start3A_633] : memref<1000000x64xf32, #tpu.memory_space<hbm>> -> memref<1x64xf32, #tpu.memory_space<hbm>>
      tpu.enqueue_dma source(%dma_start3A_634 : memref<1x64xf32, #tpu.memory_space<hbm>>) target(%dma_start3A_632 : memref<1x64xf32, #tpu.memory_space<vmem>>) target_semaphore(%arg14 : memref<!tpu.dma_semaphore, #tpu.memory_space<semaphore_mem>>)
      %slice3A_635 = vector.extract_strided_slice %get3A_412 {offsets = [9], sizes = [1], strides = [1]} : vector<16xi32> to vector<1xi32>
      %squeeze3A_636 = vector.extract %slice3A_635[0] : i32 from vector<1xi32>
      %dma_start3A_637 = arith.constant 25 : i32
      %dma_start3A_638 = arith.constant 0 : i32
      %dma_start3A_639 = tpu.memref_slice %arg9[%dma_start3A_637, %dma_start3A_638] : memref<32x64xf32, #tpu.memory_space<vmem>> -> memref<1x64xf32, #tpu.memory_space<vmem>>
      %dma_start3A_640 = arith.constant 0 : i32
      %dma_start3A_641 = tpu.memref_slice %arg4[%squeeze3A_636, %dma_start3A_640] : memref<1000000x64xf32, #tpu.memory_space<hbm>> -> memref<1x64xf32, #tpu.memory_space<hbm>>
      %dma_start3A_642 = arith.constant 25 : i32
      %dma_start3A_643 = arith.constant 0 : i32
      %dma_start3A_644 = tpu.memref_slice %arg9[%dma_start3A_642, %dma_start3A_643] : memref<32x64xf32, #tpu.memory_space<vmem>> -> memref<1x64xf32, #tpu.memory_space<vmem>>
      %dma_start3A_645 = arith.constant 0 : i32
      %dma_start3A_646 = tpu.memref_slice %arg4[%squeeze3A_636, %dma_start3A_645] : memref<1000000x64xf32, #tpu.memory_space<hbm>> -> memref<1x64xf32, #tpu.memory_space<hbm>>
      tpu.enqueue_dma source(%dma_start3A_646 : memref<1x64xf32, #tpu.memory_space<hbm>>) target(%dma_start3A_644 : memref<1x64xf32, #tpu.memory_space<vmem>>) target_semaphore(%arg13 : memref<!tpu.dma_semaphore, #tpu.memory_space<semaphore_mem>>)
      %slice3A_647 = vector.extract_strided_slice %get3A_418 {offsets = [9], sizes = [1], strides = [1]} : vector<16xi32> to vector<1xi32>
      %squeeze3A_648 = vector.extract %slice3A_647[0] : i32 from vector<1xi32>
      %dma_start3A_649 = arith.constant 25 : i32
      %dma_start3A_650 = arith.constant 0 : i32
      %dma_start3A_651 = tpu.memref_slice %arg10[%dma_start3A_649, %dma_start3A_650] : memref<32x64xf32, #tpu.memory_space<vmem>> -> memref<1x64xf32, #tpu.memory_space<vmem>>
      %dma_start3A_652 = arith.constant 0 : i32
      %dma_start3A_653 = tpu.memref_slice %arg5[%squeeze3A_648, %dma_start3A_652] : memref<1000000x64xf32, #tpu.memory_space<hbm>> -> memref<1x64xf32, #tpu.memory_space<hbm>>
      %dma_start3A_654 = arith.constant 25 : i32
      %dma_start3A_655 = arith.constant 0 : i32
      %dma_start3A_656 = tpu.memref_slice %arg10[%dma_start3A_654, %dma_start3A_655] : memref<32x64xf32, #tpu.memory_space<vmem>> -> memref<1x64xf32, #tpu.memory_space<vmem>>
      %dma_start3A_657 = arith.constant 0 : i32
      %dma_start3A_658 = tpu.memref_slice %arg5[%squeeze3A_648, %dma_start3A_657] : memref<1000000x64xf32, #tpu.memory_space<hbm>> -> memref<1x64xf32, #tpu.memory_space<hbm>>
      tpu.enqueue_dma source(%dma_start3A_658 : memref<1x64xf32, #tpu.memory_space<hbm>>) target(%dma_start3A_656 : memref<1x64xf32, #tpu.memory_space<vmem>>) target_semaphore(%arg14 : memref<!tpu.dma_semaphore, #tpu.memory_space<semaphore_mem>>)
      %slice3A_659 = vector.extract_strided_slice %get3A_412 {offsets = [10], sizes = [1], strides = [1]} : vector<16xi32> to vector<1xi32>
      %squeeze3A_660 = vector.extract %slice3A_659[0] : i32 from vector<1xi32>
      %dma_start3A_661 = arith.constant 26 : i32
      %dma_start3A_662 = arith.constant 0 : i32
      %dma_start3A_663 = tpu.memref_slice %arg9[%dma_start3A_661, %dma_start3A_662] : memref<32x64xf32, #tpu.memory_space<vmem>> -> memref<1x64xf32, #tpu.memory_space<vmem>>
      %dma_start3A_664 = arith.constant 0 : i32
      %dma_start3A_665 = tpu.memref_slice %arg4[%squeeze3A_660, %dma_start3A_664] : memref<1000000x64xf32, #tpu.memory_space<hbm>> -> memref<1x64xf32, #tpu.memory_space<hbm>>
      %dma_start3A_666 = arith.constant 26 : i32
      %dma_start3A_667 = arith.constant 0 : i32
      %dma_start3A_668 = tpu.memref_slice %arg9[%dma_start3A_666, %dma_start3A_667] : memref<32x64xf32, #tpu.memory_space<vmem>> -> memref<1x64xf32, #tpu.memory_space<vmem>>
      %dma_start3A_669 = arith.constant 0 : i32
      %dma_start3A_670 = tpu.memref_slice %arg4[%squeeze3A_660, %dma_start3A_669] : memref<1000000x64xf32, #tpu.memory_space<hbm>> -> memref<1x64xf32, #tpu.memory_space<hbm>>
      tpu.enqueue_dma source(%dma_start3A_670 : memref<1x64xf32, #tpu.memory_space<hbm>>) target(%dma_start3A_668 : memref<1x64xf32, #tpu.memory_space<vmem>>) target_semaphore(%arg13 : memref<!tpu.dma_semaphore, #tpu.memory_space<semaphore_mem>>)
      %slice3A_671 = vector.extract_strided_slice %get3A_418 {offsets = [10], sizes = [1], strides = [1]} : vector<16xi32> to vector<1xi32>
      %squeeze3A_672 = vector.extract %slice3A_671[0] : i32 from vector<1xi32>
      %dma_start3A_673 = arith.constant 26 : i32
      %dma_start3A_674 = arith.constant 0 : i32
      %dma_start3A_675 = tpu.memref_slice %arg10[%dma_start3A_673, %dma_start3A_674] : memref<32x64xf32, #tpu.memory_space<vmem>> -> memref<1x64xf32, #tpu.memory_space<vmem>>
      %dma_start3A_676 = arith.constant 0 : i32
      %dma_start3A_677 = tpu.memref_slice %arg5[%squeeze3A_672, %dma_start3A_676] : memref<1000000x64xf32, #tpu.memory_space<hbm>> -> memref<1x64xf32, #tpu.memory_space<hbm>>
      %dma_start3A_678 = arith.constant 26 : i32
      %dma_start3A_679 = arith.constant 0 : i32
      %dma_start3A_680 = tpu.memref_slice %arg10[%dma_start3A_678, %dma_start3A_679] : memref<32x64xf32, #tpu.memory_space<vmem>> -> memref<1x64xf32, #tpu.memory_space<vmem>>
      %dma_start3A_681 = arith.constant 0 : i32
      %dma_start3A_682 = tpu.memref_slice %arg5[%squeeze3A_672, %dma_start3A_681] : memref<1000000x64xf32, #tpu.memory_space<hbm>> -> memref<1x64xf32, #tpu.memory_space<hbm>>
      tpu.enqueue_dma source(%dma_start3A_682 : memref<1x64xf32, #tpu.memory_space<hbm>>) target(%dma_start3A_680 : memref<1x64xf32, #tpu.memory_space<vmem>>) target_semaphore(%arg14 : memref<!tpu.dma_semaphore, #tpu.memory_space<semaphore_mem>>)
      %slice3A_683 = vector.extract_strided_slice %get3A_412 {offsets = [11], sizes = [1], strides = [1]} : vector<16xi32> to vector<1xi32>
      %squeeze3A_684 = vector.extract %slice3A_683[0] : i32 from vector<1xi32>
      %dma_start3A_685 = arith.constant 27 : i32
      %dma_start3A_686 = arith.constant 0 : i32
      %dma_start3A_687 = tpu.memref_slice %arg9[%dma_start3A_685, %dma_start3A_686] : memref<32x64xf32, #tpu.memory_space<vmem>> -> memref<1x64xf32, #tpu.memory_space<vmem>>
      %dma_start3A_688 = arith.constant 0 : i32
      %dma_start3A_689 = tpu.memref_slice %arg4[%squeeze3A_684, %dma_start3A_688] : memref<1000000x64xf32, #tpu.memory_space<hbm>> -> memref<1x64xf32, #tpu.memory_space<hbm>>
      %dma_start3A_690 = arith.constant 27 : i32
      %dma_start3A_691 = arith.constant 0 : i32
      %dma_start3A_692 = tpu.memref_slice %arg9[%dma_start3A_690, %dma_start3A_691] : memref<32x64xf32, #tpu.memory_space<vmem>> -> memref<1x64xf32, #tpu.memory_space<vmem>>
      %dma_start3A_693 = arith.constant 0 : i32
      %dma_start3A_694 = tpu.memref_slice %arg4[%squeeze3A_684, %dma_start3A_693] : memref<1000000x64xf32, #tpu.memory_space<hbm>> -> memref<1x64xf32, #tpu.memory_space<hbm>>
      tpu.enqueue_dma source(%dma_start3A_694 : memref<1x64xf32, #tpu.memory_space<hbm>>) target(%dma_start3A_692 : memref<1x64xf32, #tpu.memory_space<vmem>>) target_semaphore(%arg13 : memref<!tpu.dma_semaphore, #tpu.memory_space<semaphore_mem>>)
      %slice3A_695 = vector.extract_strided_slice %get3A_418 {offsets = [11], sizes = [1], strides = [1]} : vector<16xi32> to vector<1xi32>
      %squeeze3A_696 = vector.extract %slice3A_695[0] : i32 from vector<1xi32>
      %dma_start3A_697 = arith.constant 27 : i32
      %dma_start3A_698 = arith.constant 0 : i32
      %dma_start3A_699 = tpu.memref_slice %arg10[%dma_start3A_697, %dma_start3A_698] : memref<32x64xf32, #tpu.memory_space<vmem>> -> memref<1x64xf32, #tpu.memory_space<vmem>>
      %dma_start3A_700 = arith.constant 0 : i32
      %dma_start3A_701 = tpu.memref_slice %arg5[%squeeze3A_696, %dma_start3A_700] : memref<1000000x64xf32, #tpu.memory_space<hbm>> -> memref<1x64xf32, #tpu.memory_space<hbm>>
      %dma_start3A_702 = arith.constant 27 : i32
      %dma_start3A_703 = arith.constant 0 : i32
      %dma_start3A_704 = tpu.memref_slice %arg10[%dma_start3A_702, %dma_start3A_703] : memref<32x64xf32, #tpu.memory_space<vmem>> -> memref<1x64xf32, #tpu.memory_space<vmem>>
      %dma_start3A_705 = arith.constant 0 : i32
      %dma_start3A_706 = tpu.memref_slice %arg5[%squeeze3A_696, %dma_start3A_705] : memref<1000000x64xf32, #tpu.memory_space<hbm>> -> memref<1x64xf32, #tpu.memory_space<hbm>>
      tpu.enqueue_dma source(%dma_start3A_706 : memref<1x64xf32, #tpu.memory_space<hbm>>) target(%dma_start3A_704 : memref<1x64xf32, #tpu.memory_space<vmem>>) target_semaphore(%arg14 : memref<!tpu.dma_semaphore, #tpu.memory_space<semaphore_mem>>)
      %slice3A_707 = vector.extract_strided_slice %get3A_412 {offsets = [12], sizes = [1], strides = [1]} : vector<16xi32> to vector<1xi32>
      %squeeze3A_708 = vector.extract %slice3A_707[0] : i32 from vector<1xi32>
      %dma_start3A_709 = arith.constant 28 : i32
      %dma_start3A_710 = arith.constant 0 : i32
      %dma_start3A_711 = tpu.memref_slice %arg9[%dma_start3A_709, %dma_start3A_710] : memref<32x64xf32, #tpu.memory_space<vmem>> -> memref<1x64xf32, #tpu.memory_space<vmem>>
      %dma_start3A_712 = arith.constant 0 : i32
      %dma_start3A_713 = tpu.memref_slice %arg4[%squeeze3A_708, %dma_start3A_712] : memref<1000000x64xf32, #tpu.memory_space<hbm>> -> memref<1x64xf32, #tpu.memory_space<hbm>>
      %dma_start3A_714 = arith.constant 28 : i32
      %dma_start3A_715 = arith.constant 0 : i32
      %dma_start3A_716 = tpu.memref_slice %arg9[%dma_start3A_714, %dma_start3A_715] : memref<32x64xf32, #tpu.memory_space<vmem>> -> memref<1x64xf32, #tpu.memory_space<vmem>>
      %dma_start3A_717 = arith.constant 0 : i32
      %dma_start3A_718 = tpu.memref_slice %arg4[%squeeze3A_708, %dma_start3A_717] : memref<1000000x64xf32, #tpu.memory_space<hbm>> -> memref<1x64xf32, #tpu.memory_space<hbm>>
      tpu.enqueue_dma source(%dma_start3A_718 : memref<1x64xf32, #tpu.memory_space<hbm>>) target(%dma_start3A_716 : memref<1x64xf32, #tpu.memory_space<vmem>>) target_semaphore(%arg13 : memref<!tpu.dma_semaphore, #tpu.memory_space<semaphore_mem>>)
      %slice3A_719 = vector.extract_strided_slice %get3A_418 {offsets = [12], sizes = [1], strides = [1]} : vector<16xi32> to vector<1xi32>
      %squeeze3A_720 = vector.extract %slice3A_719[0] : i32 from vector<1xi32>
      %dma_start3A_721 = arith.constant 28 : i32
      %dma_start3A_722 = arith.constant 0 : i32
      %dma_start3A_723 = tpu.memref_slice %arg10[%dma_start3A_721, %dma_start3A_722] : memref<32x64xf32, #tpu.memory_space<vmem>> -> memref<1x64xf32, #tpu.memory_space<vmem>>
      %dma_start3A_724 = arith.constant 0 : i32
      %dma_start3A_725 = tpu.memref_slice %arg5[%squeeze3A_720, %dma_start3A_724] : memref<1000000x64xf32, #tpu.memory_space<hbm>> -> memref<1x64xf32, #tpu.memory_space<hbm>>
      %dma_start3A_726 = arith.constant 28 : i32
      %dma_start3A_727 = arith.constant 0 : i32
      %dma_start3A_728 = tpu.memref_slice %arg10[%dma_start3A_726, %dma_start3A_727] : memref<32x64xf32, #tpu.memory_space<vmem>> -> memref<1x64xf32, #tpu.memory_space<vmem>>
      %dma_start3A_729 = arith.constant 0 : i32
      %dma_start3A_730 = tpu.memref_slice %arg5[%squeeze3A_720, %dma_start3A_729] : memref<1000000x64xf32, #tpu.memory_space<hbm>> -> memref<1x64xf32, #tpu.memory_space<hbm>>
      tpu.enqueue_dma source(%dma_start3A_730 : memref<1x64xf32, #tpu.memory_space<hbm>>) target(%dma_start3A_728 : memref<1x64xf32, #tpu.memory_space<vmem>>) target_semaphore(%arg14 : memref<!tpu.dma_semaphore, #tpu.memory_space<semaphore_mem>>)
      %slice3A_731 = vector.extract_strided_slice %get3A_412 {offsets = [13], sizes = [1], strides = [1]} : vector<16xi32> to vector<1xi32>
      %squeeze3A_732 = vector.extract %slice3A_731[0] : i32 from vector<1xi32>
      %dma_start3A_733 = arith.constant 29 : i32
      %dma_start3A_734 = arith.constant 0 : i32
      %dma_start3A_735 = tpu.memref_slice %arg9[%dma_start3A_733, %dma_start3A_734] : memref<32x64xf32, #tpu.memory_space<vmem>> -> memref<1x64xf32, #tpu.memory_space<vmem>>
      %dma_start3A_736 = arith.constant 0 : i32
      %dma_start3A_737 = tpu.memref_slice %arg4[%squeeze3A_732, %dma_start3A_736] : memref<1000000x64xf32, #tpu.memory_space<hbm>> -> memref<1x64xf32, #tpu.memory_space<hbm>>
      %dma_start3A_738 = arith.constant 29 : i32
      %dma_start3A_739 = arith.constant 0 : i32
      %dma_start3A_740 = tpu.memref_slice %arg9[%dma_start3A_738, %dma_start3A_739] : memref<32x64xf32, #tpu.memory_space<vmem>> -> memref<1x64xf32, #tpu.memory_space<vmem>>
      %dma_start3A_741 = arith.constant 0 : i32
      %dma_start3A_742 = tpu.memref_slice %arg4[%squeeze3A_732, %dma_start3A_741] : memref<1000000x64xf32, #tpu.memory_space<hbm>> -> memref<1x64xf32, #tpu.memory_space<hbm>>
      tpu.enqueue_dma source(%dma_start3A_742 : memref<1x64xf32, #tpu.memory_space<hbm>>) target(%dma_start3A_740 : memref<1x64xf32, #tpu.memory_space<vmem>>) target_semaphore(%arg13 : memref<!tpu.dma_semaphore, #tpu.memory_space<semaphore_mem>>)
      %slice3A_743 = vector.extract_strided_slice %get3A_418 {offsets = [13], sizes = [1], strides = [1]} : vector<16xi32> to vector<1xi32>
      %squeeze3A_744 = vector.extract %slice3A_743[0] : i32 from vector<1xi32>
      %dma_start3A_745 = arith.constant 29 : i32
      %dma_start3A_746 = arith.constant 0 : i32
      %dma_start3A_747 = tpu.memref_slice %arg10[%dma_start3A_745, %dma_start3A_746] : memref<32x64xf32, #tpu.memory_space<vmem>> -> memref<1x64xf32, #tpu.memory_space<vmem>>
      %dma_start3A_748 = arith.constant 0 : i32
      %dma_start3A_749 = tpu.memref_slice %arg5[%squeeze3A_744, %dma_start3A_748] : memref<1000000x64xf32, #tpu.memory_space<hbm>> -> memref<1x64xf32, #tpu.memory_space<hbm>>
      %dma_start3A_750 = arith.constant 29 : i32
      %dma_start3A_751 = arith.constant 0 : i32
      %dma_start3A_752 = tpu.memref_slice %arg10[%dma_start3A_750, %dma_start3A_751] : memref<32x64xf32, #tpu.memory_space<vmem>> -> memref<1x64xf32, #tpu.memory_space<vmem>>
      %dma_start3A_753 = arith.constant 0 : i32
      %dma_start3A_754 = tpu.memref_slice %arg5[%squeeze3A_744, %dma_start3A_753] : memref<1000000x64xf32, #tpu.memory_space<hbm>> -> memref<1x64xf32, #tpu.memory_space<hbm>>
      tpu.enqueue_dma source(%dma_start3A_754 : memref<1x64xf32, #tpu.memory_space<hbm>>) target(%dma_start3A_752 : memref<1x64xf32, #tpu.memory_space<vmem>>) target_semaphore(%arg14 : memref<!tpu.dma_semaphore, #tpu.memory_space<semaphore_mem>>)
      %slice3A_755 = vector.extract_strided_slice %get3A_412 {offsets = [14], sizes = [1], strides = [1]} : vector<16xi32> to vector<1xi32>
      %squeeze3A_756 = vector.extract %slice3A_755[0] : i32 from vector<1xi32>
      %dma_start3A_757 = arith.constant 30 : i32
      %dma_start3A_758 = arith.constant 0 : i32
      %dma_start3A_759 = tpu.memref_slice %arg9[%dma_start3A_757, %dma_start3A_758] : memref<32x64xf32, #tpu.memory_space<vmem>> -> memref<1x64xf32, #tpu.memory_space<vmem>>
      %dma_start3A_760 = arith.constant 0 : i32
      %dma_start3A_761 = tpu.memref_slice %arg4[%squeeze3A_756, %dma_start3A_760] : memref<1000000x64xf32, #tpu.memory_space<hbm>> -> memref<1x64xf32, #tpu.memory_space<hbm>>
      %dma_start3A_762 = arith.constant 30 : i32
      %dma_start3A_763 = arith.constant 0 : i32
      %dma_start3A_764 = tpu.memref_slice %arg9[%dma_start3A_762, %dma_start3A_763] : memref<32x64xf32, #tpu.memory_space<vmem>> -> memref<1x64xf32, #tpu.memory_space<vmem>>
      %dma_start3A_765 = arith.constant 0 : i32
      %dma_start3A_766 = tpu.memref_slice %arg4[%squeeze3A_756, %dma_start3A_765] : memref<1000000x64xf32, #tpu.memory_space<hbm>> -> memref<1x64xf32, #tpu.memory_space<hbm>>
      tpu.enqueue_dma source(%dma_start3A_766 : memref<1x64xf32, #tpu.memory_space<hbm>>) target(%dma_start3A_764 : memref<1x64xf32, #tpu.memory_space<vmem>>) target_semaphore(%arg13 : memref<!tpu.dma_semaphore, #tpu.memory_space<semaphore_mem>>)
      %slice3A_767 = vector.extract_strided_slice %get3A_418 {offsets = [14], sizes = [1], strides = [1]} : vector<16xi32> to vector<1xi32>
      %squeeze3A_768 = vector.extract %slice3A_767[0] : i32 from vector<1xi32>
      %dma_start3A_769 = arith.constant 30 : i32
      %dma_start3A_770 = arith.constant 0 : i32
      %dma_start3A_771 = tpu.memref_slice %arg10[%dma_start3A_769, %dma_start3A_770] : memref<32x64xf32, #tpu.memory_space<vmem>> -> memref<1x64xf32, #tpu.memory_space<vmem>>
      %dma_start3A_772 = arith.constant 0 : i32
      %dma_start3A_773 = tpu.memref_slice %arg5[%squeeze3A_768, %dma_start3A_772] : memref<1000000x64xf32, #tpu.memory_space<hbm>> -> memref<1x64xf32, #tpu.memory_space<hbm>>
      %dma_start3A_774 = arith.constant 30 : i32
      %dma_start3A_775 = arith.constant 0 : i32
      %dma_start3A_776 = tpu.memref_slice %arg10[%dma_start3A_774, %dma_start3A_775] : memref<32x64xf32, #tpu.memory_space<vmem>> -> memref<1x64xf32, #tpu.memory_space<vmem>>
      %dma_start3A_777 = arith.constant 0 : i32
      %dma_start3A_778 = tpu.memref_slice %arg5[%squeeze3A_768, %dma_start3A_777] : memref<1000000x64xf32, #tpu.memory_space<hbm>> -> memref<1x64xf32, #tpu.memory_space<hbm>>
      tpu.enqueue_dma source(%dma_start3A_778 : memref<1x64xf32, #tpu.memory_space<hbm>>) target(%dma_start3A_776 : memref<1x64xf32, #tpu.memory_space<vmem>>) target_semaphore(%arg14 : memref<!tpu.dma_semaphore, #tpu.memory_space<semaphore_mem>>)
      %slice3A_779 = vector.extract_strided_slice %get3A_412 {offsets = [15], sizes = [1], strides = [1]} : vector<16xi32> to vector<1xi32>
      %squeeze3A_780 = vector.extract %slice3A_779[0] : i32 from vector<1xi32>
      %dma_start3A_781 = arith.constant 31 : i32
      %dma_start3A_782 = arith.constant 0 : i32
      %dma_start3A_783 = tpu.memref_slice %arg9[%dma_start3A_781, %dma_start3A_782] : memref<32x64xf32, #tpu.memory_space<vmem>> -> memref<1x64xf32, #tpu.memory_space<vmem>>
      %dma_start3A_784 = arith.constant 0 : i32
      %dma_start3A_785 = tpu.memref_slice %arg4[%squeeze3A_780, %dma_start3A_784] : memref<1000000x64xf32, #tpu.memory_space<hbm>> -> memref<1x64xf32, #tpu.memory_space<hbm>>
      %dma_start3A_786 = arith.constant 31 : i32
      %dma_start3A_787 = arith.constant 0 : i32
      %dma_start3A_788 = tpu.memref_slice %arg9[%dma_start3A_786, %dma_start3A_787] : memref<32x64xf32, #tpu.memory_space<vmem>> -> memref<1x64xf32, #tpu.memory_space<vmem>>
      %dma_start3A_789 = arith.constant 0 : i32
      %dma_start3A_790 = tpu.memref_slice %arg4[%squeeze3A_780, %dma_start3A_789] : memref<1000000x64xf32, #tpu.memory_space<hbm>> -> memref<1x64xf32, #tpu.memory_space<hbm>>
      tpu.enqueue_dma source(%dma_start3A_790 : memref<1x64xf32, #tpu.memory_space<hbm>>) target(%dma_start3A_788 : memref<1x64xf32, #tpu.memory_space<vmem>>) target_semaphore(%arg13 : memref<!tpu.dma_semaphore, #tpu.memory_space<semaphore_mem>>)
      %slice3A_791 = vector.extract_strided_slice %get3A_418 {offsets = [15], sizes = [1], strides = [1]} : vector<16xi32> to vector<1xi32>
      %squeeze3A_792 = vector.extract %slice3A_791[0] : i32 from vector<1xi32>
      %dma_start3A_793 = arith.constant 31 : i32
      %dma_start3A_794 = arith.constant 0 : i32
      %dma_start3A_795 = tpu.memref_slice %arg10[%dma_start3A_793, %dma_start3A_794] : memref<32x64xf32, #tpu.memory_space<vmem>> -> memref<1x64xf32, #tpu.memory_space<vmem>>
      %dma_start3A_796 = arith.constant 0 : i32
      %dma_start3A_797 = tpu.memref_slice %arg5[%squeeze3A_792, %dma_start3A_796] : memref<1000000x64xf32, #tpu.memory_space<hbm>> -> memref<1x64xf32, #tpu.memory_space<hbm>>
      %dma_start3A_798 = arith.constant 31 : i32
      %dma_start3A_799 = arith.constant 0 : i32
      %dma_start3A_800 = tpu.memref_slice %arg10[%dma_start3A_798, %dma_start3A_799] : memref<32x64xf32, #tpu.memory_space<vmem>> -> memref<1x64xf32, #tpu.memory_space<vmem>>
      %dma_start3A_801 = arith.constant 0 : i32
      %dma_start3A_802 = tpu.memref_slice %arg5[%squeeze3A_792, %dma_start3A_801] : memref<1000000x64xf32, #tpu.memory_space<hbm>> -> memref<1x64xf32, #tpu.memory_space<hbm>>
      tpu.enqueue_dma source(%dma_start3A_802 : memref<1x64xf32, #tpu.memory_space<hbm>>) target(%dma_start3A_800 : memref<1x64xf32, #tpu.memory_space<vmem>>) target_semaphore(%arg14 : memref<!tpu.dma_semaphore, #tpu.memory_space<semaphore_mem>>)
      %dma_wait3A = arith.constant 0 : i32
      %dma_wait3A_803 = arith.constant 0 : i32
      %dma_wait3A_804 = tpu.memref_slice %arg9[%dma_wait3A, %dma_wait3A_803] : memref<32x64xf32, #tpu.memory_space<vmem>> -> memref<1x64xf32, #tpu.memory_space<vmem>>
      %dma_wait3A_805 = arith.constant 0 : i32
      %dma_wait3A_806 = tpu.memref_slice %arg4[%squeeze3A, %dma_wait3A_805] : memref<1000000x64xf32, #tpu.memory_space<hbm>> -> memref<1x64xf32, #tpu.memory_space<hbm>>
      %dma_wait3A_807 = arith.constant 0 : i32
      %dma_wait3A_808 = arith.constant 0 : i32
      %dma_wait3A_809 = tpu.memref_slice %arg9[%dma_wait3A_807, %dma_wait3A_808] : memref<32x64xf32, #tpu.memory_space<vmem>> -> memref<1x64xf32, #tpu.memory_space<vmem>>
      %dma_wait3A_810 = arith.constant 0 : i32
      %dma_wait3A_811 = tpu.memref_slice %arg4[%squeeze3A, %dma_wait3A_810] : memref<1000000x64xf32, #tpu.memory_space<hbm>> -> memref<1x64xf32, #tpu.memory_space<hbm>>
      tpu.wait_dma2 semaphore(%arg13 : memref<!tpu.dma_semaphore, #tpu.memory_space<semaphore_mem>>) src(%dma_wait3A_811 : memref<1x64xf32, #tpu.memory_space<hbm>>) dst(%dma_wait3A_809 : memref<1x64xf32, #tpu.memory_space<vmem>>)
      %dma_wait3A_812 = arith.constant 0 : i32
      %dma_wait3A_813 = arith.constant 0 : i32
      %dma_wait3A_814 = tpu.memref_slice %arg10[%dma_wait3A_812, %dma_wait3A_813] : memref<32x64xf32, #tpu.memory_space<vmem>> -> memref<1x64xf32, #tpu.memory_space<vmem>>
      %dma_wait3A_815 = arith.constant 0 : i32
      %dma_wait3A_816 = tpu.memref_slice %arg5[%squeeze3A_36, %dma_wait3A_815] : memref<1000000x64xf32, #tpu.memory_space<hbm>> -> memref<1x64xf32, #tpu.memory_space<hbm>>
      %dma_wait3A_817 = arith.constant 0 : i32
      %dma_wait3A_818 = arith.constant 0 : i32
      %dma_wait3A_819 = tpu.memref_slice %arg10[%dma_wait3A_817, %dma_wait3A_818] : memref<32x64xf32, #tpu.memory_space<vmem>> -> memref<1x64xf32, #tpu.memory_space<vmem>>
      %dma_wait3A_820 = arith.constant 0 : i32
      %dma_wait3A_821 = tpu.memref_slice %arg5[%squeeze3A_36, %dma_wait3A_820] : memref<1000000x64xf32, #tpu.memory_space<hbm>> -> memref<1x64xf32, #tpu.memory_space<hbm>>
      tpu.wait_dma2 semaphore(%arg14 : memref<!tpu.dma_semaphore, #tpu.memory_space<semaphore_mem>>) src(%dma_wait3A_821 : memref<1x64xf32, #tpu.memory_space<hbm>>) dst(%dma_wait3A_819 : memref<1x64xf32, #tpu.memory_space<vmem>>)
      %dma_wait3A_822 = arith.constant 1 : i32
      %dma_wait3A_823 = arith.constant 0 : i32
      %dma_wait3A_824 = tpu.memref_slice %arg9[%dma_wait3A_822, %dma_wait3A_823] : memref<32x64xf32, #tpu.memory_space<vmem>> -> memref<1x64xf32, #tpu.memory_space<vmem>>
      %dma_wait3A_825 = arith.constant 0 : i32
      %dma_wait3A_826 = tpu.memref_slice %arg4[%squeeze3A_48, %dma_wait3A_825] : memref<1000000x64xf32, #tpu.memory_space<hbm>> -> memref<1x64xf32, #tpu.memory_space<hbm>>
      %dma_wait3A_827 = arith.constant 1 : i32
      %dma_wait3A_828 = arith.constant 0 : i32
      %dma_wait3A_829 = tpu.memref_slice %arg9[%dma_wait3A_827, %dma_wait3A_828] : memref<32x64xf32, #tpu.memory_space<vmem>> -> memref<1x64xf32, #tpu.memory_space<vmem>>
      %dma_wait3A_830 = arith.constant 0 : i32
      %dma_wait3A_831 = tpu.memref_slice %arg4[%squeeze3A_48, %dma_wait3A_830] : memref<1000000x64xf32, #tpu.memory_space<hbm>> -> memref<1x64xf32, #tpu.memory_space<hbm>>
      tpu.wait_dma2 semaphore(%arg13 : memref<!tpu.dma_semaphore, #tpu.memory_space<semaphore_mem>>) src(%dma_wait3A_831 : memref<1x64xf32, #tpu.memory_space<hbm>>) dst(%dma_wait3A_829 : memref<1x64xf32, #tpu.memory_space<vmem>>)
      %dma_wait3A_832 = arith.constant 1 : i32
      %dma_wait3A_833 = arith.constant 0 : i32
      %dma_wait3A_834 = tpu.memref_slice %arg10[%dma_wait3A_832, %dma_wait3A_833] : memref<32x64xf32, #tpu.memory_space<vmem>> -> memref<1x64xf32, #tpu.memory_space<vmem>>
      %dma_wait3A_835 = arith.constant 0 : i32
      %dma_wait3A_836 = tpu.memref_slice %arg5[%squeeze3A_60, %dma_wait3A_835] : memref<1000000x64xf32, #tpu.memory_space<hbm>> -> memref<1x64xf32, #tpu.memory_space<hbm>>
      %dma_wait3A_837 = arith.constant 1 : i32
      %dma_wait3A_838 = arith.constant 0 : i32
      %dma_wait3A_839 = tpu.memref_slice %arg10[%dma_wait3A_837, %dma_wait3A_838] : memref<32x64xf32, #tpu.memory_space<vmem>> -> memref<1x64xf32, #tpu.memory_space<vmem>>
      %dma_wait3A_840 = arith.constant 0 : i32
      %dma_wait3A_841 = tpu.memref_slice %arg5[%squeeze3A_60, %dma_wait3A_840] : memref<1000000x64xf32, #tpu.memory_space<hbm>> -> memref<1x64xf32, #tpu.memory_space<hbm>>
      tpu.wait_dma2 semaphore(%arg14 : memref<!tpu.dma_semaphore, #tpu.memory_space<semaphore_mem>>) src(%dma_wait3A_841 : memref<1x64xf32, #tpu.memory_space<hbm>>) dst(%dma_wait3A_839 : memref<1x64xf32, #tpu.memory_space<vmem>>)
      %dma_wait3A_842 = arith.constant 2 : i32
      %dma_wait3A_843 = arith.constant 0 : i32
      %dma_wait3A_844 = tpu.memref_slice %arg9[%dma_wait3A_842, %dma_wait3A_843] : memref<32x64xf32, #tpu.memory_space<vmem>> -> memref<1x64xf32, #tpu.memory_space<vmem>>
      %dma_wait3A_845 = arith.constant 0 : i32
      %dma_wait3A_846 = tpu.memref_slice %arg4[%squeeze3A_72, %dma_wait3A_845] : memref<1000000x64xf32, #tpu.memory_space<hbm>> -> memref<1x64xf32, #tpu.memory_space<hbm>>
      %dma_wait3A_847 = arith.constant 2 : i32
      %dma_wait3A_848 = arith.constant 0 : i32
      %dma_wait3A_849 = tpu.memref_slice %arg9[%dma_wait3A_847, %dma_wait3A_848] : memref<32x64xf32, #tpu.memory_space<vmem>> -> memref<1x64xf32, #tpu.memory_space<vmem>>
      %dma_wait3A_850 = arith.constant 0 : i32
      %dma_wait3A_851 = tpu.memref_slice %arg4[%squeeze3A_72, %dma_wait3A_850] : memref<1000000x64xf32, #tpu.memory_space<hbm>> -> memref<1x64xf32, #tpu.memory_space<hbm>>
      tpu.wait_dma2 semaphore(%arg13 : memref<!tpu.dma_semaphore, #tpu.memory_space<semaphore_mem>>) src(%dma_wait3A_851 : memref<1x64xf32, #tpu.memory_space<hbm>>) dst(%dma_wait3A_849 : memref<1x64xf32, #tpu.memory_space<vmem>>)
      %dma_wait3A_852 = arith.constant 2 : i32
      %dma_wait3A_853 = arith.constant 0 : i32
      %dma_wait3A_854 = tpu.memref_slice %arg10[%dma_wait3A_852, %dma_wait3A_853] : memref<32x64xf32, #tpu.memory_space<vmem>> -> memref<1x64xf32, #tpu.memory_space<vmem>>
      %dma_wait3A_855 = arith.constant 0 : i32
      %dma_wait3A_856 = tpu.memref_slice %arg5[%squeeze3A_84, %dma_wait3A_855] : memref<1000000x64xf32, #tpu.memory_space<hbm>> -> memref<1x64xf32, #tpu.memory_space<hbm>>
      %dma_wait3A_857 = arith.constant 2 : i32
      %dma_wait3A_858 = arith.constant 0 : i32
      %dma_wait3A_859 = tpu.memref_slice %arg10[%dma_wait3A_857, %dma_wait3A_858] : memref<32x64xf32, #tpu.memory_space<vmem>> -> memref<1x64xf32, #tpu.memory_space<vmem>>
      %dma_wait3A_860 = arith.constant 0 : i32
      %dma_wait3A_861 = tpu.memref_slice %arg5[%squeeze3A_84, %dma_wait3A_860] : memref<1000000x64xf32, #tpu.memory_space<hbm>> -> memref<1x64xf32, #tpu.memory_space<hbm>>
      tpu.wait_dma2 semaphore(%arg14 : memref<!tpu.dma_semaphore, #tpu.memory_space<semaphore_mem>>) src(%dma_wait3A_861 : memref<1x64xf32, #tpu.memory_space<hbm>>) dst(%dma_wait3A_859 : memref<1x64xf32, #tpu.memory_space<vmem>>)
      %dma_wait3A_862 = arith.constant 3 : i32
      %dma_wait3A_863 = arith.constant 0 : i32
      %dma_wait3A_864 = tpu.memref_slice %arg9[%dma_wait3A_862, %dma_wait3A_863] : memref<32x64xf32, #tpu.memory_space<vmem>> -> memref<1x64xf32, #tpu.memory_space<vmem>>
      %dma_wait3A_865 = arith.constant 0 : i32
      %dma_wait3A_866 = tpu.memref_slice %arg4[%squeeze3A_96, %dma_wait3A_865] : memref<1000000x64xf32, #tpu.memory_space<hbm>> -> memref<1x64xf32, #tpu.memory_space<hbm>>
      %dma_wait3A_867 = arith.constant 3 : i32
      %dma_wait3A_868 = arith.constant 0 : i32
      %dma_wait3A_869 = tpu.memref_slice %arg9[%dma_wait3A_867, %dma_wait3A_868] : memref<32x64xf32, #tpu.memory_space<vmem>> -> memref<1x64xf32, #tpu.memory_space<vmem>>
      %dma_wait3A_870 = arith.constant 0 : i32
      %dma_wait3A_871 = tpu.memref_slice %arg4[%squeeze3A_96, %dma_wait3A_870] : memref<1000000x64xf32, #tpu.memory_space<hbm>> -> memref<1x64xf32, #tpu.memory_space<hbm>>
      tpu.wait_dma2 semaphore(%arg13 : memref<!tpu.dma_semaphore, #tpu.memory_space<semaphore_mem>>) src(%dma_wait3A_871 : memref<1x64xf32, #tpu.memory_space<hbm>>) dst(%dma_wait3A_869 : memref<1x64xf32, #tpu.memory_space<vmem>>)
      %dma_wait3A_872 = arith.constant 3 : i32
      %dma_wait3A_873 = arith.constant 0 : i32
      %dma_wait3A_874 = tpu.memref_slice %arg10[%dma_wait3A_872, %dma_wait3A_873] : memref<32x64xf32, #tpu.memory_space<vmem>> -> memref<1x64xf32, #tpu.memory_space<vmem>>
      %dma_wait3A_875 = arith.constant 0 : i32
      %dma_wait3A_876 = tpu.memref_slice %arg5[%squeeze3A_108, %dma_wait3A_875] : memref<1000000x64xf32, #tpu.memory_space<hbm>> -> memref<1x64xf32, #tpu.memory_space<hbm>>
      %dma_wait3A_877 = arith.constant 3 : i32
      %dma_wait3A_878 = arith.constant 0 : i32
      %dma_wait3A_879 = tpu.memref_slice %arg10[%dma_wait3A_877, %dma_wait3A_878] : memref<32x64xf32, #tpu.memory_space<vmem>> -> memref<1x64xf32, #tpu.memory_space<vmem>>
      %dma_wait3A_880 = arith.constant 0 : i32
      %dma_wait3A_881 = tpu.memref_slice %arg5[%squeeze3A_108, %dma_wait3A_880] : memref<1000000x64xf32, #tpu.memory_space<hbm>> -> memref<1x64xf32, #tpu.memory_space<hbm>>
      tpu.wait_dma2 semaphore(%arg14 : memref<!tpu.dma_semaphore, #tpu.memory_space<semaphore_mem>>) src(%dma_wait3A_881 : memref<1x64xf32, #tpu.memory_space<hbm>>) dst(%dma_wait3A_879 : memref<1x64xf32, #tpu.memory_space<vmem>>)
      %dma_wait3A_882 = arith.constant 4 : i32
      %dma_wait3A_883 = arith.constant 0 : i32
      %dma_wait3A_884 = tpu.memref_slice %arg9[%dma_wait3A_882, %dma_wait3A_883] : memref<32x64xf32, #tpu.memory_space<vmem>> -> memref<1x64xf32, #tpu.memory_space<vmem>>
      %dma_wait3A_885 = arith.constant 0 : i32
      %dma_wait3A_886 = tpu.memref_slice %arg4[%squeeze3A_120, %dma_wait3A_885] : memref<1000000x64xf32, #tpu.memory_space<hbm>> -> memref<1x64xf32, #tpu.memory_space<hbm>>
      %dma_wait3A_887 = arith.constant 4 : i32
      %dma_wait3A_888 = arith.constant 0 : i32
      %dma_wait3A_889 = tpu.memref_slice %arg9[%dma_wait3A_887, %dma_wait3A_888] : memref<32x64xf32, #tpu.memory_space<vmem>> -> memref<1x64xf32, #tpu.memory_space<vmem>>
      %dma_wait3A_890 = arith.constant 0 : i32
      %dma_wait3A_891 = tpu.memref_slice %arg4[%squeeze3A_120, %dma_wait3A_890] : memref<1000000x64xf32, #tpu.memory_space<hbm>> -> memref<1x64xf32, #tpu.memory_space<hbm>>
      tpu.wait_dma2 semaphore(%arg13 : memref<!tpu.dma_semaphore, #tpu.memory_space<semaphore_mem>>) src(%dma_wait3A_891 : memref<1x64xf32, #tpu.memory_space<hbm>>) dst(%dma_wait3A_889 : memref<1x64xf32, #tpu.memory_space<vmem>>)
      %dma_wait3A_892 = arith.constant 4 : i32
      %dma_wait3A_893 = arith.constant 0 : i32
      %dma_wait3A_894 = tpu.memref_slice %arg10[%dma_wait3A_892, %dma_wait3A_893] : memref<32x64xf32, #tpu.memory_space<vmem>> -> memref<1x64xf32, #tpu.memory_space<vmem>>
      %dma_wait3A_895 = arith.constant 0 : i32
      %dma_wait3A_896 = tpu.memref_slice %arg5[%squeeze3A_132, %dma_wait3A_895] : memref<1000000x64xf32, #tpu.memory_space<hbm>> -> memref<1x64xf32, #tpu.memory_space<hbm>>
      %dma_wait3A_897 = arith.constant 4 : i32
      %dma_wait3A_898 = arith.constant 0 : i32
      %dma_wait3A_899 = tpu.memref_slice %arg10[%dma_wait3A_897, %dma_wait3A_898] : memref<32x64xf32, #tpu.memory_space<vmem>> -> memref<1x64xf32, #tpu.memory_space<vmem>>
      %dma_wait3A_900 = arith.constant 0 : i32
      %dma_wait3A_901 = tpu.memref_slice %arg5[%squeeze3A_132, %dma_wait3A_900] : memref<1000000x64xf32, #tpu.memory_space<hbm>> -> memref<1x64xf32, #tpu.memory_space<hbm>>
      tpu.wait_dma2 semaphore(%arg14 : memref<!tpu.dma_semaphore, #tpu.memory_space<semaphore_mem>>) src(%dma_wait3A_901 : memref<1x64xf32, #tpu.memory_space<hbm>>) dst(%dma_wait3A_899 : memref<1x64xf32, #tpu.memory_space<vmem>>)
      %dma_wait3A_902 = arith.constant 5 : i32
      %dma_wait3A_903 = arith.constant 0 : i32
      %dma_wait3A_904 = tpu.memref_slice %arg9[%dma_wait3A_902, %dma_wait3A_903] : memref<32x64xf32, #tpu.memory_space<vmem>> -> memref<1x64xf32, #tpu.memory_space<vmem>>
      %dma_wait3A_905 = arith.constant 0 : i32
      %dma_wait3A_906 = tpu.memref_slice %arg4[%squeeze3A_144, %dma_wait3A_905] : memref<1000000x64xf32, #tpu.memory_space<hbm>> -> memref<1x64xf32, #tpu.memory_space<hbm>>
      %dma_wait3A_907 = arith.constant 5 : i32
      %dma_wait3A_908 = arith.constant 0 : i32
      %dma_wait3A_909 = tpu.memref_slice %arg9[%dma_wait3A_907, %dma_wait3A_908] : memref<32x64xf32, #tpu.memory_space<vmem>> -> memref<1x64xf32, #tpu.memory_space<vmem>>
      %dma_wait3A_910 = arith.constant 0 : i32
      %dma_wait3A_911 = tpu.memref_slice %arg4[%squeeze3A_144, %dma_wait3A_910] : memref<1000000x64xf32, #tpu.memory_space<hbm>> -> memref<1x64xf32, #tpu.memory_space<hbm>>
      tpu.wait_dma2 semaphore(%arg13 : memref<!tpu.dma_semaphore, #tpu.memory_space<semaphore_mem>>) src(%dma_wait3A_911 : memref<1x64xf32, #tpu.memory_space<hbm>>) dst(%dma_wait3A_909 : memref<1x64xf32, #tpu.memory_space<vmem>>)
      %dma_wait3A_912 = arith.constant 5 : i32
      %dma_wait3A_913 = arith.constant 0 : i32
      %dma_wait3A_914 = tpu.memref_slice %arg10[%dma_wait3A_912, %dma_wait3A_913] : memref<32x64xf32, #tpu.memory_space<vmem>> -> memref<1x64xf32, #tpu.memory_space<vmem>>
      %dma_wait3A_915 = arith.constant 0 : i32
      %dma_wait3A_916 = tpu.memref_slice %arg5[%squeeze3A_156, %dma_wait3A_915] : memref<1000000x64xf32, #tpu.memory_space<hbm>> -> memref<1x64xf32, #tpu.memory_space<hbm>>
      %dma_wait3A_917 = arith.constant 5 : i32
      %dma_wait3A_918 = arith.constant 0 : i32
      %dma_wait3A_919 = tpu.memref_slice %arg10[%dma_wait3A_917, %dma_wait3A_918] : memref<32x64xf32, #tpu.memory_space<vmem>> -> memref<1x64xf32, #tpu.memory_space<vmem>>
      %dma_wait3A_920 = arith.constant 0 : i32
      %dma_wait3A_921 = tpu.memref_slice %arg5[%squeeze3A_156, %dma_wait3A_920] : memref<1000000x64xf32, #tpu.memory_space<hbm>> -> memref<1x64xf32, #tpu.memory_space<hbm>>
      tpu.wait_dma2 semaphore(%arg14 : memref<!tpu.dma_semaphore, #tpu.memory_space<semaphore_mem>>) src(%dma_wait3A_921 : memref<1x64xf32, #tpu.memory_space<hbm>>) dst(%dma_wait3A_919 : memref<1x64xf32, #tpu.memory_space<vmem>>)
      %dma_wait3A_922 = arith.constant 6 : i32
      %dma_wait3A_923 = arith.constant 0 : i32
      %dma_wait3A_924 = tpu.memref_slice %arg9[%dma_wait3A_922, %dma_wait3A_923] : memref<32x64xf32, #tpu.memory_space<vmem>> -> memref<1x64xf32, #tpu.memory_space<vmem>>
      %dma_wait3A_925 = arith.constant 0 : i32
      %dma_wait3A_926 = tpu.memref_slice %arg4[%squeeze3A_168, %dma_wait3A_925] : memref<1000000x64xf32, #tpu.memory_space<hbm>> -> memref<1x64xf32, #tpu.memory_space<hbm>>
      %dma_wait3A_927 = arith.constant 6 : i32
      %dma_wait3A_928 = arith.constant 0 : i32
      %dma_wait3A_929 = tpu.memref_slice %arg9[%dma_wait3A_927, %dma_wait3A_928] : memref<32x64xf32, #tpu.memory_space<vmem>> -> memref<1x64xf32, #tpu.memory_space<vmem>>
      %dma_wait3A_930 = arith.constant 0 : i32
      %dma_wait3A_931 = tpu.memref_slice %arg4[%squeeze3A_168, %dma_wait3A_930] : memref<1000000x64xf32, #tpu.memory_space<hbm>> -> memref<1x64xf32, #tpu.memory_space<hbm>>
      tpu.wait_dma2 semaphore(%arg13 : memref<!tpu.dma_semaphore, #tpu.memory_space<semaphore_mem>>) src(%dma_wait3A_931 : memref<1x64xf32, #tpu.memory_space<hbm>>) dst(%dma_wait3A_929 : memref<1x64xf32, #tpu.memory_space<vmem>>)
      %dma_wait3A_932 = arith.constant 6 : i32
      %dma_wait3A_933 = arith.constant 0 : i32
      %dma_wait3A_934 = tpu.memref_slice %arg10[%dma_wait3A_932, %dma_wait3A_933] : memref<32x64xf32, #tpu.memory_space<vmem>> -> memref<1x64xf32, #tpu.memory_space<vmem>>
      %dma_wait3A_935 = arith.constant 0 : i32
      %dma_wait3A_936 = tpu.memref_slice %arg5[%squeeze3A_180, %dma_wait3A_935] : memref<1000000x64xf32, #tpu.memory_space<hbm>> -> memref<1x64xf32, #tpu.memory_space<hbm>>
      %dma_wait3A_937 = arith.constant 6 : i32
      %dma_wait3A_938 = arith.constant 0 : i32
      %dma_wait3A_939 = tpu.memref_slice %arg10[%dma_wait3A_937, %dma_wait3A_938] : memref<32x64xf32, #tpu.memory_space<vmem>> -> memref<1x64xf32, #tpu.memory_space<vmem>>
      %dma_wait3A_940 = arith.constant 0 : i32
      %dma_wait3A_941 = tpu.memref_slice %arg5[%squeeze3A_180, %dma_wait3A_940] : memref<1000000x64xf32, #tpu.memory_space<hbm>> -> memref<1x64xf32, #tpu.memory_space<hbm>>
      tpu.wait_dma2 semaphore(%arg14 : memref<!tpu.dma_semaphore, #tpu.memory_space<semaphore_mem>>) src(%dma_wait3A_941 : memref<1x64xf32, #tpu.memory_space<hbm>>) dst(%dma_wait3A_939 : memref<1x64xf32, #tpu.memory_space<vmem>>)
      %dma_wait3A_942 = arith.constant 7 : i32
      %dma_wait3A_943 = arith.constant 0 : i32
      %dma_wait3A_944 = tpu.memref_slice %arg9[%dma_wait3A_942, %dma_wait3A_943] : memref<32x64xf32, #tpu.memory_space<vmem>> -> memref<1x64xf32, #tpu.memory_space<vmem>>
      %dma_wait3A_945 = arith.constant 0 : i32
      %dma_wait3A_946 = tpu.memref_slice %arg4[%squeeze3A_192, %dma_wait3A_945] : memref<1000000x64xf32, #tpu.memory_space<hbm>> -> memref<1x64xf32, #tpu.memory_space<hbm>>
      %dma_wait3A_947 = arith.constant 7 : i32
      %dma_wait3A_948 = arith.constant 0 : i32
      %dma_wait3A_949 = tpu.memref_slice %arg9[%dma_wait3A_947, %dma_wait3A_948] : memref<32x64xf32, #tpu.memory_space<vmem>> -> memref<1x64xf32, #tpu.memory_space<vmem>>
      %dma_wait3A_950 = arith.constant 0 : i32
      %dma_wait3A_951 = tpu.memref_slice %arg4[%squeeze3A_192, %dma_wait3A_950] : memref<1000000x64xf32, #tpu.memory_space<hbm>> -> memref<1x64xf32, #tpu.memory_space<hbm>>
      tpu.wait_dma2 semaphore(%arg13 : memref<!tpu.dma_semaphore, #tpu.memory_space<semaphore_mem>>) src(%dma_wait3A_951 : memref<1x64xf32, #tpu.memory_space<hbm>>) dst(%dma_wait3A_949 : memref<1x64xf32, #tpu.memory_space<vmem>>)
      %dma_wait3A_952 = arith.constant 7 : i32
      %dma_wait3A_953 = arith.constant 0 : i32
      %dma_wait3A_954 = tpu.memref_slice %arg10[%dma_wait3A_952, %dma_wait3A_953] : memref<32x64xf32, #tpu.memory_space<vmem>> -> memref<1x64xf32, #tpu.memory_space<vmem>>
      %dma_wait3A_955 = arith.constant 0 : i32
      %dma_wait3A_956 = tpu.memref_slice %arg5[%squeeze3A_204, %dma_wait3A_955] : memref<1000000x64xf32, #tpu.memory_space<hbm>> -> memref<1x64xf32, #tpu.memory_space<hbm>>
      %dma_wait3A_957 = arith.constant 7 : i32
      %dma_wait3A_958 = arith.constant 0 : i32
      %dma_wait3A_959 = tpu.memref_slice %arg10[%dma_wait3A_957, %dma_wait3A_958] : memref<32x64xf32, #tpu.memory_space<vmem>> -> memref<1x64xf32, #tpu.memory_space<vmem>>
      %dma_wait3A_960 = arith.constant 0 : i32
      %dma_wait3A_961 = tpu.memref_slice %arg5[%squeeze3A_204, %dma_wait3A_960] : memref<1000000x64xf32, #tpu.memory_space<hbm>> -> memref<1x64xf32, #tpu.memory_space<hbm>>
      tpu.wait_dma2 semaphore(%arg14 : memref<!tpu.dma_semaphore, #tpu.memory_space<semaphore_mem>>) src(%dma_wait3A_961 : memref<1x64xf32, #tpu.memory_space<hbm>>) dst(%dma_wait3A_959 : memref<1x64xf32, #tpu.memory_space<vmem>>)
      %dma_wait3A_962 = arith.constant 8 : i32
      %dma_wait3A_963 = arith.constant 0 : i32
      %dma_wait3A_964 = tpu.memref_slice %arg9[%dma_wait3A_962, %dma_wait3A_963] : memref<32x64xf32, #tpu.memory_space<vmem>> -> memref<1x64xf32, #tpu.memory_space<vmem>>
      %dma_wait3A_965 = arith.constant 0 : i32
      %dma_wait3A_966 = tpu.memref_slice %arg4[%squeeze3A_216, %dma_wait3A_965] : memref<1000000x64xf32, #tpu.memory_space<hbm>> -> memref<1x64xf32, #tpu.memory_space<hbm>>
      %dma_wait3A_967 = arith.constant 8 : i32
      %dma_wait3A_968 = arith.constant 0 : i32
      %dma_wait3A_969 = tpu.memref_slice %arg9[%dma_wait3A_967, %dma_wait3A_968] : memref<32x64xf32, #tpu.memory_space<vmem>> -> memref<1x64xf32, #tpu.memory_space<vmem>>
      %dma_wait3A_970 = arith.constant 0 : i32
      %dma_wait3A_971 = tpu.memref_slice %arg4[%squeeze3A_216, %dma_wait3A_970] : memref<1000000x64xf32, #tpu.memory_space<hbm>> -> memref<1x64xf32, #tpu.memory_space<hbm>>
      tpu.wait_dma2 semaphore(%arg13 : memref<!tpu.dma_semaphore, #tpu.memory_space<semaphore_mem>>) src(%dma_wait3A_971 : memref<1x64xf32, #tpu.memory_space<hbm>>) dst(%dma_wait3A_969 : memref<1x64xf32, #tpu.memory_space<vmem>>)
      %dma_wait3A_972 = arith.constant 8 : i32
      %dma_wait3A_973 = arith.constant 0 : i32
      %dma_wait3A_974 = tpu.memref_slice %arg10[%dma_wait3A_972, %dma_wait3A_973] : memref<32x64xf32, #tpu.memory_space<vmem>> -> memref<1x64xf32, #tpu.memory_space<vmem>>
      %dma_wait3A_975 = arith.constant 0 : i32
      %dma_wait3A_976 = tpu.memref_slice %arg5[%squeeze3A_228, %dma_wait3A_975] : memref<1000000x64xf32, #tpu.memory_space<hbm>> -> memref<1x64xf32, #tpu.memory_space<hbm>>
      %dma_wait3A_977 = arith.constant 8 : i32
      %dma_wait3A_978 = arith.constant 0 : i32
      %dma_wait3A_979 = tpu.memref_slice %arg10[%dma_wait3A_977, %dma_wait3A_978] : memref<32x64xf32, #tpu.memory_space<vmem>> -> memref<1x64xf32, #tpu.memory_space<vmem>>
      %dma_wait3A_980 = arith.constant 0 : i32
      %dma_wait3A_981 = tpu.memref_slice %arg5[%squeeze3A_228, %dma_wait3A_980] : memref<1000000x64xf32, #tpu.memory_space<hbm>> -> memref<1x64xf32, #tpu.memory_space<hbm>>
      tpu.wait_dma2 semaphore(%arg14 : memref<!tpu.dma_semaphore, #tpu.memory_space<semaphore_mem>>) src(%dma_wait3A_981 : memref<1x64xf32, #tpu.memory_space<hbm>>) dst(%dma_wait3A_979 : memref<1x64xf32, #tpu.memory_space<vmem>>)
      %dma_wait3A_982 = arith.constant 9 : i32
      %dma_wait3A_983 = arith.constant 0 : i32
      %dma_wait3A_984 = tpu.memref_slice %arg9[%dma_wait3A_982, %dma_wait3A_983] : memref<32x64xf32, #tpu.memory_space<vmem>> -> memref<1x64xf32, #tpu.memory_space<vmem>>
      %dma_wait3A_985 = arith.constant 0 : i32
      %dma_wait3A_986 = tpu.memref_slice %arg4[%squeeze3A_240, %dma_wait3A_985] : memref<1000000x64xf32, #tpu.memory_space<hbm>> -> memref<1x64xf32, #tpu.memory_space<hbm>>
      %dma_wait3A_987 = arith.constant 9 : i32
      %dma_wait3A_988 = arith.constant 0 : i32
      %dma_wait3A_989 = tpu.memref_slice %arg9[%dma_wait3A_987, %dma_wait3A_988] : memref<32x64xf32, #tpu.memory_space<vmem>> -> memref<1x64xf32, #tpu.memory_space<vmem>>
      %dma_wait3A_990 = arith.constant 0 : i32
      %dma_wait3A_991 = tpu.memref_slice %arg4[%squeeze3A_240, %dma_wait3A_990] : memref<1000000x64xf32, #tpu.memory_space<hbm>> -> memref<1x64xf32, #tpu.memory_space<hbm>>
      tpu.wait_dma2 semaphore(%arg13 : memref<!tpu.dma_semaphore, #tpu.memory_space<semaphore_mem>>) src(%dma_wait3A_991 : memref<1x64xf32, #tpu.memory_space<hbm>>) dst(%dma_wait3A_989 : memref<1x64xf32, #tpu.memory_space<vmem>>)
      %dma_wait3A_992 = arith.constant 9 : i32
      %dma_wait3A_993 = arith.constant 0 : i32
      %dma_wait3A_994 = tpu.memref_slice %arg10[%dma_wait3A_992, %dma_wait3A_993] : memref<32x64xf32, #tpu.memory_space<vmem>> -> memref<1x64xf32, #tpu.memory_space<vmem>>
      %dma_wait3A_995 = arith.constant 0 : i32
      %dma_wait3A_996 = tpu.memref_slice %arg5[%squeeze3A_252, %dma_wait3A_995] : memref<1000000x64xf32, #tpu.memory_space<hbm>> -> memref<1x64xf32, #tpu.memory_space<hbm>>
      %dma_wait3A_997 = arith.constant 9 : i32
      %dma_wait3A_998 = arith.constant 0 : i32
      %dma_wait3A_999 = tpu.memref_slice %arg10[%dma_wait3A_997, %dma_wait3A_998] : memref<32x64xf32, #tpu.memory_space<vmem>> -> memref<1x64xf32, #tpu.memory_space<vmem>>
      %dma_wait3A_1000 = arith.constant 0 : i32
      %dma_wait3A_1001 = tpu.memref_slice %arg5[%squeeze3A_252, %dma_wait3A_1000] : memref<1000000x64xf32, #tpu.memory_space<hbm>> -> memref<1x64xf32, #tpu.memory_space<hbm>>
      tpu.wait_dma2 semaphore(%arg14 : memref<!tpu.dma_semaphore, #tpu.memory_space<semaphore_mem>>) src(%dma_wait3A_1001 : memref<1x64xf32, #tpu.memory_space<hbm>>) dst(%dma_wait3A_999 : memref<1x64xf32, #tpu.memory_space<vmem>>)
      %dma_wait3A_1002 = arith.constant 10 : i32
      %dma_wait3A_1003 = arith.constant 0 : i32
      %dma_wait3A_1004 = tpu.memref_slice %arg9[%dma_wait3A_1002, %dma_wait3A_1003] : memref<32x64xf32, #tpu.memory_space<vmem>> -> memref<1x64xf32, #tpu.memory_space<vmem>>
      %dma_wait3A_1005 = arith.constant 0 : i32
      %dma_wait3A_1006 = tpu.memref_slice %arg4[%squeeze3A_264, %dma_wait3A_1005] : memref<1000000x64xf32, #tpu.memory_space<hbm>> -> memref<1x64xf32, #tpu.memory_space<hbm>>
      %dma_wait3A_1007 = arith.constant 10 : i32
      %dma_wait3A_1008 = arith.constant 0 : i32
      %dma_wait3A_1009 = tpu.memref_slice %arg9[%dma_wait3A_1007, %dma_wait3A_1008] : memref<32x64xf32, #tpu.memory_space<vmem>> -> memref<1x64xf32, #tpu.memory_space<vmem>>
      %dma_wait3A_1010 = arith.constant 0 : i32
      %dma_wait3A_1011 = tpu.memref_slice %arg4[%squeeze3A_264, %dma_wait3A_1010] : memref<1000000x64xf32, #tpu.memory_space<hbm>> -> memref<1x64xf32, #tpu.memory_space<hbm>>
      tpu.wait_dma2 semaphore(%arg13 : memref<!tpu.dma_semaphore, #tpu.memory_space<semaphore_mem>>) src(%dma_wait3A_1011 : memref<1x64xf32, #tpu.memory_space<hbm>>) dst(%dma_wait3A_1009 : memref<1x64xf32, #tpu.memory_space<vmem>>)
      %dma_wait3A_1012 = arith.constant 10 : i32
      %dma_wait3A_1013 = arith.constant 0 : i32
      %dma_wait3A_1014 = tpu.memref_slice %arg10[%dma_wait3A_1012, %dma_wait3A_1013] : memref<32x64xf32, #tpu.memory_space<vmem>> -> memref<1x64xf32, #tpu.memory_space<vmem>>
      %dma_wait3A_1015 = arith.constant 0 : i32
      %dma_wait3A_1016 = tpu.memref_slice %arg5[%squeeze3A_276, %dma_wait3A_1015] : memref<1000000x64xf32, #tpu.memory_space<hbm>> -> memref<1x64xf32, #tpu.memory_space<hbm>>
      %dma_wait3A_1017 = arith.constant 10 : i32
      %dma_wait3A_1018 = arith.constant 0 : i32
      %dma_wait3A_1019 = tpu.memref_slice %arg10[%dma_wait3A_1017, %dma_wait3A_1018] : memref<32x64xf32, #tpu.memory_space<vmem>> -> memref<1x64xf32, #tpu.memory_space<vmem>>
      %dma_wait3A_1020 = arith.constant 0 : i32
      %dma_wait3A_1021 = tpu.memref_slice %arg5[%squeeze3A_276, %dma_wait3A_1020] : memref<1000000x64xf32, #tpu.memory_space<hbm>> -> memref<1x64xf32, #tpu.memory_space<hbm>>
      tpu.wait_dma2 semaphore(%arg14 : memref<!tpu.dma_semaphore, #tpu.memory_space<semaphore_mem>>) src(%dma_wait3A_1021 : memref<1x64xf32, #tpu.memory_space<hbm>>) dst(%dma_wait3A_1019 : memref<1x64xf32, #tpu.memory_space<vmem>>)
      %dma_wait3A_1022 = arith.constant 11 : i32
      %dma_wait3A_1023 = arith.constant 0 : i32
      %dma_wait3A_1024 = tpu.memref_slice %arg9[%dma_wait3A_1022, %dma_wait3A_1023] : memref<32x64xf32, #tpu.memory_space<vmem>> -> memref<1x64xf32, #tpu.memory_space<vmem>>
      %dma_wait3A_1025 = arith.constant 0 : i32
      %dma_wait3A_1026 = tpu.memref_slice %arg4[%squeeze3A_288, %dma_wait3A_1025] : memref<1000000x64xf32, #tpu.memory_space<hbm>> -> memref<1x64xf32, #tpu.memory_space<hbm>>
      %dma_wait3A_1027 = arith.constant 11 : i32
      %dma_wait3A_1028 = arith.constant 0 : i32
      %dma_wait3A_1029 = tpu.memref_slice %arg9[%dma_wait3A_1027, %dma_wait3A_1028] : memref<32x64xf32, #tpu.memory_space<vmem>> -> memref<1x64xf32, #tpu.memory_space<vmem>>
      %dma_wait3A_1030 = arith.constant 0 : i32
      %dma_wait3A_1031 = tpu.memref_slice %arg4[%squeeze3A_288, %dma_wait3A_1030] : memref<1000000x64xf32, #tpu.memory_space<hbm>> -> memref<1x64xf32, #tpu.memory_space<hbm>>
      tpu.wait_dma2 semaphore(%arg13 : memref<!tpu.dma_semaphore, #tpu.memory_space<semaphore_mem>>) src(%dma_wait3A_1031 : memref<1x64xf32, #tpu.memory_space<hbm>>) dst(%dma_wait3A_1029 : memref<1x64xf32, #tpu.memory_space<vmem>>)
      %dma_wait3A_1032 = arith.constant 11 : i32
      %dma_wait3A_1033 = arith.constant 0 : i32
      %dma_wait3A_1034 = tpu.memref_slice %arg10[%dma_wait3A_1032, %dma_wait3A_1033] : memref<32x64xf32, #tpu.memory_space<vmem>> -> memref<1x64xf32, #tpu.memory_space<vmem>>
      %dma_wait3A_1035 = arith.constant 0 : i32
      %dma_wait3A_1036 = tpu.memref_slice %arg5[%squeeze3A_300, %dma_wait3A_1035] : memref<1000000x64xf32, #tpu.memory_space<hbm>> -> memref<1x64xf32, #tpu.memory_space<hbm>>
      %dma_wait3A_1037 = arith.constant 11 : i32
      %dma_wait3A_1038 = arith.constant 0 : i32
      %dma_wait3A_1039 = tpu.memref_slice %arg10[%dma_wait3A_1037, %dma_wait3A_1038] : memref<32x64xf32, #tpu.memory_space<vmem>> -> memref<1x64xf32, #tpu.memory_space<vmem>>
      %dma_wait3A_1040 = arith.constant 0 : i32
      %dma_wait3A_1041 = tpu.memref_slice %arg5[%squeeze3A_300, %dma_wait3A_1040] : memref<1000000x64xf32, #tpu.memory_space<hbm>> -> memref<1x64xf32, #tpu.memory_space<hbm>>
      tpu.wait_dma2 semaphore(%arg14 : memref<!tpu.dma_semaphore, #tpu.memory_space<semaphore_mem>>) src(%dma_wait3A_1041 : memref<1x64xf32, #tpu.memory_space<hbm>>) dst(%dma_wait3A_1039 : memref<1x64xf32, #tpu.memory_space<vmem>>)
      %dma_wait3A_1042 = arith.constant 12 : i32
      %dma_wait3A_1043 = arith.constant 0 : i32
      %dma_wait3A_1044 = tpu.memref_slice %arg9[%dma_wait3A_1042, %dma_wait3A_1043] : memref<32x64xf32, #tpu.memory_space<vmem>> -> memref<1x64xf32, #tpu.memory_space<vmem>>
      %dma_wait3A_1045 = arith.constant 0 : i32
      %dma_wait3A_1046 = tpu.memref_slice %arg4[%squeeze3A_312, %dma_wait3A_1045] : memref<1000000x64xf32, #tpu.memory_space<hbm>> -> memref<1x64xf32, #tpu.memory_space<hbm>>
      %dma_wait3A_1047 = arith.constant 12 : i32
      %dma_wait3A_1048 = arith.constant 0 : i32
      %dma_wait3A_1049 = tpu.memref_slice %arg9[%dma_wait3A_1047, %dma_wait3A_1048] : memref<32x64xf32, #tpu.memory_space<vmem>> -> memref<1x64xf32, #tpu.memory_space<vmem>>
      %dma_wait3A_1050 = arith.constant 0 : i32
      %dma_wait3A_1051 = tpu.memref_slice %arg4[%squeeze3A_312, %dma_wait3A_1050] : memref<1000000x64xf32, #tpu.memory_space<hbm>> -> memref<1x64xf32, #tpu.memory_space<hbm>>
      tpu.wait_dma2 semaphore(%arg13 : memref<!tpu.dma_semaphore, #tpu.memory_space<semaphore_mem>>) src(%dma_wait3A_1051 : memref<1x64xf32, #tpu.memory_space<hbm>>) dst(%dma_wait3A_1049 : memref<1x64xf32, #tpu.memory_space<vmem>>)
      %dma_wait3A_1052 = arith.constant 12 : i32
      %dma_wait3A_1053 = arith.constant 0 : i32
      %dma_wait3A_1054 = tpu.memref_slice %arg10[%dma_wait3A_1052, %dma_wait3A_1053] : memref<32x64xf32, #tpu.memory_space<vmem>> -> memref<1x64xf32, #tpu.memory_space<vmem>>
      %dma_wait3A_1055 = arith.constant 0 : i32
      %dma_wait3A_1056 = tpu.memref_slice %arg5[%squeeze3A_324, %dma_wait3A_1055] : memref<1000000x64xf32, #tpu.memory_space<hbm>> -> memref<1x64xf32, #tpu.memory_space<hbm>>
      %dma_wait3A_1057 = arith.constant 12 : i32
      %dma_wait3A_1058 = arith.constant 0 : i32
      %dma_wait3A_1059 = tpu.memref_slice %arg10[%dma_wait3A_1057, %dma_wait3A_1058] : memref<32x64xf32, #tpu.memory_space<vmem>> -> memref<1x64xf32, #tpu.memory_space<vmem>>
      %dma_wait3A_1060 = arith.constant 0 : i32
      %dma_wait3A_1061 = tpu.memref_slice %arg5[%squeeze3A_324, %dma_wait3A_1060] : memref<1000000x64xf32, #tpu.memory_space<hbm>> -> memref<1x64xf32, #tpu.memory_space<hbm>>
      tpu.wait_dma2 semaphore(%arg14 : memref<!tpu.dma_semaphore, #tpu.memory_space<semaphore_mem>>) src(%dma_wait3A_1061 : memref<1x64xf32, #tpu.memory_space<hbm>>) dst(%dma_wait3A_1059 : memref<1x64xf32, #tpu.memory_space<vmem>>)
      %dma_wait3A_1062 = arith.constant 13 : i32
      %dma_wait3A_1063 = arith.constant 0 : i32
      %dma_wait3A_1064 = tpu.memref_slice %arg9[%dma_wait3A_1062, %dma_wait3A_1063] : memref<32x64xf32, #tpu.memory_space<vmem>> -> memref<1x64xf32, #tpu.memory_space<vmem>>
      %dma_wait3A_1065 = arith.constant 0 : i32
      %dma_wait3A_1066 = tpu.memref_slice %arg4[%squeeze3A_336, %dma_wait3A_1065] : memref<1000000x64xf32, #tpu.memory_space<hbm>> -> memref<1x64xf32, #tpu.memory_space<hbm>>
      %dma_wait3A_1067 = arith.constant 13 : i32
      %dma_wait3A_1068 = arith.constant 0 : i32
      %dma_wait3A_1069 = tpu.memref_slice %arg9[%dma_wait3A_1067, %dma_wait3A_1068] : memref<32x64xf32, #tpu.memory_space<vmem>> -> memref<1x64xf32, #tpu.memory_space<vmem>>
      %dma_wait3A_1070 = arith.constant 0 : i32
      %dma_wait3A_1071 = tpu.memref_slice %arg4[%squeeze3A_336, %dma_wait3A_1070] : memref<1000000x64xf32, #tpu.memory_space<hbm>> -> memref<1x64xf32, #tpu.memory_space<hbm>>
      tpu.wait_dma2 semaphore(%arg13 : memref<!tpu.dma_semaphore, #tpu.memory_space<semaphore_mem>>) src(%dma_wait3A_1071 : memref<1x64xf32, #tpu.memory_space<hbm>>) dst(%dma_wait3A_1069 : memref<1x64xf32, #tpu.memory_space<vmem>>)
      %dma_wait3A_1072 = arith.constant 13 : i32
      %dma_wait3A_1073 = arith.constant 0 : i32
      %dma_wait3A_1074 = tpu.memref_slice %arg10[%dma_wait3A_1072, %dma_wait3A_1073] : memref<32x64xf32, #tpu.memory_space<vmem>> -> memref<1x64xf32, #tpu.memory_space<vmem>>
      %dma_wait3A_1075 = arith.constant 0 : i32
      %dma_wait3A_1076 = tpu.memref_slice %arg5[%squeeze3A_348, %dma_wait3A_1075] : memref<1000000x64xf32, #tpu.memory_space<hbm>> -> memref<1x64xf32, #tpu.memory_space<hbm>>
      %dma_wait3A_1077 = arith.constant 13 : i32
      %dma_wait3A_1078 = arith.constant 0 : i32
      %dma_wait3A_1079 = tpu.memref_slice %arg10[%dma_wait3A_1077, %dma_wait3A_1078] : memref<32x64xf32, #tpu.memory_space<vmem>> -> memref<1x64xf32, #tpu.memory_space<vmem>>
      %dma_wait3A_1080 = arith.constant 0 : i32
      %dma_wait3A_1081 = tpu.memref_slice %arg5[%squeeze3A_348, %dma_wait3A_1080] : memref<1000000x64xf32, #tpu.memory_space<hbm>> -> memref<1x64xf32, #tpu.memory_space<hbm>>
      tpu.wait_dma2 semaphore(%arg14 : memref<!tpu.dma_semaphore, #tpu.memory_space<semaphore_mem>>) src(%dma_wait3A_1081 : memref<1x64xf32, #tpu.memory_space<hbm>>) dst(%dma_wait3A_1079 : memref<1x64xf32, #tpu.memory_space<vmem>>)
      %dma_wait3A_1082 = arith.constant 14 : i32
      %dma_wait3A_1083 = arith.constant 0 : i32
      %dma_wait3A_1084 = tpu.memref_slice %arg9[%dma_wait3A_1082, %dma_wait3A_1083] : memref<32x64xf32, #tpu.memory_space<vmem>> -> memref<1x64xf32, #tpu.memory_space<vmem>>
      %dma_wait3A_1085 = arith.constant 0 : i32
      %dma_wait3A_1086 = tpu.memref_slice %arg4[%squeeze3A_360, %dma_wait3A_1085] : memref<1000000x64xf32, #tpu.memory_space<hbm>> -> memref<1x64xf32, #tpu.memory_space<hbm>>
      %dma_wait3A_1087 = arith.constant 14 : i32
      %dma_wait3A_1088 = arith.constant 0 : i32
      %dma_wait3A_1089 = tpu.memref_slice %arg9[%dma_wait3A_1087, %dma_wait3A_1088] : memref<32x64xf32, #tpu.memory_space<vmem>> -> memref<1x64xf32, #tpu.memory_space<vmem>>
      %dma_wait3A_1090 = arith.constant 0 : i32
      %dma_wait3A_1091 = tpu.memref_slice %arg4[%squeeze3A_360, %dma_wait3A_1090] : memref<1000000x64xf32, #tpu.memory_space<hbm>> -> memref<1x64xf32, #tpu.memory_space<hbm>>
      tpu.wait_dma2 semaphore(%arg13 : memref<!tpu.dma_semaphore, #tpu.memory_space<semaphore_mem>>) src(%dma_wait3A_1091 : memref<1x64xf32, #tpu.memory_space<hbm>>) dst(%dma_wait3A_1089 : memref<1x64xf32, #tpu.memory_space<vmem>>)
      %dma_wait3A_1092 = arith.constant 14 : i32
      %dma_wait3A_1093 = arith.constant 0 : i32
      %dma_wait3A_1094 = tpu.memref_slice %arg10[%dma_wait3A_1092, %dma_wait3A_1093] : memref<32x64xf32, #tpu.memory_space<vmem>> -> memref<1x64xf32, #tpu.memory_space<vmem>>
      %dma_wait3A_1095 = arith.constant 0 : i32
      %dma_wait3A_1096 = tpu.memref_slice %arg5[%squeeze3A_372, %dma_wait3A_1095] : memref<1000000x64xf32, #tpu.memory_space<hbm>> -> memref<1x64xf32, #tpu.memory_space<hbm>>
      %dma_wait3A_1097 = arith.constant 14 : i32
      %dma_wait3A_1098 = arith.constant 0 : i32
      %dma_wait3A_1099 = tpu.memref_slice %arg10[%dma_wait3A_1097, %dma_wait3A_1098] : memref<32x64xf32, #tpu.memory_space<vmem>> -> memref<1x64xf32, #tpu.memory_space<vmem>>
      %dma_wait3A_1100 = arith.constant 0 : i32
      %dma_wait3A_1101 = tpu.memref_slice %arg5[%squeeze3A_372, %dma_wait3A_1100] : memref<1000000x64xf32, #tpu.memory_space<hbm>> -> memref<1x64xf32, #tpu.memory_space<hbm>>
      tpu.wait_dma2 semaphore(%arg14 : memref<!tpu.dma_semaphore, #tpu.memory_space<semaphore_mem>>) src(%dma_wait3A_1101 : memref<1x64xf32, #tpu.memory_space<hbm>>) dst(%dma_wait3A_1099 : memref<1x64xf32, #tpu.memory_space<vmem>>)
      %dma_wait3A_1102 = arith.constant 15 : i32
      %dma_wait3A_1103 = arith.constant 0 : i32
      %dma_wait3A_1104 = tpu.memref_slice %arg9[%dma_wait3A_1102, %dma_wait3A_1103] : memref<32x64xf32, #tpu.memory_space<vmem>> -> memref<1x64xf32, #tpu.memory_space<vmem>>
      %dma_wait3A_1105 = arith.constant 0 : i32
      %dma_wait3A_1106 = tpu.memref_slice %arg4[%squeeze3A_384, %dma_wait3A_1105] : memref<1000000x64xf32, #tpu.memory_space<hbm>> -> memref<1x64xf32, #tpu.memory_space<hbm>>
      %dma_wait3A_1107 = arith.constant 15 : i32
      %dma_wait3A_1108 = arith.constant 0 : i32
      %dma_wait3A_1109 = tpu.memref_slice %arg9[%dma_wait3A_1107, %dma_wait3A_1108] : memref<32x64xf32, #tpu.memory_space<vmem>> -> memref<1x64xf32, #tpu.memory_space<vmem>>
      %dma_wait3A_1110 = arith.constant 0 : i32
      %dma_wait3A_1111 = tpu.memref_slice %arg4[%squeeze3A_384, %dma_wait3A_1110] : memref<1000000x64xf32, #tpu.memory_space<hbm>> -> memref<1x64xf32, #tpu.memory_space<hbm>>
      tpu.wait_dma2 semaphore(%arg13 : memref<!tpu.dma_semaphore, #tpu.memory_space<semaphore_mem>>) src(%dma_wait3A_1111 : memref<1x64xf32, #tpu.memory_space<hbm>>) dst(%dma_wait3A_1109 : memref<1x64xf32, #tpu.memory_space<vmem>>)
      %dma_wait3A_1112 = arith.constant 15 : i32
      %dma_wait3A_1113 = arith.constant 0 : i32
      %dma_wait3A_1114 = tpu.memref_slice %arg10[%dma_wait3A_1112, %dma_wait3A_1113] : memref<32x64xf32, #tpu.memory_space<vmem>> -> memref<1x64xf32, #tpu.memory_space<vmem>>
      %dma_wait3A_1115 = arith.constant 0 : i32
      %dma_wait3A_1116 = tpu.memref_slice %arg5[%squeeze3A_396, %dma_wait3A_1115] : memref<1000000x64xf32, #tpu.memory_space<hbm>> -> memref<1x64xf32, #tpu.memory_space<hbm>>
      %dma_wait3A_1117 = arith.constant 15 : i32
      %dma_wait3A_1118 = arith.constant 0 : i32
      %dma_wait3A_1119 = tpu.memref_slice %arg10[%dma_wait3A_1117, %dma_wait3A_1118] : memref<32x64xf32, #tpu.memory_space<vmem>> -> memref<1x64xf32, #tpu.memory_space<vmem>>
      %dma_wait3A_1120 = arith.constant 0 : i32
      %dma_wait3A_1121 = tpu.memref_slice %arg5[%squeeze3A_396, %dma_wait3A_1120] : memref<1000000x64xf32, #tpu.memory_space<hbm>> -> memref<1x64xf32, #tpu.memory_space<hbm>>
      tpu.wait_dma2 semaphore(%arg14 : memref<!tpu.dma_semaphore, #tpu.memory_space<semaphore_mem>>) src(%dma_wait3A_1121 : memref<1x64xf32, #tpu.memory_space<hbm>>) dst(%dma_wait3A_1119 : memref<1x64xf32, #tpu.memory_space<vmem>>)
      %dma_wait3A_1122 = arith.constant 16 : i32
      %dma_wait3A_1123 = arith.constant 0 : i32
      %dma_wait3A_1124 = tpu.memref_slice %arg9[%dma_wait3A_1122, %dma_wait3A_1123] : memref<32x64xf32, #tpu.memory_space<vmem>> -> memref<1x64xf32, #tpu.memory_space<vmem>>
      %dma_wait3A_1125 = arith.constant 0 : i32
      %dma_wait3A_1126 = tpu.memref_slice %arg4[%squeeze3A_420, %dma_wait3A_1125] : memref<1000000x64xf32, #tpu.memory_space<hbm>> -> memref<1x64xf32, #tpu.memory_space<hbm>>
      %dma_wait3A_1127 = arith.constant 16 : i32
      %dma_wait3A_1128 = arith.constant 0 : i32
      %dma_wait3A_1129 = tpu.memref_slice %arg9[%dma_wait3A_1127, %dma_wait3A_1128] : memref<32x64xf32, #tpu.memory_space<vmem>> -> memref<1x64xf32, #tpu.memory_space<vmem>>
      %dma_wait3A_1130 = arith.constant 0 : i32
      %dma_wait3A_1131 = tpu.memref_slice %arg4[%squeeze3A_420, %dma_wait3A_1130] : memref<1000000x64xf32, #tpu.memory_space<hbm>> -> memref<1x64xf32, #tpu.memory_space<hbm>>
      tpu.wait_dma2 semaphore(%arg13 : memref<!tpu.dma_semaphore, #tpu.memory_space<semaphore_mem>>) src(%dma_wait3A_1131 : memref<1x64xf32, #tpu.memory_space<hbm>>) dst(%dma_wait3A_1129 : memref<1x64xf32, #tpu.memory_space<vmem>>)
      %dma_wait3A_1132 = arith.constant 16 : i32
      %dma_wait3A_1133 = arith.constant 0 : i32
      %dma_wait3A_1134 = tpu.memref_slice %arg10[%dma_wait3A_1132, %dma_wait3A_1133] : memref<32x64xf32, #tpu.memory_space<vmem>> -> memref<1x64xf32, #tpu.memory_space<vmem>>
      %dma_wait3A_1135 = arith.constant 0 : i32
      %dma_wait3A_1136 = tpu.memref_slice %arg5[%squeeze3A_432, %dma_wait3A_1135] : memref<1000000x64xf32, #tpu.memory_space<hbm>> -> memref<1x64xf32, #tpu.memory_space<hbm>>
      %dma_wait3A_1137 = arith.constant 16 : i32
      %dma_wait3A_1138 = arith.constant 0 : i32
      %dma_wait3A_1139 = tpu.memref_slice %arg10[%dma_wait3A_1137, %dma_wait3A_1138] : memref<32x64xf32, #tpu.memory_space<vmem>> -> memref<1x64xf32, #tpu.memory_space<vmem>>
      %dma_wait3A_1140 = arith.constant 0 : i32
      %dma_wait3A_1141 = tpu.memref_slice %arg5[%squeeze3A_432, %dma_wait3A_1140] : memref<1000000x64xf32, #tpu.memory_space<hbm>> -> memref<1x64xf32, #tpu.memory_space<hbm>>
      tpu.wait_dma2 semaphore(%arg14 : memref<!tpu.dma_semaphore, #tpu.memory_space<semaphore_mem>>) src(%dma_wait3A_1141 : memref<1x64xf32, #tpu.memory_space<hbm>>) dst(%dma_wait3A_1139 : memref<1x64xf32, #tpu.memory_space<vmem>>)
      %dma_wait3A_1142 = arith.constant 17 : i32
      %dma_wait3A_1143 = arith.constant 0 : i32
      %dma_wait3A_1144 = tpu.memref_slice %arg9[%dma_wait3A_1142, %dma_wait3A_1143] : memref<32x64xf32, #tpu.memory_space<vmem>> -> memref<1x64xf32, #tpu.memory_space<vmem>>
      %dma_wait3A_1145 = arith.constant 0 : i32
      %dma_wait3A_1146 = tpu.memref_slice %arg4[%squeeze3A_444, %dma_wait3A_1145] : memref<1000000x64xf32, #tpu.memory_space<hbm>> -> memref<1x64xf32, #tpu.memory_space<hbm>>
      %dma_wait3A_1147 = arith.constant 17 : i32
      %dma_wait3A_1148 = arith.constant 0 : i32
      %dma_wait3A_1149 = tpu.memref_slice %arg9[%dma_wait3A_1147, %dma_wait3A_1148] : memref<32x64xf32, #tpu.memory_space<vmem>> -> memref<1x64xf32, #tpu.memory_space<vmem>>
      %dma_wait3A_1150 = arith.constant 0 : i32
      %dma_wait3A_1151 = tpu.memref_slice %arg4[%squeeze3A_444, %dma_wait3A_1150] : memref<1000000x64xf32, #tpu.memory_space<hbm>> -> memref<1x64xf32, #tpu.memory_space<hbm>>
      tpu.wait_dma2 semaphore(%arg13 : memref<!tpu.dma_semaphore, #tpu.memory_space<semaphore_mem>>) src(%dma_wait3A_1151 : memref<1x64xf32, #tpu.memory_space<hbm>>) dst(%dma_wait3A_1149 : memref<1x64xf32, #tpu.memory_space<vmem>>)
      %dma_wait3A_1152 = arith.constant 17 : i32
      %dma_wait3A_1153 = arith.constant 0 : i32
      %dma_wait3A_1154 = tpu.memref_slice %arg10[%dma_wait3A_1152, %dma_wait3A_1153] : memref<32x64xf32, #tpu.memory_space<vmem>> -> memref<1x64xf32, #tpu.memory_space<vmem>>
      %dma_wait3A_1155 = arith.constant 0 : i32
      %dma_wait3A_1156 = tpu.memref_slice %arg5[%squeeze3A_456, %dma_wait3A_1155] : memref<1000000x64xf32, #tpu.memory_space<hbm>> -> memref<1x64xf32, #tpu.memory_space<hbm>>
      %dma_wait3A_1157 = arith.constant 17 : i32
      %dma_wait3A_1158 = arith.constant 0 : i32
      %dma_wait3A_1159 = tpu.memref_slice %arg10[%dma_wait3A_1157, %dma_wait3A_1158] : memref<32x64xf32, #tpu.memory_space<vmem>> -> memref<1x64xf32, #tpu.memory_space<vmem>>
      %dma_wait3A_1160 = arith.constant 0 : i32
      %dma_wait3A_1161 = tpu.memref_slice %arg5[%squeeze3A_456, %dma_wait3A_1160] : memref<1000000x64xf32, #tpu.memory_space<hbm>> -> memref<1x64xf32, #tpu.memory_space<hbm>>
      tpu.wait_dma2 semaphore(%arg14 : memref<!tpu.dma_semaphore, #tpu.memory_space<semaphore_mem>>) src(%dma_wait3A_1161 : memref<1x64xf32, #tpu.memory_space<hbm>>) dst(%dma_wait3A_1159 : memref<1x64xf32, #tpu.memory_space<vmem>>)
      %dma_wait3A_1162 = arith.constant 18 : i32
      %dma_wait3A_1163 = arith.constant 0 : i32
      %dma_wait3A_1164 = tpu.memref_slice %arg9[%dma_wait3A_1162, %dma_wait3A_1163] : memref<32x64xf32, #tpu.memory_space<vmem>> -> memref<1x64xf32, #tpu.memory_space<vmem>>
      %dma_wait3A_1165 = arith.constant 0 : i32
      %dma_wait3A_1166 = tpu.memref_slice %arg4[%squeeze3A_468, %dma_wait3A_1165] : memref<1000000x64xf32, #tpu.memory_space<hbm>> -> memref<1x64xf32, #tpu.memory_space<hbm>>
      %dma_wait3A_1167 = arith.constant 18 : i32
      %dma_wait3A_1168 = arith.constant 0 : i32
      %dma_wait3A_1169 = tpu.memref_slice %arg9[%dma_wait3A_1167, %dma_wait3A_1168] : memref<32x64xf32, #tpu.memory_space<vmem>> -> memref<1x64xf32, #tpu.memory_space<vmem>>
      %dma_wait3A_1170 = arith.constant 0 : i32
      %dma_wait3A_1171 = tpu.memref_slice %arg4[%squeeze3A_468, %dma_wait3A_1170] : memref<1000000x64xf32, #tpu.memory_space<hbm>> -> memref<1x64xf32, #tpu.memory_space<hbm>>
      tpu.wait_dma2 semaphore(%arg13 : memref<!tpu.dma_semaphore, #tpu.memory_space<semaphore_mem>>) src(%dma_wait3A_1171 : memref<1x64xf32, #tpu.memory_space<hbm>>) dst(%dma_wait3A_1169 : memref<1x64xf32, #tpu.memory_space<vmem>>)
      %dma_wait3A_1172 = arith.constant 18 : i32
      %dma_wait3A_1173 = arith.constant 0 : i32
      %dma_wait3A_1174 = tpu.memref_slice %arg10[%dma_wait3A_1172, %dma_wait3A_1173] : memref<32x64xf32, #tpu.memory_space<vmem>> -> memref<1x64xf32, #tpu.memory_space<vmem>>
      %dma_wait3A_1175 = arith.constant 0 : i32
      %dma_wait3A_1176 = tpu.memref_slice %arg5[%squeeze3A_480, %dma_wait3A_1175] : memref<1000000x64xf32, #tpu.memory_space<hbm>> -> memref<1x64xf32, #tpu.memory_space<hbm>>
      %dma_wait3A_1177 = arith.constant 18 : i32
      %dma_wait3A_1178 = arith.constant 0 : i32
      %dma_wait3A_1179 = tpu.memref_slice %arg10[%dma_wait3A_1177, %dma_wait3A_1178] : memref<32x64xf32, #tpu.memory_space<vmem>> -> memref<1x64xf32, #tpu.memory_space<vmem>>
      %dma_wait3A_1180 = arith.constant 0 : i32
      %dma_wait3A_1181 = tpu.memref_slice %arg5[%squeeze3A_480, %dma_wait3A_1180] : memref<1000000x64xf32, #tpu.memory_space<hbm>> -> memref<1x64xf32, #tpu.memory_space<hbm>>
      tpu.wait_dma2 semaphore(%arg14 : memref<!tpu.dma_semaphore, #tpu.memory_space<semaphore_mem>>) src(%dma_wait3A_1181 : memref<1x64xf32, #tpu.memory_space<hbm>>) dst(%dma_wait3A_1179 : memref<1x64xf32, #tpu.memory_space<vmem>>)
      %dma_wait3A_1182 = arith.constant 19 : i32
      %dma_wait3A_1183 = arith.constant 0 : i32
      %dma_wait3A_1184 = tpu.memref_slice %arg9[%dma_wait3A_1182, %dma_wait3A_1183] : memref<32x64xf32, #tpu.memory_space<vmem>> -> memref<1x64xf32, #tpu.memory_space<vmem>>
      %dma_wait3A_1185 = arith.constant 0 : i32
      %dma_wait3A_1186 = tpu.memref_slice %arg4[%squeeze3A_492, %dma_wait3A_1185] : memref<1000000x64xf32, #tpu.memory_space<hbm>> -> memref<1x64xf32, #tpu.memory_space<hbm>>
      %dma_wait3A_1187 = arith.constant 19 : i32
      %dma_wait3A_1188 = arith.constant 0 : i32
      %dma_wait3A_1189 = tpu.memref_slice %arg9[%dma_wait3A_1187, %dma_wait3A_1188] : memref<32x64xf32, #tpu.memory_space<vmem>> -> memref<1x64xf32, #tpu.memory_space<vmem>>
      %dma_wait3A_1190 = arith.constant 0 : i32
      %dma_wait3A_1191 = tpu.memref_slice %arg4[%squeeze3A_492, %dma_wait3A_1190] : memref<1000000x64xf32, #tpu.memory_space<hbm>> -> memref<1x64xf32, #tpu.memory_space<hbm>>
      tpu.wait_dma2 semaphore(%arg13 : memref<!tpu.dma_semaphore, #tpu.memory_space<semaphore_mem>>) src(%dma_wait3A_1191 : memref<1x64xf32, #tpu.memory_space<hbm>>) dst(%dma_wait3A_1189 : memref<1x64xf32, #tpu.memory_space<vmem>>)
      %dma_wait3A_1192 = arith.constant 19 : i32
      %dma_wait3A_1193 = arith.constant 0 : i32
      %dma_wait3A_1194 = tpu.memref_slice %arg10[%dma_wait3A_1192, %dma_wait3A_1193] : memref<32x64xf32, #tpu.memory_space<vmem>> -> memref<1x64xf32, #tpu.memory_space<vmem>>
      %dma_wait3A_1195 = arith.constant 0 : i32
      %dma_wait3A_1196 = tpu.memref_slice %arg5[%squeeze3A_504, %dma_wait3A_1195] : memref<1000000x64xf32, #tpu.memory_space<hbm>> -> memref<1x64xf32, #tpu.memory_space<hbm>>
      %dma_wait3A_1197 = arith.constant 19 : i32
      %dma_wait3A_1198 = arith.constant 0 : i32
      %dma_wait3A_1199 = tpu.memref_slice %arg10[%dma_wait3A_1197, %dma_wait3A_1198] : memref<32x64xf32, #tpu.memory_space<vmem>> -> memref<1x64xf32, #tpu.memory_space<vmem>>
      %dma_wait3A_1200 = arith.constant 0 : i32
      %dma_wait3A_1201 = tpu.memref_slice %arg5[%squeeze3A_504, %dma_wait3A_1200] : memref<1000000x64xf32, #tpu.memory_space<hbm>> -> memref<1x64xf32, #tpu.memory_space<hbm>>
      tpu.wait_dma2 semaphore(%arg14 : memref<!tpu.dma_semaphore, #tpu.memory_space<semaphore_mem>>) src(%dma_wait3A_1201 : memref<1x64xf32, #tpu.memory_space<hbm>>) dst(%dma_wait3A_1199 : memref<1x64xf32, #tpu.memory_space<vmem>>)
      %dma_wait3A_1202 = arith.constant 20 : i32
      %dma_wait3A_1203 = arith.constant 0 : i32
      %dma_wait3A_1204 = tpu.memref_slice %arg9[%dma_wait3A_1202, %dma_wait3A_1203] : memref<32x64xf32, #tpu.memory_space<vmem>> -> memref<1x64xf32, #tpu.memory_space<vmem>>
      %dma_wait3A_1205 = arith.constant 0 : i32
      %dma_wait3A_1206 = tpu.memref_slice %arg4[%squeeze3A_516, %dma_wait3A_1205] : memref<1000000x64xf32, #tpu.memory_space<hbm>> -> memref<1x64xf32, #tpu.memory_space<hbm>>
      %dma_wait3A_1207 = arith.constant 20 : i32
      %dma_wait3A_1208 = arith.constant 0 : i32
      %dma_wait3A_1209 = tpu.memref_slice %arg9[%dma_wait3A_1207, %dma_wait3A_1208] : memref<32x64xf32, #tpu.memory_space<vmem>> -> memref<1x64xf32, #tpu.memory_space<vmem>>
      %dma_wait3A_1210 = arith.constant 0 : i32
      %dma_wait3A_1211 = tpu.memref_slice %arg4[%squeeze3A_516, %dma_wait3A_1210] : memref<1000000x64xf32, #tpu.memory_space<hbm>> -> memref<1x64xf32, #tpu.memory_space<hbm>>
      tpu.wait_dma2 semaphore(%arg13 : memref<!tpu.dma_semaphore, #tpu.memory_space<semaphore_mem>>) src(%dma_wait3A_1211 : memref<1x64xf32, #tpu.memory_space<hbm>>) dst(%dma_wait3A_1209 : memref<1x64xf32, #tpu.memory_space<vmem>>)
      %dma_wait3A_1212 = arith.constant 20 : i32
      %dma_wait3A_1213 = arith.constant 0 : i32
      %dma_wait3A_1214 = tpu.memref_slice %arg10[%dma_wait3A_1212, %dma_wait3A_1213] : memref<32x64xf32, #tpu.memory_space<vmem>> -> memref<1x64xf32, #tpu.memory_space<vmem>>
      %dma_wait3A_1215 = arith.constant 0 : i32
      %dma_wait3A_1216 = tpu.memref_slice %arg5[%squeeze3A_528, %dma_wait3A_1215] : memref<1000000x64xf32, #tpu.memory_space<hbm>> -> memref<1x64xf32, #tpu.memory_space<hbm>>
      %dma_wait3A_1217 = arith.constant 20 : i32
      %dma_wait3A_1218 = arith.constant 0 : i32
      %dma_wait3A_1219 = tpu.memref_slice %arg10[%dma_wait3A_1217, %dma_wait3A_1218] : memref<32x64xf32, #tpu.memory_space<vmem>> -> memref<1x64xf32, #tpu.memory_space<vmem>>
      %dma_wait3A_1220 = arith.constant 0 : i32
      %dma_wait3A_1221 = tpu.memref_slice %arg5[%squeeze3A_528, %dma_wait3A_1220] : memref<1000000x64xf32, #tpu.memory_space<hbm>> -> memref<1x64xf32, #tpu.memory_space<hbm>>
      tpu.wait_dma2 semaphore(%arg14 : memref<!tpu.dma_semaphore, #tpu.memory_space<semaphore_mem>>) src(%dma_wait3A_1221 : memref<1x64xf32, #tpu.memory_space<hbm>>) dst(%dma_wait3A_1219 : memref<1x64xf32, #tpu.memory_space<vmem>>)
      %dma_wait3A_1222 = arith.constant 21 : i32
      %dma_wait3A_1223 = arith.constant 0 : i32
      %dma_wait3A_1224 = tpu.memref_slice %arg9[%dma_wait3A_1222, %dma_wait3A_1223] : memref<32x64xf32, #tpu.memory_space<vmem>> -> memref<1x64xf32, #tpu.memory_space<vmem>>
      %dma_wait3A_1225 = arith.constant 0 : i32
      %dma_wait3A_1226 = tpu.memref_slice %arg4[%squeeze3A_540, %dma_wait3A_1225] : memref<1000000x64xf32, #tpu.memory_space<hbm>> -> memref<1x64xf32, #tpu.memory_space<hbm>>
      %dma_wait3A_1227 = arith.constant 21 : i32
      %dma_wait3A_1228 = arith.constant 0 : i32
      %dma_wait3A_1229 = tpu.memref_slice %arg9[%dma_wait3A_1227, %dma_wait3A_1228] : memref<32x64xf32, #tpu.memory_space<vmem>> -> memref<1x64xf32, #tpu.memory_space<vmem>>
      %dma_wait3A_1230 = arith.constant 0 : i32
      %dma_wait3A_1231 = tpu.memref_slice %arg4[%squeeze3A_540, %dma_wait3A_1230] : memref<1000000x64xf32, #tpu.memory_space<hbm>> -> memref<1x64xf32, #tpu.memory_space<hbm>>
      tpu.wait_dma2 semaphore(%arg13 : memref<!tpu.dma_semaphore, #tpu.memory_space<semaphore_mem>>) src(%dma_wait3A_1231 : memref<1x64xf32, #tpu.memory_space<hbm>>) dst(%dma_wait3A_1229 : memref<1x64xf32, #tpu.memory_space<vmem>>)
      %dma_wait3A_1232 = arith.constant 21 : i32
      %dma_wait3A_1233 = arith.constant 0 : i32
      %dma_wait3A_1234 = tpu.memref_slice %arg10[%dma_wait3A_1232, %dma_wait3A_1233] : memref<32x64xf32, #tpu.memory_space<vmem>> -> memref<1x64xf32, #tpu.memory_space<vmem>>
      %dma_wait3A_1235 = arith.constant 0 : i32
      %dma_wait3A_1236 = tpu.memref_slice %arg5[%squeeze3A_552, %dma_wait3A_1235] : memref<1000000x64xf32, #tpu.memory_space<hbm>> -> memref<1x64xf32, #tpu.memory_space<hbm>>
      %dma_wait3A_1237 = arith.constant 21 : i32
      %dma_wait3A_1238 = arith.constant 0 : i32
      %dma_wait3A_1239 = tpu.memref_slice %arg10[%dma_wait3A_1237, %dma_wait3A_1238] : memref<32x64xf32, #tpu.memory_space<vmem>> -> memref<1x64xf32, #tpu.memory_space<vmem>>
      %dma_wait3A_1240 = arith.constant 0 : i32
      %dma_wait3A_1241 = tpu.memref_slice %arg5[%squeeze3A_552, %dma_wait3A_1240] : memref<1000000x64xf32, #tpu.memory_space<hbm>> -> memref<1x64xf32, #tpu.memory_space<hbm>>
      tpu.wait_dma2 semaphore(%arg14 : memref<!tpu.dma_semaphore, #tpu.memory_space<semaphore_mem>>) src(%dma_wait3A_1241 : memref<1x64xf32, #tpu.memory_space<hbm>>) dst(%dma_wait3A_1239 : memref<1x64xf32, #tpu.memory_space<vmem>>)
      %dma_wait3A_1242 = arith.constant 22 : i32
      %dma_wait3A_1243 = arith.constant 0 : i32
      %dma_wait3A_1244 = tpu.memref_slice %arg9[%dma_wait3A_1242, %dma_wait3A_1243] : memref<32x64xf32, #tpu.memory_space<vmem>> -> memref<1x64xf32, #tpu.memory_space<vmem>>
      %dma_wait3A_1245 = arith.constant 0 : i32
      %dma_wait3A_1246 = tpu.memref_slice %arg4[%squeeze3A_564, %dma_wait3A_1245] : memref<1000000x64xf32, #tpu.memory_space<hbm>> -> memref<1x64xf32, #tpu.memory_space<hbm>>
      %dma_wait3A_1247 = arith.constant 22 : i32
      %dma_wait3A_1248 = arith.constant 0 : i32
      %dma_wait3A_1249 = tpu.memref_slice %arg9[%dma_wait3A_1247, %dma_wait3A_1248] : memref<32x64xf32, #tpu.memory_space<vmem>> -> memref<1x64xf32, #tpu.memory_space<vmem>>
      %dma_wait3A_1250 = arith.constant 0 : i32
      %dma_wait3A_1251 = tpu.memref_slice %arg4[%squeeze3A_564, %dma_wait3A_1250] : memref<1000000x64xf32, #tpu.memory_space<hbm>> -> memref<1x64xf32, #tpu.memory_space<hbm>>
      tpu.wait_dma2 semaphore(%arg13 : memref<!tpu.dma_semaphore, #tpu.memory_space<semaphore_mem>>) src(%dma_wait3A_1251 : memref<1x64xf32, #tpu.memory_space<hbm>>) dst(%dma_wait3A_1249 : memref<1x64xf32, #tpu.memory_space<vmem>>)
      %dma_wait3A_1252 = arith.constant 22 : i32
      %dma_wait3A_1253 = arith.constant 0 : i32
      %dma_wait3A_1254 = tpu.memref_slice %arg10[%dma_wait3A_1252, %dma_wait3A_1253] : memref<32x64xf32, #tpu.memory_space<vmem>> -> memref<1x64xf32, #tpu.memory_space<vmem>>
      %dma_wait3A_1255 = arith.constant 0 : i32
      %dma_wait3A_1256 = tpu.memref_slice %arg5[%squeeze3A_576, %dma_wait3A_1255] : memref<1000000x64xf32, #tpu.memory_space<hbm>> -> memref<1x64xf32, #tpu.memory_space<hbm>>
      %dma_wait3A_1257 = arith.constant 22 : i32
      %dma_wait3A_1258 = arith.constant 0 : i32
      %dma_wait3A_1259 = tpu.memref_slice %arg10[%dma_wait3A_1257, %dma_wait3A_1258] : memref<32x64xf32, #tpu.memory_space<vmem>> -> memref<1x64xf32, #tpu.memory_space<vmem>>
      %dma_wait3A_1260 = arith.constant 0 : i32
      %dma_wait3A_1261 = tpu.memref_slice %arg5[%squeeze3A_576, %dma_wait3A_1260] : memref<1000000x64xf32, #tpu.memory_space<hbm>> -> memref<1x64xf32, #tpu.memory_space<hbm>>
      tpu.wait_dma2 semaphore(%arg14 : memref<!tpu.dma_semaphore, #tpu.memory_space<semaphore_mem>>) src(%dma_wait3A_1261 : memref<1x64xf32, #tpu.memory_space<hbm>>) dst(%dma_wait3A_1259 : memref<1x64xf32, #tpu.memory_space<vmem>>)
      %dma_wait3A_1262 = arith.constant 23 : i32
      %dma_wait3A_1263 = arith.constant 0 : i32
      %dma_wait3A_1264 = tpu.memref_slice %arg9[%dma_wait3A_1262, %dma_wait3A_1263] : memref<32x64xf32, #tpu.memory_space<vmem>> -> memref<1x64xf32, #tpu.memory_space<vmem>>
      %dma_wait3A_1265 = arith.constant 0 : i32
      %dma_wait3A_1266 = tpu.memref_slice %arg4[%squeeze3A_588, %dma_wait3A_1265] : memref<1000000x64xf32, #tpu.memory_space<hbm>> -> memref<1x64xf32, #tpu.memory_space<hbm>>
      %dma_wait3A_1267 = arith.constant 23 : i32
      %dma_wait3A_1268 = arith.constant 0 : i32
      %dma_wait3A_1269 = tpu.memref_slice %arg9[%dma_wait3A_1267, %dma_wait3A_1268] : memref<32x64xf32, #tpu.memory_space<vmem>> -> memref<1x64xf32, #tpu.memory_space<vmem>>
      %dma_wait3A_1270 = arith.constant 0 : i32
      %dma_wait3A_1271 = tpu.memref_slice %arg4[%squeeze3A_588, %dma_wait3A_1270] : memref<1000000x64xf32, #tpu.memory_space<hbm>> -> memref<1x64xf32, #tpu.memory_space<hbm>>
      tpu.wait_dma2 semaphore(%arg13 : memref<!tpu.dma_semaphore, #tpu.memory_space<semaphore_mem>>) src(%dma_wait3A_1271 : memref<1x64xf32, #tpu.memory_space<hbm>>) dst(%dma_wait3A_1269 : memref<1x64xf32, #tpu.memory_space<vmem>>)
      %dma_wait3A_1272 = arith.constant 23 : i32
      %dma_wait3A_1273 = arith.constant 0 : i32
      %dma_wait3A_1274 = tpu.memref_slice %arg10[%dma_wait3A_1272, %dma_wait3A_1273] : memref<32x64xf32, #tpu.memory_space<vmem>> -> memref<1x64xf32, #tpu.memory_space<vmem>>
      %dma_wait3A_1275 = arith.constant 0 : i32
      %dma_wait3A_1276 = tpu.memref_slice %arg5[%squeeze3A_600, %dma_wait3A_1275] : memref<1000000x64xf32, #tpu.memory_space<hbm>> -> memref<1x64xf32, #tpu.memory_space<hbm>>
      %dma_wait3A_1277 = arith.constant 23 : i32
      %dma_wait3A_1278 = arith.constant 0 : i32
      %dma_wait3A_1279 = tpu.memref_slice %arg10[%dma_wait3A_1277, %dma_wait3A_1278] : memref<32x64xf32, #tpu.memory_space<vmem>> -> memref<1x64xf32, #tpu.memory_space<vmem>>
      %dma_wait3A_1280 = arith.constant 0 : i32
      %dma_wait3A_1281 = tpu.memref_slice %arg5[%squeeze3A_600, %dma_wait3A_1280] : memref<1000000x64xf32, #tpu.memory_space<hbm>> -> memref<1x64xf32, #tpu.memory_space<hbm>>
      tpu.wait_dma2 semaphore(%arg14 : memref<!tpu.dma_semaphore, #tpu.memory_space<semaphore_mem>>) src(%dma_wait3A_1281 : memref<1x64xf32, #tpu.memory_space<hbm>>) dst(%dma_wait3A_1279 : memref<1x64xf32, #tpu.memory_space<vmem>>)
      %dma_wait3A_1282 = arith.constant 24 : i32
      %dma_wait3A_1283 = arith.constant 0 : i32
      %dma_wait3A_1284 = tpu.memref_slice %arg9[%dma_wait3A_1282, %dma_wait3A_1283] : memref<32x64xf32, #tpu.memory_space<vmem>> -> memref<1x64xf32, #tpu.memory_space<vmem>>
      %dma_wait3A_1285 = arith.constant 0 : i32
      %dma_wait3A_1286 = tpu.memref_slice %arg4[%squeeze3A_612, %dma_wait3A_1285] : memref<1000000x64xf32, #tpu.memory_space<hbm>> -> memref<1x64xf32, #tpu.memory_space<hbm>>
      %dma_wait3A_1287 = arith.constant 24 : i32
      %dma_wait3A_1288 = arith.constant 0 : i32
      %dma_wait3A_1289 = tpu.memref_slice %arg9[%dma_wait3A_1287, %dma_wait3A_1288] : memref<32x64xf32, #tpu.memory_space<vmem>> -> memref<1x64xf32, #tpu.memory_space<vmem>>
      %dma_wait3A_1290 = arith.constant 0 : i32
      %dma_wait3A_1291 = tpu.memref_slice %arg4[%squeeze3A_612, %dma_wait3A_1290] : memref<1000000x64xf32, #tpu.memory_space<hbm>> -> memref<1x64xf32, #tpu.memory_space<hbm>>
      tpu.wait_dma2 semaphore(%arg13 : memref<!tpu.dma_semaphore, #tpu.memory_space<semaphore_mem>>) src(%dma_wait3A_1291 : memref<1x64xf32, #tpu.memory_space<hbm>>) dst(%dma_wait3A_1289 : memref<1x64xf32, #tpu.memory_space<vmem>>)
      %dma_wait3A_1292 = arith.constant 24 : i32
      %dma_wait3A_1293 = arith.constant 0 : i32
      %dma_wait3A_1294 = tpu.memref_slice %arg10[%dma_wait3A_1292, %dma_wait3A_1293] : memref<32x64xf32, #tpu.memory_space<vmem>> -> memref<1x64xf32, #tpu.memory_space<vmem>>
      %dma_wait3A_1295 = arith.constant 0 : i32
      %dma_wait3A_1296 = tpu.memref_slice %arg5[%squeeze3A_624, %dma_wait3A_1295] : memref<1000000x64xf32, #tpu.memory_space<hbm>> -> memref<1x64xf32, #tpu.memory_space<hbm>>
      %dma_wait3A_1297 = arith.constant 24 : i32
      %dma_wait3A_1298 = arith.constant 0 : i32
      %dma_wait3A_1299 = tpu.memref_slice %arg10[%dma_wait3A_1297, %dma_wait3A_1298] : memref<32x64xf32, #tpu.memory_space<vmem>> -> memref<1x64xf32, #tpu.memory_space<vmem>>
      %dma_wait3A_1300 = arith.constant 0 : i32
      %dma_wait3A_1301 = tpu.memref_slice %arg5[%squeeze3A_624, %dma_wait3A_1300] : memref<1000000x64xf32, #tpu.memory_space<hbm>> -> memref<1x64xf32, #tpu.memory_space<hbm>>
      tpu.wait_dma2 semaphore(%arg14 : memref<!tpu.dma_semaphore, #tpu.memory_space<semaphore_mem>>) src(%dma_wait3A_1301 : memref<1x64xf32, #tpu.memory_space<hbm>>) dst(%dma_wait3A_1299 : memref<1x64xf32, #tpu.memory_space<vmem>>)
      %dma_wait3A_1302 = arith.constant 25 : i32
      %dma_wait3A_1303 = arith.constant 0 : i32
      %dma_wait3A_1304 = tpu.memref_slice %arg9[%dma_wait3A_1302, %dma_wait3A_1303] : memref<32x64xf32, #tpu.memory_space<vmem>> -> memref<1x64xf32, #tpu.memory_space<vmem>>
      %dma_wait3A_1305 = arith.constant 0 : i32
      %dma_wait3A_1306 = tpu.memref_slice %arg4[%squeeze3A_636, %dma_wait3A_1305] : memref<1000000x64xf32, #tpu.memory_space<hbm>> -> memref<1x64xf32, #tpu.memory_space<hbm>>
      %dma_wait3A_1307 = arith.constant 25 : i32
      %dma_wait3A_1308 = arith.constant 0 : i32
      %dma_wait3A_1309 = tpu.memref_slice %arg9[%dma_wait3A_1307, %dma_wait3A_1308] : memref<32x64xf32, #tpu.memory_space<vmem>> -> memref<1x64xf32, #tpu.memory_space<vmem>>
      %dma_wait3A_1310 = arith.constant 0 : i32
      %dma_wait3A_1311 = tpu.memref_slice %arg4[%squeeze3A_636, %dma_wait3A_1310] : memref<1000000x64xf32, #tpu.memory_space<hbm>> -> memref<1x64xf32, #tpu.memory_space<hbm>>
      tpu.wait_dma2 semaphore(%arg13 : memref<!tpu.dma_semaphore, #tpu.memory_space<semaphore_mem>>) src(%dma_wait3A_1311 : memref<1x64xf32, #tpu.memory_space<hbm>>) dst(%dma_wait3A_1309 : memref<1x64xf32, #tpu.memory_space<vmem>>)
      %dma_wait3A_1312 = arith.constant 25 : i32
      %dma_wait3A_1313 = arith.constant 0 : i32
      %dma_wait3A_1314 = tpu.memref_slice %arg10[%dma_wait3A_1312, %dma_wait3A_1313] : memref<32x64xf32, #tpu.memory_space<vmem>> -> memref<1x64xf32, #tpu.memory_space<vmem>>
      %dma_wait3A_1315 = arith.constant 0 : i32
      %dma_wait3A_1316 = tpu.memref_slice %arg5[%squeeze3A_648, %dma_wait3A_1315] : memref<1000000x64xf32, #tpu.memory_space<hbm>> -> memref<1x64xf32, #tpu.memory_space<hbm>>
      %dma_wait3A_1317 = arith.constant 25 : i32
      %dma_wait3A_1318 = arith.constant 0 : i32
      %dma_wait3A_1319 = tpu.memref_slice %arg10[%dma_wait3A_1317, %dma_wait3A_1318] : memref<32x64xf32, #tpu.memory_space<vmem>> -> memref<1x64xf32, #tpu.memory_space<vmem>>
      %dma_wait3A_1320 = arith.constant 0 : i32
      %dma_wait3A_1321 = tpu.memref_slice %arg5[%squeeze3A_648, %dma_wait3A_1320] : memref<1000000x64xf32, #tpu.memory_space<hbm>> -> memref<1x64xf32, #tpu.memory_space<hbm>>
      tpu.wait_dma2 semaphore(%arg14 : memref<!tpu.dma_semaphore, #tpu.memory_space<semaphore_mem>>) src(%dma_wait3A_1321 : memref<1x64xf32, #tpu.memory_space<hbm>>) dst(%dma_wait3A_1319 : memref<1x64xf32, #tpu.memory_space<vmem>>)
      %dma_wait3A_1322 = arith.constant 26 : i32
      %dma_wait3A_1323 = arith.constant 0 : i32
      %dma_wait3A_1324 = tpu.memref_slice %arg9[%dma_wait3A_1322, %dma_wait3A_1323] : memref<32x64xf32, #tpu.memory_space<vmem>> -> memref<1x64xf32, #tpu.memory_space<vmem>>
      %dma_wait3A_1325 = arith.constant 0 : i32
      %dma_wait3A_1326 = tpu.memref_slice %arg4[%squeeze3A_660, %dma_wait3A_1325] : memref<1000000x64xf32, #tpu.memory_space<hbm>> -> memref<1x64xf32, #tpu.memory_space<hbm>>
      %dma_wait3A_1327 = arith.constant 26 : i32
      %dma_wait3A_1328 = arith.constant 0 : i32
      %dma_wait3A_1329 = tpu.memref_slice %arg9[%dma_wait3A_1327, %dma_wait3A_1328] : memref<32x64xf32, #tpu.memory_space<vmem>> -> memref<1x64xf32, #tpu.memory_space<vmem>>
      %dma_wait3A_1330 = arith.constant 0 : i32
      %dma_wait3A_1331 = tpu.memref_slice %arg4[%squeeze3A_660, %dma_wait3A_1330] : memref<1000000x64xf32, #tpu.memory_space<hbm>> -> memref<1x64xf32, #tpu.memory_space<hbm>>
      tpu.wait_dma2 semaphore(%arg13 : memref<!tpu.dma_semaphore, #tpu.memory_space<semaphore_mem>>) src(%dma_wait3A_1331 : memref<1x64xf32, #tpu.memory_space<hbm>>) dst(%dma_wait3A_1329 : memref<1x64xf32, #tpu.memory_space<vmem>>)
      %dma_wait3A_1332 = arith.constant 26 : i32
      %dma_wait3A_1333 = arith.constant 0 : i32
      %dma_wait3A_1334 = tpu.memref_slice %arg10[%dma_wait3A_1332, %dma_wait3A_1333] : memref<32x64xf32, #tpu.memory_space<vmem>> -> memref<1x64xf32, #tpu.memory_space<vmem>>
      %dma_wait3A_1335 = arith.constant 0 : i32
      %dma_wait3A_1336 = tpu.memref_slice %arg5[%squeeze3A_672, %dma_wait3A_1335] : memref<1000000x64xf32, #tpu.memory_space<hbm>> -> memref<1x64xf32, #tpu.memory_space<hbm>>
      %dma_wait3A_1337 = arith.constant 26 : i32
      %dma_wait3A_1338 = arith.constant 0 : i32
      %dma_wait3A_1339 = tpu.memref_slice %arg10[%dma_wait3A_1337, %dma_wait3A_1338] : memref<32x64xf32, #tpu.memory_space<vmem>> -> memref<1x64xf32, #tpu.memory_space<vmem>>
      %dma_wait3A_1340 = arith.constant 0 : i32
      %dma_wait3A_1341 = tpu.memref_slice %arg5[%squeeze3A_672, %dma_wait3A_1340] : memref<1000000x64xf32, #tpu.memory_space<hbm>> -> memref<1x64xf32, #tpu.memory_space<hbm>>
      tpu.wait_dma2 semaphore(%arg14 : memref<!tpu.dma_semaphore, #tpu.memory_space<semaphore_mem>>) src(%dma_wait3A_1341 : memref<1x64xf32, #tpu.memory_space<hbm>>) dst(%dma_wait3A_1339 : memref<1x64xf32, #tpu.memory_space<vmem>>)
      %dma_wait3A_1342 = arith.constant 27 : i32
      %dma_wait3A_1343 = arith.constant 0 : i32
      %dma_wait3A_1344 = tpu.memref_slice %arg9[%dma_wait3A_1342, %dma_wait3A_1343] : memref<32x64xf32, #tpu.memory_space<vmem>> -> memref<1x64xf32, #tpu.memory_space<vmem>>
      %dma_wait3A_1345 = arith.constant 0 : i32
      %dma_wait3A_1346 = tpu.memref_slice %arg4[%squeeze3A_684, %dma_wait3A_1345] : memref<1000000x64xf32, #tpu.memory_space<hbm>> -> memref<1x64xf32, #tpu.memory_space<hbm>>
      %dma_wait3A_1347 = arith.constant 27 : i32
      %dma_wait3A_1348 = arith.constant 0 : i32
      %dma_wait3A_1349 = tpu.memref_slice %arg9[%dma_wait3A_1347, %dma_wait3A_1348] : memref<32x64xf32, #tpu.memory_space<vmem>> -> memref<1x64xf32, #tpu.memory_space<vmem>>
      %dma_wait3A_1350 = arith.constant 0 : i32
      %dma_wait3A_1351 = tpu.memref_slice %arg4[%squeeze3A_684, %dma_wait3A_1350] : memref<1000000x64xf32, #tpu.memory_space<hbm>> -> memref<1x64xf32, #tpu.memory_space<hbm>>
      tpu.wait_dma2 semaphore(%arg13 : memref<!tpu.dma_semaphore, #tpu.memory_space<semaphore_mem>>) src(%dma_wait3A_1351 : memref<1x64xf32, #tpu.memory_space<hbm>>) dst(%dma_wait3A_1349 : memref<1x64xf32, #tpu.memory_space<vmem>>)
      %dma_wait3A_1352 = arith.constant 27 : i32
      %dma_wait3A_1353 = arith.constant 0 : i32
      %dma_wait3A_1354 = tpu.memref_slice %arg10[%dma_wait3A_1352, %dma_wait3A_1353] : memref<32x64xf32, #tpu.memory_space<vmem>> -> memref<1x64xf32, #tpu.memory_space<vmem>>
      %dma_wait3A_1355 = arith.constant 0 : i32
      %dma_wait3A_1356 = tpu.memref_slice %arg5[%squeeze3A_696, %dma_wait3A_1355] : memref<1000000x64xf32, #tpu.memory_space<hbm>> -> memref<1x64xf32, #tpu.memory_space<hbm>>
      %dma_wait3A_1357 = arith.constant 27 : i32
      %dma_wait3A_1358 = arith.constant 0 : i32
      %dma_wait3A_1359 = tpu.memref_slice %arg10[%dma_wait3A_1357, %dma_wait3A_1358] : memref<32x64xf32, #tpu.memory_space<vmem>> -> memref<1x64xf32, #tpu.memory_space<vmem>>
      %dma_wait3A_1360 = arith.constant 0 : i32
      %dma_wait3A_1361 = tpu.memref_slice %arg5[%squeeze3A_696, %dma_wait3A_1360] : memref<1000000x64xf32, #tpu.memory_space<hbm>> -> memref<1x64xf32, #tpu.memory_space<hbm>>
      tpu.wait_dma2 semaphore(%arg14 : memref<!tpu.dma_semaphore, #tpu.memory_space<semaphore_mem>>) src(%dma_wait3A_1361 : memref<1x64xf32, #tpu.memory_space<hbm>>) dst(%dma_wait3A_1359 : memref<1x64xf32, #tpu.memory_space<vmem>>)
      %dma_wait3A_1362 = arith.constant 28 : i32
      %dma_wait3A_1363 = arith.constant 0 : i32
      %dma_wait3A_1364 = tpu.memref_slice %arg9[%dma_wait3A_1362, %dma_wait3A_1363] : memref<32x64xf32, #tpu.memory_space<vmem>> -> memref<1x64xf32, #tpu.memory_space<vmem>>
      %dma_wait3A_1365 = arith.constant 0 : i32
      %dma_wait3A_1366 = tpu.memref_slice %arg4[%squeeze3A_708, %dma_wait3A_1365] : memref<1000000x64xf32, #tpu.memory_space<hbm>> -> memref<1x64xf32, #tpu.memory_space<hbm>>
      %dma_wait3A_1367 = arith.constant 28 : i32
      %dma_wait3A_1368 = arith.constant 0 : i32
      %dma_wait3A_1369 = tpu.memref_slice %arg9[%dma_wait3A_1367, %dma_wait3A_1368] : memref<32x64xf32, #tpu.memory_space<vmem>> -> memref<1x64xf32, #tpu.memory_space<vmem>>
      %dma_wait3A_1370 = arith.constant 0 : i32
      %dma_wait3A_1371 = tpu.memref_slice %arg4[%squeeze3A_708, %dma_wait3A_1370] : memref<1000000x64xf32, #tpu.memory_space<hbm>> -> memref<1x64xf32, #tpu.memory_space<hbm>>
      tpu.wait_dma2 semaphore(%arg13 : memref<!tpu.dma_semaphore, #tpu.memory_space<semaphore_mem>>) src(%dma_wait3A_1371 : memref<1x64xf32, #tpu.memory_space<hbm>>) dst(%dma_wait3A_1369 : memref<1x64xf32, #tpu.memory_space<vmem>>)
      %dma_wait3A_1372 = arith.constant 28 : i32
      %dma_wait3A_1373 = arith.constant 0 : i32
      %dma_wait3A_1374 = tpu.memref_slice %arg10[%dma_wait3A_1372, %dma_wait3A_1373] : memref<32x64xf32, #tpu.memory_space<vmem>> -> memref<1x64xf32, #tpu.memory_space<vmem>>
      %dma_wait3A_1375 = arith.constant 0 : i32
      %dma_wait3A_1376 = tpu.memref_slice %arg5[%squeeze3A_720, %dma_wait3A_1375] : memref<1000000x64xf32, #tpu.memory_space<hbm>> -> memref<1x64xf32, #tpu.memory_space<hbm>>
      %dma_wait3A_1377 = arith.constant 28 : i32
      %dma_wait3A_1378 = arith.constant 0 : i32
      %dma_wait3A_1379 = tpu.memref_slice %arg10[%dma_wait3A_1377, %dma_wait3A_1378] : memref<32x64xf32, #tpu.memory_space<vmem>> -> memref<1x64xf32, #tpu.memory_space<vmem>>
      %dma_wait3A_1380 = arith.constant 0 : i32
      %dma_wait3A_1381 = tpu.memref_slice %arg5[%squeeze3A_720, %dma_wait3A_1380] : memref<1000000x64xf32, #tpu.memory_space<hbm>> -> memref<1x64xf32, #tpu.memory_space<hbm>>
      tpu.wait_dma2 semaphore(%arg14 : memref<!tpu.dma_semaphore, #tpu.memory_space<semaphore_mem>>) src(%dma_wait3A_1381 : memref<1x64xf32, #tpu.memory_space<hbm>>) dst(%dma_wait3A_1379 : memref<1x64xf32, #tpu.memory_space<vmem>>)
      %dma_wait3A_1382 = arith.constant 29 : i32
      %dma_wait3A_1383 = arith.constant 0 : i32
      %dma_wait3A_1384 = tpu.memref_slice %arg9[%dma_wait3A_1382, %dma_wait3A_1383] : memref<32x64xf32, #tpu.memory_space<vmem>> -> memref<1x64xf32, #tpu.memory_space<vmem>>
      %dma_wait3A_1385 = arith.constant 0 : i32
      %dma_wait3A_1386 = tpu.memref_slice %arg4[%squeeze3A_732, %dma_wait3A_1385] : memref<1000000x64xf32, #tpu.memory_space<hbm>> -> memref<1x64xf32, #tpu.memory_space<hbm>>
      %dma_wait3A_1387 = arith.constant 29 : i32
      %dma_wait3A_1388 = arith.constant 0 : i32
      %dma_wait3A_1389 = tpu.memref_slice %arg9[%dma_wait3A_1387, %dma_wait3A_1388] : memref<32x64xf32, #tpu.memory_space<vmem>> -> memref<1x64xf32, #tpu.memory_space<vmem>>
      %dma_wait3A_1390 = arith.constant 0 : i32
      %dma_wait3A_1391 = tpu.memref_slice %arg4[%squeeze3A_732, %dma_wait3A_1390] : memref<1000000x64xf32, #tpu.memory_space<hbm>> -> memref<1x64xf32, #tpu.memory_space<hbm>>
      tpu.wait_dma2 semaphore(%arg13 : memref<!tpu.dma_semaphore, #tpu.memory_space<semaphore_mem>>) src(%dma_wait3A_1391 : memref<1x64xf32, #tpu.memory_space<hbm>>) dst(%dma_wait3A_1389 : memref<1x64xf32, #tpu.memory_space<vmem>>)
      %dma_wait3A_1392 = arith.constant 29 : i32
      %dma_wait3A_1393 = arith.constant 0 : i32
      %dma_wait3A_1394 = tpu.memref_slice %arg10[%dma_wait3A_1392, %dma_wait3A_1393] : memref<32x64xf32, #tpu.memory_space<vmem>> -> memref<1x64xf32, #tpu.memory_space<vmem>>
      %dma_wait3A_1395 = arith.constant 0 : i32
      %dma_wait3A_1396 = tpu.memref_slice %arg5[%squeeze3A_744, %dma_wait3A_1395] : memref<1000000x64xf32, #tpu.memory_space<hbm>> -> memref<1x64xf32, #tpu.memory_space<hbm>>
      %dma_wait3A_1397 = arith.constant 29 : i32
      %dma_wait3A_1398 = arith.constant 0 : i32
      %dma_wait3A_1399 = tpu.memref_slice %arg10[%dma_wait3A_1397, %dma_wait3A_1398] : memref<32x64xf32, #tpu.memory_space<vmem>> -> memref<1x64xf32, #tpu.memory_space<vmem>>
      %dma_wait3A_1400 = arith.constant 0 : i32
      %dma_wait3A_1401 = tpu.memref_slice %arg5[%squeeze3A_744, %dma_wait3A_1400] : memref<1000000x64xf32, #tpu.memory_space<hbm>> -> memref<1x64xf32, #tpu.memory_space<hbm>>
      tpu.wait_dma2 semaphore(%arg14 : memref<!tpu.dma_semaphore, #tpu.memory_space<semaphore_mem>>) src(%dma_wait3A_1401 : memref<1x64xf32, #tpu.memory_space<hbm>>) dst(%dma_wait3A_1399 : memref<1x64xf32, #tpu.memory_space<vmem>>)
      %dma_wait3A_1402 = arith.constant 30 : i32
      %dma_wait3A_1403 = arith.constant 0 : i32
      %dma_wait3A_1404 = tpu.memref_slice %arg9[%dma_wait3A_1402, %dma_wait3A_1403] : memref<32x64xf32, #tpu.memory_space<vmem>> -> memref<1x64xf32, #tpu.memory_space<vmem>>
      %dma_wait3A_1405 = arith.constant 0 : i32
      %dma_wait3A_1406 = tpu.memref_slice %arg4[%squeeze3A_756, %dma_wait3A_1405] : memref<1000000x64xf32, #tpu.memory_space<hbm>> -> memref<1x64xf32, #tpu.memory_space<hbm>>
      %dma_wait3A_1407 = arith.constant 30 : i32
      %dma_wait3A_1408 = arith.constant 0 : i32
      %dma_wait3A_1409 = tpu.memref_slice %arg9[%dma_wait3A_1407, %dma_wait3A_1408] : memref<32x64xf32, #tpu.memory_space<vmem>> -> memref<1x64xf32, #tpu.memory_space<vmem>>
      %dma_wait3A_1410 = arith.constant 0 : i32
      %dma_wait3A_1411 = tpu.memref_slice %arg4[%squeeze3A_756, %dma_wait3A_1410] : memref<1000000x64xf32, #tpu.memory_space<hbm>> -> memref<1x64xf32, #tpu.memory_space<hbm>>
      tpu.wait_dma2 semaphore(%arg13 : memref<!tpu.dma_semaphore, #tpu.memory_space<semaphore_mem>>) src(%dma_wait3A_1411 : memref<1x64xf32, #tpu.memory_space<hbm>>) dst(%dma_wait3A_1409 : memref<1x64xf32, #tpu.memory_space<vmem>>)
      %dma_wait3A_1412 = arith.constant 30 : i32
      %dma_wait3A_1413 = arith.constant 0 : i32
      %dma_wait3A_1414 = tpu.memref_slice %arg10[%dma_wait3A_1412, %dma_wait3A_1413] : memref<32x64xf32, #tpu.memory_space<vmem>> -> memref<1x64xf32, #tpu.memory_space<vmem>>
      %dma_wait3A_1415 = arith.constant 0 : i32
      %dma_wait3A_1416 = tpu.memref_slice %arg5[%squeeze3A_768, %dma_wait3A_1415] : memref<1000000x64xf32, #tpu.memory_space<hbm>> -> memref<1x64xf32, #tpu.memory_space<hbm>>
      %dma_wait3A_1417 = arith.constant 30 : i32
      %dma_wait3A_1418 = arith.constant 0 : i32
      %dma_wait3A_1419 = tpu.memref_slice %arg10[%dma_wait3A_1417, %dma_wait3A_1418] : memref<32x64xf32, #tpu.memory_space<vmem>> -> memref<1x64xf32, #tpu.memory_space<vmem>>
      %dma_wait3A_1420 = arith.constant 0 : i32
      %dma_wait3A_1421 = tpu.memref_slice %arg5[%squeeze3A_768, %dma_wait3A_1420] : memref<1000000x64xf32, #tpu.memory_space<hbm>> -> memref<1x64xf32, #tpu.memory_space<hbm>>
      tpu.wait_dma2 semaphore(%arg14 : memref<!tpu.dma_semaphore, #tpu.memory_space<semaphore_mem>>) src(%dma_wait3A_1421 : memref<1x64xf32, #tpu.memory_space<hbm>>) dst(%dma_wait3A_1419 : memref<1x64xf32, #tpu.memory_space<vmem>>)
      %dma_wait3A_1422 = arith.constant 31 : i32
      %dma_wait3A_1423 = arith.constant 0 : i32
      %dma_wait3A_1424 = tpu.memref_slice %arg9[%dma_wait3A_1422, %dma_wait3A_1423] : memref<32x64xf32, #tpu.memory_space<vmem>> -> memref<1x64xf32, #tpu.memory_space<vmem>>
      %dma_wait3A_1425 = arith.constant 0 : i32
      %dma_wait3A_1426 = tpu.memref_slice %arg4[%squeeze3A_780, %dma_wait3A_1425] : memref<1000000x64xf32, #tpu.memory_space<hbm>> -> memref<1x64xf32, #tpu.memory_space<hbm>>
      %dma_wait3A_1427 = arith.constant 31 : i32
      %dma_wait3A_1428 = arith.constant 0 : i32
      %dma_wait3A_1429 = tpu.memref_slice %arg9[%dma_wait3A_1427, %dma_wait3A_1428] : memref<32x64xf32, #tpu.memory_space<vmem>> -> memref<1x64xf32, #tpu.memory_space<vmem>>
      %dma_wait3A_1430 = arith.constant 0 : i32
      %dma_wait3A_1431 = tpu.memref_slice %arg4[%squeeze3A_780, %dma_wait3A_1430] : memref<1000000x64xf32, #tpu.memory_space<hbm>> -> memref<1x64xf32, #tpu.memory_space<hbm>>
      tpu.wait_dma2 semaphore(%arg13 : memref<!tpu.dma_semaphore, #tpu.memory_space<semaphore_mem>>) src(%dma_wait3A_1431 : memref<1x64xf32, #tpu.memory_space<hbm>>) dst(%dma_wait3A_1429 : memref<1x64xf32, #tpu.memory_space<vmem>>)
      %dma_wait3A_1432 = arith.constant 31 : i32
      %dma_wait3A_1433 = arith.constant 0 : i32
      %dma_wait3A_1434 = tpu.memref_slice %arg10[%dma_wait3A_1432, %dma_wait3A_1433] : memref<32x64xf32, #tpu.memory_space<vmem>> -> memref<1x64xf32, #tpu.memory_space<vmem>>
      %dma_wait3A_1435 = arith.constant 0 : i32
      %dma_wait3A_1436 = tpu.memref_slice %arg5[%squeeze3A_792, %dma_wait3A_1435] : memref<1000000x64xf32, #tpu.memory_space<hbm>> -> memref<1x64xf32, #tpu.memory_space<hbm>>
      %dma_wait3A_1437 = arith.constant 31 : i32
      %dma_wait3A_1438 = arith.constant 0 : i32
      %dma_wait3A_1439 = tpu.memref_slice %arg10[%dma_wait3A_1437, %dma_wait3A_1438] : memref<32x64xf32, #tpu.memory_space<vmem>> -> memref<1x64xf32, #tpu.memory_space<vmem>>
      %dma_wait3A_1440 = arith.constant 0 : i32
      %dma_wait3A_1441 = tpu.memref_slice %arg5[%squeeze3A_792, %dma_wait3A_1440] : memref<1000000x64xf32, #tpu.memory_space<hbm>> -> memref<1x64xf32, #tpu.memory_space<hbm>>
      tpu.wait_dma2 semaphore(%arg14 : memref<!tpu.dma_semaphore, #tpu.memory_space<semaphore_mem>>) src(%dma_wait3A_1441 : memref<1x64xf32, #tpu.memory_space<hbm>>) dst(%dma_wait3A_1439 : memref<1x64xf32, #tpu.memory_space<vmem>>)
      %scan3A_1442 = arith.constant 0 : i32
      %scan3A_1443 = arith.constant 0 : i32
      %scan3A_1444 = arith.constant 32 : i32
      %scan3A_1445 = arith.addi %scan3A_1443, %scan3A_1444 : i32
      %scan3A_1446 = arith.constant 2 : i32
      scf.for %scan3A_1448 = %scan3A_1443 to %scan3A_1445 step %scan3A_1446  : i32 {
        %get3A_1449 = arith.index_cast %scan3A_1448 : i32 to index
        %get3A_1450 = arith.constant 0 : index
        %get3A_1451 = tpu.vector_load %arg9[%get3A_1449, %get3A_1450] {strides = array<i32>} : memref<32x64xf32, #tpu.memory_space<vmem>>, vector<16xf32>,
        %get3A_1452 = arith.index_cast %scan3A_1448 : i32 to index
        %get3A_1453 = arith.constant 0 : index
        %get3A_1454 = tpu.vector_load %arg10[%get3A_1452, %get3A_1453] {strides = array<i32>} : memref<32x64xf32, #tpu.memory_space<vmem>>, vector<16xf32>,
        %mul3A_1455 = arith.mulf %get3A_1451, %get3A_1454 : vector<16xf32>
        %get3A_1456 = arith.index_cast %scan3A_1448 : i32 to index
        %get3A_1457 = arith.constant 16 : index
        %get3A_1458 = tpu.vector_load %arg9[%get3A_1456, %get3A_1457] {strides = array<i32>} : memref<32x64xf32, #tpu.memory_space<vmem>>, vector<16xf32>,
        %get3A_1459 = arith.index_cast %scan3A_1448 : i32 to index
        %get3A_1460 = arith.constant 16 : index
        %get3A_1461 = tpu.vector_load %arg10[%get3A_1459, %get3A_1460] {strides = array<i32>} : memref<32x64xf32, #tpu.memory_space<vmem>>, vector<16xf32>,
        %mul3A_1462 = arith.mulf %get3A_1458, %get3A_1461 : vector<16xf32>
        %add3A_1463 = arith.addf %mul3A_1455, %mul3A_1462 : vector<16xf32>
        %get3A_1464 = arith.index_cast %scan3A_1448 : i32 to index
        %get3A_1465 = arith.constant 32 : index
        %get3A_1466 = tpu.vector_load %arg9[%get3A_1464, %get3A_1465] {strides = array<i32>} : memref<32x64xf32, #tpu.memory_space<vmem>>, vector<16xf32>,
        %get3A_1467 = arith.index_cast %scan3A_1448 : i32 to index
        %get3A_1468 = arith.constant 32 : index
        %get3A_1469 = tpu.vector_load %arg10[%get3A_1467, %get3A_1468] {strides = array<i32>} : memref<32x64xf32, #tpu.memory_space<vmem>>, vector<16xf32>,
        %mul3A_1470 = arith.mulf %get3A_1466, %get3A_1469 : vector<16xf32>
        %add3A_1471 = arith.addf %add3A_1463, %mul3A_1470 : vector<16xf32>
        %get3A_1472 = arith.index_cast %scan3A_1448 : i32 to index
        %get3A_1473 = arith.constant 48 : index
        %get3A_1474 = tpu.vector_load %arg9[%get3A_1472, %get3A_1473] {strides = array<i32>} : memref<32x64xf32, #tpu.memory_space<vmem>>, vector<16xf32>,
        %get3A_1475 = arith.index_cast %scan3A_1448 : i32 to index
        %get3A_1476 = arith.constant 48 : index
        %get3A_1477 = tpu.vector_load %arg10[%get3A_1475, %get3A_1476] {strides = array<i32>} : memref<32x64xf32, #tpu.memory_space<vmem>>, vector<16xf32>,
        %mul3A_1478 = arith.mulf %get3A_1474, %get3A_1477 : vector<16xf32>
        %add3A_1479 = arith.addf %add3A_1471, %mul3A_1478 : vector<16xf32>
        %mul3A_1480 = arith.constant 32 : i32
        %mul3A_1481 = arith.muli %scan3A_14, %mul3A_1480 : i32
        %add3A_1482 = arith.addi %mul3A_1481, %scan3A_1448 : i32
        %mul3A_1483 = arith.constant 17 : i32
        %mul3A_1484 = arith.muli %add3A_1482, %mul3A_1483 : i32
        %swap3A = arith.index_cast %mul3A_1484 : i32 to index
        %swap3A_1485 = tpu.vector_load %arg11[%swap3A] {strides = array<i32>} : memref<8704xf32, #tpu.memory_space<vmem>>, vector<16xf32>,
        tpu.vector_store %arg11[%swap3A], %add3A_1479 {strides = array<i32>} : memref<8704xf32, #tpu.memory_space<vmem>>, vector<16xf32>,
        %scan3A_1486 = arith.constant 1 : i32
        %scan3A_1487 = arith.addi %scan3A_1448, %scan3A_1486 : i32
        %get3A_1488 = arith.index_cast %scan3A_1487 : i32 to index
        %get3A_1489 = arith.constant 0 : index
        %get3A_1490 = tpu.vector_load %arg9[%get3A_1488, %get3A_1489] {strides = array<i32>} : memref<32x64xf32, #tpu.memory_space<vmem>>, vector<16xf32>,
        %get3A_1491 = arith.index_cast %scan3A_1487 : i32 to index
        %get3A_1492 = arith.constant 0 : index
        %get3A_1493 = tpu.vector_load %arg10[%get3A_1491, %get3A_1492] {strides = array<i32>} : memref<32x64xf32, #tpu.memory_space<vmem>>, vector<16xf32>,
        %mul3A_1494 = arith.mulf %get3A_1490, %get3A_1493 : vector<16xf32>
        %get3A_1495 = arith.index_cast %scan3A_1487 : i32 to index
        %get3A_1496 = arith.constant 16 : index
        %get3A_1497 = tpu.vector_load %arg9[%get3A_1495, %get3A_1496] {strides = array<i32>} : memref<32x64xf32, #tpu.memory_space<vmem>>, vector<16xf32>,
        %get3A_1498 = arith.index_cast %scan3A_1487 : i32 to index
        %get3A_1499 = arith.constant 16 : index
        %get3A_1500 = tpu.vector_load %arg10[%get3A_1498, %get3A_1499] {strides = array<i32>} : memref<32x64xf32, #tpu.memory_space<vmem>>, vector<16xf32>,
        %mul3A_1501 = arith.mulf %get3A_1497, %get3A_1500 : vector<16xf32>
        %add3A_1502 = arith.addf %mul3A_1494, %mul3A_1501 : vector<16xf32>
        %get3A_1503 = arith.index_cast %scan3A_1487 : i32 to index
        %get3A_1504 = arith.constant 32 : index
        %get3A_1505 = tpu.vector_load %arg9[%get3A_1503, %get3A_1504] {strides = array<i32>} : memref<32x64xf32, #tpu.memory_space<vmem>>, vector<16xf32>,
        %get3A_1506 = arith.index_cast %scan3A_1487 : i32 to index
        %get3A_1507 = arith.constant 32 : index
        %get3A_1508 = tpu.vector_load %arg10[%get3A_1506, %get3A_1507] {strides = array<i32>} : memref<32x64xf32, #tpu.memory_space<vmem>>, vector<16xf32>,
        %mul3A_1509 = arith.mulf %get3A_1505, %get3A_1508 : vector<16xf32>
        %add3A_1510 = arith.addf %add3A_1502, %mul3A_1509 : vector<16xf32>
        %get3A_1511 = arith.index_cast %scan3A_1487 : i32 to index
        %get3A_1512 = arith.constant 48 : index
        %get3A_1513 = tpu.vector_load %arg9[%get3A_1511, %get3A_1512] {strides = array<i32>} : memref<32x64xf32, #tpu.memory_space<vmem>>, vector<16xf32>,
        %get3A_1514 = arith.index_cast %scan3A_1487 : i32 to index
        %get3A_1515 = arith.constant 48 : index
        %get3A_1516 = tpu.vector_load %arg10[%get3A_1514, %get3A_1515] {strides = array<i32>} : memref<32x64xf32, #tpu.memory_space<vmem>>, vector<16xf32>,
        %mul3A_1517 = arith.mulf %get3A_1513, %get3A_1516 : vector<16xf32>
        %add3A_1518 = arith.addf %add3A_1510, %mul3A_1517 : vector<16xf32>
        %mul3A_1519 = arith.constant 32 : i32
        %mul3A_1520 = arith.muli %scan3A_14, %mul3A_1519 : i32
        %add3A_1521 = arith.addi %mul3A_1520, %scan3A_1487 : i32
        %mul3A_1522 = arith.constant 17 : i32
        %mul3A_1523 = arith.muli %add3A_1521, %mul3A_1522 : i32
        %swap3A_1524 = arith.index_cast %mul3A_1523 : i32 to index
        %swap3A_1525 = tpu.vector_load %arg11[%swap3A_1524] {strides = array<i32>} : memref<8704xf32, #tpu.memory_space<vmem>>, vector<16xf32>,
        tpu.vector_store %arg11[%swap3A_1524], %add3A_1518 {strides = array<i32>} : memref<8704xf32, #tpu.memory_space<vmem>>, vector<16xf32>,
      }
      %scan3A_1447 = arith.constant 32 : i32
    }
    %scan3A_7 = arith.constant 16 : i32
    %scan3A_8 = arith.constant 0 : i32
    %scan3A_9 = arith.constant 0 : i32
    %scan3A_10 = arith.constant 32 : i32
    %scan3A_11 = arith.addi %scan3A_9, %scan3A_10 : i32
    %scan3A_12 = arith.constant 2 : i32
    scf.for %scan3A_14 = %scan3A_9 to %scan3A_11 step %scan3A_12  : i32 {
      %mul3A_15 = arith.constant 16 : i32
      %mul3A_16 = arith.muli %scan3A_14, %mul3A_15 : i32
      %iota3A = tpu.iota {dimensions = array<i32: 0>} : vector<16xi32>
      %add3A_17 = vector.broadcast %mul3A_16 : i32 to vector<16xi32>
      %add3A_18 = arith.addi %add3A_17, %iota3A : vector<16xi32>
      %mul3A_19 = arith.constant 17 : i32
      %mul3A_20 = vector.broadcast %mul3A_19 : i32 to vector<16xi32>
      %mul3A_21 = arith.muli %add3A_18, %mul3A_20 : vector<16xi32>
      %gather3A = tpu.vector_load_idx %arg11[%mul3A_21] : memref<8704xf32, #tpu.memory_space<vmem>>[vector<16xi32>], vector<16xf32>,
      %add3A_22 = arith.constant 1 : i32
      %add3A_23 = vector.broadcast %add3A_22 : i32 to vector<16xi32>
      %add3A_24 = arith.addi %mul3A_21, %add3A_23 : vector<16xi32>
      %gather3A_25 = tpu.vector_load_idx %arg11[%add3A_24] : memref<8704xf32, #tpu.memory_space<vmem>>[vector<16xi32>], vector<16xf32>,
      %add3A_26 = arith.addf %gather3A, %gather3A_25 : vector<16xf32>
      %add3A_27 = arith.constant 2 : i32
      %add3A_28 = vector.broadcast %add3A_27 : i32 to vector<16xi32>
      %add3A_29 = arith.addi %mul3A_21, %add3A_28 : vector<16xi32>
      %gather3A_30 = tpu.vector_load_idx %arg11[%add3A_29] : memref<8704xf32, #tpu.memory_space<vmem>>[vector<16xi32>], vector<16xf32>,
      %add3A_31 = arith.addf %add3A_26, %gather3A_30 : vector<16xf32>
      %add3A_32 = arith.constant 3 : i32
      %add3A_33 = vector.broadcast %add3A_32 : i32 to vector<16xi32>
      %add3A_34 = arith.addi %mul3A_21, %add3A_33 : vector<16xi32>
      %gather3A_35 = tpu.vector_load_idx %arg11[%add3A_34] : memref<8704xf32, #tpu.memory_space<vmem>>[vector<16xi32>], vector<16xf32>,
      %add3A_36 = arith.addf %add3A_31, %gather3A_35 : vector<16xf32>
      %add3A_37 = arith.constant 4 : i32
      %add3A_38 = vector.broadcast %add3A_37 : i32 to vector<16xi32>
      %add3A_39 = arith.addi %mul3A_21, %add3A_38 : vector<16xi32>
      %gather3A_40 = tpu.vector_load_idx %arg11[%add3A_39] : memref<8704xf32, #tpu.memory_space<vmem>>[vector<16xi32>], vector<16xf32>,
      %add3A_41 = arith.addf %add3A_36, %gather3A_40 : vector<16xf32>
      %add3A_42 = arith.constant 5 : i32
      %add3A_43 = vector.broadcast %add3A_42 : i32 to vector<16xi32>
      %add3A_44 = arith.addi %mul3A_21, %add3A_43 : vector<16xi32>
      %gather3A_45 = tpu.vector_load_idx %arg11[%add3A_44] : memref<8704xf32, #tpu.memory_space<vmem>>[vector<16xi32>], vector<16xf32>,
      %add3A_46 = arith.addf %add3A_41, %gather3A_45 : vector<16xf32>
      %add3A_47 = arith.constant 6 : i32
      %add3A_48 = vector.broadcast %add3A_47 : i32 to vector<16xi32>
      %add3A_49 = arith.addi %mul3A_21, %add3A_48 : vector<16xi32>
      %gather3A_50 = tpu.vector_load_idx %arg11[%add3A_49] : memref<8704xf32, #tpu.memory_space<vmem>>[vector<16xi32>], vector<16xf32>,
      %add3A_51 = arith.addf %add3A_46, %gather3A_50 : vector<16xf32>
      %add3A_52 = arith.constant 7 : i32
      %add3A_53 = vector.broadcast %add3A_52 : i32 to vector<16xi32>
      %add3A_54 = arith.addi %mul3A_21, %add3A_53 : vector<16xi32>
      %gather3A_55 = tpu.vector_load_idx %arg11[%add3A_54] : memref<8704xf32, #tpu.memory_space<vmem>>[vector<16xi32>], vector<16xf32>,
      %add3A_56 = arith.addf %add3A_51, %gather3A_55 : vector<16xf32>
      %add3A_57 = arith.constant 8 : i32
      %add3A_58 = vector.broadcast %add3A_57 : i32 to vector<16xi32>
      %add3A_59 = arith.addi %mul3A_21, %add3A_58 : vector<16xi32>
      %gather3A_60 = tpu.vector_load_idx %arg11[%add3A_59] : memref<8704xf32, #tpu.memory_space<vmem>>[vector<16xi32>], vector<16xf32>,
      %add3A_61 = arith.addf %add3A_56, %gather3A_60 : vector<16xf32>
      %add3A_62 = arith.constant 9 : i32
      %add3A_63 = vector.broadcast %add3A_62 : i32 to vector<16xi32>
      %add3A_64 = arith.addi %mul3A_21, %add3A_63 : vector<16xi32>
      %gather3A_65 = tpu.vector_load_idx %arg11[%add3A_64] : memref<8704xf32, #tpu.memory_space<vmem>>[vector<16xi32>], vector<16xf32>,
      %add3A_66 = arith.addf %add3A_61, %gather3A_65 : vector<16xf32>
      %add3A_67 = arith.constant 10 : i32
      %add3A_68 = vector.broadcast %add3A_67 : i32 to vector<16xi32>
      %add3A_69 = arith.addi %mul3A_21, %add3A_68 : vector<16xi32>
      %gather3A_70 = tpu.vector_load_idx %arg11[%add3A_69] : memref<8704xf32, #tpu.memory_space<vmem>>[vector<16xi32>], vector<16xf32>,
      %add3A_71 = arith.addf %add3A_66, %gather3A_70 : vector<16xf32>
      %add3A_72 = arith.constant 11 : i32
      %add3A_73 = vector.broadcast %add3A_72 : i32 to vector<16xi32>
      %add3A_74 = arith.addi %mul3A_21, %add3A_73 : vector<16xi32>
      %gather3A_75 = tpu.vector_load_idx %arg11[%add3A_74] : memref<8704xf32, #tpu.memory_space<vmem>>[vector<16xi32>], vector<16xf32>,
      %add3A_76 = arith.addf %add3A_71, %gather3A_75 : vector<16xf32>
      %add3A_77 = arith.constant 12 : i32
      %add3A_78 = vector.broadcast %add3A_77 : i32 to vector<16xi32>
      %add3A_79 = arith.addi %mul3A_21, %add3A_78 : vector<16xi32>
      %gather3A_80 = tpu.vector_load_idx %arg11[%add3A_79] : memref<8704xf32, #tpu.memory_space<vmem>>[vector<16xi32>], vector<16xf32>,
      %add3A_81 = arith.addf %add3A_76, %gather3A_80 : vector<16xf32>
      %add3A_82 = arith.constant 13 : i32
      %add3A_83 = vector.broadcast %add3A_82 : i32 to vector<16xi32>
      %add3A_84 = arith.addi %mul3A_21, %add3A_83 : vector<16xi32>
      %gather3A_85 = tpu.vector_load_idx %arg11[%add3A_84] : memref<8704xf32, #tpu.memory_space<vmem>>[vector<16xi32>], vector<16xf32>,
      %add3A_86 = arith.addf %add3A_81, %gather3A_85 : vector<16xf32>
      %add3A_87 = arith.constant 14 : i32
      %add3A_88 = vector.broadcast %add3A_87 : i32 to vector<16xi32>
      %add3A_89 = arith.addi %mul3A_21, %add3A_88 : vector<16xi32>
      %gather3A_90 = tpu.vector_load_idx %arg11[%add3A_89] : memref<8704xf32, #tpu.memory_space<vmem>>[vector<16xi32>], vector<16xf32>,
      %add3A_91 = arith.addf %add3A_86, %gather3A_90 : vector<16xf32>
      %add3A_92 = arith.constant 15 : i32
      %add3A_93 = vector.broadcast %add3A_92 : i32 to vector<16xi32>
      %add3A_94 = arith.addi %mul3A_21, %add3A_93 : vector<16xi32>
      %gather3A_95 = tpu.vector_load_idx %arg11[%add3A_94] : memref<8704xf32, #tpu.memory_space<vmem>>[vector<16xi32>], vector<16xf32>,
      %add3A_96 = arith.addf %add3A_91, %gather3A_95 : vector<16xf32>
      %mul3A_97 = arith.constant 16 : i32
      %mul3A_98 = arith.muli %scan3A_14, %mul3A_97 : i32
      %swap3A = arith.index_cast %mul3A_98 : i32 to index
      %swap3A_99 = tpu.vector_load %arg12[%swap3A] {strides = array<i32>} : memref<512xf32, #tpu.memory_space<vmem>>, vector<16xf32>,
      tpu.vector_store %arg12[%swap3A], %add3A_96 {strides = array<i32>} : memref<512xf32, #tpu.memory_space<vmem>>, vector<16xf32>,
      %scan3A_100 = arith.constant 1 : i32
      %scan3A_101 = arith.addi %scan3A_14, %scan3A_100 : i32
      %mul3A_102 = arith.constant 16 : i32
      %mul3A_103 = arith.muli %scan3A_101, %mul3A_102 : i32
      %iota3A_104 = tpu.iota {dimensions = array<i32: 0>} : vector<16xi32>
      %add3A_105 = vector.broadcast %mul3A_103 : i32 to vector<16xi32>
      %add3A_106 = arith.addi %add3A_105, %iota3A_104 : vector<16xi32>
      %mul3A_107 = arith.constant 17 : i32
      %mul3A_108 = vector.broadcast %mul3A_107 : i32 to vector<16xi32>
      %mul3A_109 = arith.muli %add3A_106, %mul3A_108 : vector<16xi32>
      %gather3A_110 = tpu.vector_load_idx %arg11[%mul3A_109] : memref<8704xf32, #tpu.memory_space<vmem>>[vector<16xi32>], vector<16xf32>,
      %add3A_111 = arith.constant 1 : i32
      %add3A_112 = vector.broadcast %add3A_111 : i32 to vector<16xi32>
      %add3A_113 = arith.addi %mul3A_109, %add3A_112 : vector<16xi32>
      %gather3A_114 = tpu.vector_load_idx %arg11[%add3A_113] : memref<8704xf32, #tpu.memory_space<vmem>>[vector<16xi32>], vector<16xf32>,
      %add3A_115 = arith.addf %gather3A_110, %gather3A_114 : vector<16xf32>
      %add3A_116 = arith.constant 2 : i32
      %add3A_117 = vector.broadcast %add3A_116 : i32 to vector<16xi32>
      %add3A_118 = arith.addi %mul3A_109, %add3A_117 : vector<16xi32>
      %gather3A_119 = tpu.vector_load_idx %arg11[%add3A_118] : memref<8704xf32, #tpu.memory_space<vmem>>[vector<16xi32>], vector<16xf32>,
      %add3A_120 = arith.addf %add3A_115, %gather3A_119 : vector<16xf32>
      %add3A_121 = arith.constant 3 : i32
      %add3A_122 = vector.broadcast %add3A_121 : i32 to vector<16xi32>
      %add3A_123 = arith.addi %mul3A_109, %add3A_122 : vector<16xi32>
      %gather3A_124 = tpu.vector_load_idx %arg11[%add3A_123] : memref<8704xf32, #tpu.memory_space<vmem>>[vector<16xi32>], vector<16xf32>,
      %add3A_125 = arith.addf %add3A_120, %gather3A_124 : vector<16xf32>
      %add3A_126 = arith.constant 4 : i32
      %add3A_127 = vector.broadcast %add3A_126 : i32 to vector<16xi32>
      %add3A_128 = arith.addi %mul3A_109, %add3A_127 : vector<16xi32>
      %gather3A_129 = tpu.vector_load_idx %arg11[%add3A_128] : memref<8704xf32, #tpu.memory_space<vmem>>[vector<16xi32>], vector<16xf32>,
      %add3A_130 = arith.addf %add3A_125, %gather3A_129 : vector<16xf32>
      %add3A_131 = arith.constant 5 : i32
      %add3A_132 = vector.broadcast %add3A_131 : i32 to vector<16xi32>
      %add3A_133 = arith.addi %mul3A_109, %add3A_132 : vector<16xi32>
      %gather3A_134 = tpu.vector_load_idx %arg11[%add3A_133] : memref<8704xf32, #tpu.memory_space<vmem>>[vector<16xi32>], vector<16xf32>,
      %add3A_135 = arith.addf %add3A_130, %gather3A_134 : vector<16xf32>
      %add3A_136 = arith.constant 6 : i32
      %add3A_137 = vector.broadcast %add3A_136 : i32 to vector<16xi32>
      %add3A_138 = arith.addi %mul3A_109, %add3A_137 : vector<16xi32>
      %gather3A_139 = tpu.vector_load_idx %arg11[%add3A_138] : memref<8704xf32, #tpu.memory_space<vmem>>[vector<16xi32>], vector<16xf32>,
      %add3A_140 = arith.addf %add3A_135, %gather3A_139 : vector<16xf32>
      %add3A_141 = arith.constant 7 : i32
      %add3A_142 = vector.broadcast %add3A_141 : i32 to vector<16xi32>
      %add3A_143 = arith.addi %mul3A_109, %add3A_142 : vector<16xi32>
      %gather3A_144 = tpu.vector_load_idx %arg11[%add3A_143] : memref<8704xf32, #tpu.memory_space<vmem>>[vector<16xi32>], vector<16xf32>,
      %add3A_145 = arith.addf %add3A_140, %gather3A_144 : vector<16xf32>
      %add3A_146 = arith.constant 8 : i32
      %add3A_147 = vector.broadcast %add3A_146 : i32 to vector<16xi32>
      %add3A_148 = arith.addi %mul3A_109, %add3A_147 : vector<16xi32>
      %gather3A_149 = tpu.vector_load_idx %arg11[%add3A_148] : memref<8704xf32, #tpu.memory_space<vmem>>[vector<16xi32>], vector<16xf32>,
      %add3A_150 = arith.addf %add3A_145, %gather3A_149 : vector<16xf32>
      %add3A_151 = arith.constant 9 : i32
      %add3A_152 = vector.broadcast %add3A_151 : i32 to vector<16xi32>
      %add3A_153 = arith.addi %mul3A_109, %add3A_152 : vector<16xi32>
      %gather3A_154 = tpu.vector_load_idx %arg11[%add3A_153] : memref<8704xf32, #tpu.memory_space<vmem>>[vector<16xi32>], vector<16xf32>,
      %add3A_155 = arith.addf %add3A_150, %gather3A_154 : vector<16xf32>
      %add3A_156 = arith.constant 10 : i32
      %add3A_157 = vector.broadcast %add3A_156 : i32 to vector<16xi32>
      %add3A_158 = arith.addi %mul3A_109, %add3A_157 : vector<16xi32>
      %gather3A_159 = tpu.vector_load_idx %arg11[%add3A_158] : memref<8704xf32, #tpu.memory_space<vmem>>[vector<16xi32>], vector<16xf32>,
      %add3A_160 = arith.addf %add3A_155, %gather3A_159 : vector<16xf32>
      %add3A_161 = arith.constant 11 : i32
      %add3A_162 = vector.broadcast %add3A_161 : i32 to vector<16xi32>
      %add3A_163 = arith.addi %mul3A_109, %add3A_162 : vector<16xi32>
      %gather3A_164 = tpu.vector_load_idx %arg11[%add3A_163] : memref<8704xf32, #tpu.memory_space<vmem>>[vector<16xi32>], vector<16xf32>,
      %add3A_165 = arith.addf %add3A_160, %gather3A_164 : vector<16xf32>
      %add3A_166 = arith.constant 12 : i32
      %add3A_167 = vector.broadcast %add3A_166 : i32 to vector<16xi32>
      %add3A_168 = arith.addi %mul3A_109, %add3A_167 : vector<16xi32>
      %gather3A_169 = tpu.vector_load_idx %arg11[%add3A_168] : memref<8704xf32, #tpu.memory_space<vmem>>[vector<16xi32>], vector<16xf32>,
      %add3A_170 = arith.addf %add3A_165, %gather3A_169 : vector<16xf32>
      %add3A_171 = arith.constant 13 : i32
      %add3A_172 = vector.broadcast %add3A_171 : i32 to vector<16xi32>
      %add3A_173 = arith.addi %mul3A_109, %add3A_172 : vector<16xi32>
      %gather3A_174 = tpu.vector_load_idx %arg11[%add3A_173] : memref<8704xf32, #tpu.memory_space<vmem>>[vector<16xi32>], vector<16xf32>,
      %add3A_175 = arith.addf %add3A_170, %gather3A_174 : vector<16xf32>
      %add3A_176 = arith.constant 14 : i32
      %add3A_177 = vector.broadcast %add3A_176 : i32 to vector<16xi32>
      %add3A_178 = arith.addi %mul3A_109, %add3A_177 : vector<16xi32>
      %gather3A_179 = tpu.vector_load_idx %arg11[%add3A_178] : memref<8704xf32, #tpu.memory_space<vmem>>[vector<16xi32>], vector<16xf32>,
      %add3A_180 = arith.addf %add3A_175, %gather3A_179 : vector<16xf32>
      %add3A_181 = arith.constant 15 : i32
      %add3A_182 = vector.broadcast %add3A_181 : i32 to vector<16xi32>
      %add3A_183 = arith.addi %mul3A_109, %add3A_182 : vector<16xi32>
      %gather3A_184 = tpu.vector_load_idx %arg11[%add3A_183] : memref<8704xf32, #tpu.memory_space<vmem>>[vector<16xi32>], vector<16xf32>,
      %add3A_185 = arith.addf %add3A_180, %gather3A_184 : vector<16xf32>
      %mul3A_186 = arith.constant 16 : i32
      %mul3A_187 = arith.muli %scan3A_101, %mul3A_186 : i32
      %swap3A_188 = arith.index_cast %mul3A_187 : i32 to index
      %swap3A_189 = tpu.vector_load %arg12[%swap3A_188] {strides = array<i32>} : memref<512xf32, #tpu.memory_space<vmem>>, vector<16xf32>,
      tpu.vector_store %arg12[%swap3A_188], %add3A_185 {strides = array<i32>} : memref<512xf32, #tpu.memory_space<vmem>>, vector<16xf32>,
    }
    %scan3A_13 = arith.constant 32 : i32
    "tpu.region"() ({
      %run_scoped3A = tpu.sem_alloc : memref<!tpu.dma_semaphore, #tpu.memory_space<semaphore_mem>>
      %dma_start3A = tpu.memref_slice %arg6[%mul3A_2] : memref<16384xf32, #tpu.memory_space<hbm>> -> memref<512xf32, #tpu.memory_space<hbm>>
      %dma_start3A_14 = tpu.memref_slice %arg6[%mul3A_2] : memref<16384xf32, #tpu.memory_space<hbm>> -> memref<512xf32, #tpu.memory_space<hbm>>
      tpu.enqueue_dma source(%arg12 : memref<512xf32, #tpu.memory_space<vmem>>) target(%dma_start3A_14 : memref<512xf32, #tpu.memory_space<hbm>>) target_semaphore(%run_scoped3A : memref<!tpu.dma_semaphore, #tpu.memory_space<semaphore_mem>>)
      %dma_wait3A = tpu.memref_slice %arg6[%mul3A_2] : memref<16384xf32, #tpu.memory_space<hbm>> -> memref<512xf32, #tpu.memory_space<hbm>>
      %dma_wait3A_15 = tpu.memref_slice %arg6[%mul3A_2] : memref<16384xf32, #tpu.memory_space<hbm>> -> memref<512xf32, #tpu.memory_space<hbm>>
      tpu.wait_dma2 semaphore(%run_scoped3A : memref<!tpu.dma_semaphore, #tpu.memory_space<semaphore_mem>>) src(%arg12 : memref<512xf32, #tpu.memory_space<vmem>>) dst(%dma_wait3A_15 : memref<512xf32, #tpu.memory_space<hbm>>)
      tpu.yield
    }) : () -> ()
    return
  }
}

</mosaic_0001>

<sc_bundles>
// kernel: kernel.3.cloned.1.call-start
scs
__scs_entry_jumppad:
0x0: {  	(pc) =	sbr.rel $0x88, $3  }
0x1: {  	(tag) =	ssettag $0x0;
	lr =	simm.s32 $0x1  }
0x2: {  	[smem:$0x3F9D] =	sst lr;
	_ =	strace $0xD0000000  }
0x3: {  	_ = 	snop  }
0x4: {  	_ = 	snop  }
0x5: {  	_ = 	snop  }
0x6: {  	_ = 	snop  }
0x7: {  	_ = 	snop  }
__scs_overlays_trampoline_lowered:
0x8: {  	[smem:$0x3FAC] =	sst s0  }
0x9: {  	[smem:$0x3FAD] =	sst s1  }
0xa: {  	[smem:$0x3FAE] =	sst s2  }
0xb: {  	[smem:$0x3FAF] =	sst s3  }
0xc: {  	[smem:$0x3FB0] =	sst s4  }
0xd: {  	[smem:$0x3FB1] =	sst s5  }
0xe: {  	[smem:$0x3FB2] =	sst s6  }
0xf: {  	[smem:$0x3FB3] =	sst s7  }
0x10: {  	[smem:$0x3FB4] =	sst s8  }
0x11: {  	[smem:$0x3FB5] =	sst s9;
	s0 =	simm.s32 @!p0 $0x0  }
0x12: {  	s1 =	sld [smem:$0x3F9B];
	s0 =	simm.s32 @p0 $0x1  }
0x13: {  	[smem:$0x3FB6] =	sst s0;
	s0 =	simm.s32 @!p1 $0x0  }
0x14: {  	s2 =	sld [smem:$0x3F9A];
	s0 =	simm.s32 @p1 $0x1  }
0x15: {  	[smem:$0x3FB7] =	sst s0;
	s0 =	simm.s32 @!p2 $0x0  }
0x16: {  	s3 =	sld [smem:$0x3FDB];
	s0 =	simm.s32 @p2 $0x1  }
0x17: {  	s4 =	simm.s32 $0x1BF5;
	[smem:$0x3FB9] =	sst s0  }
0x18: {  	s0 =	sld [smem:$0x3F9C];
	_ =	swait.ge [sflag:s4], $0x0  }
0x19: {  	s7 =	sld [smem:$0x3F9D]  }
0x1a: {  	s8 =	sadd.s32 $0xFFFFE003, lr  }
0x1b: {  	s9 =	sadd.s32 $0xFFFFFEF7, lr;
	s5 =	simm.s32 $0xFFFFFFFF;
	p2 =	slt.u32 s8, $0xFFFFF086  }
0x1c: {  	p1 =	slt.u32 s9, $0xF7A;
	s5 =	simm.s32 @!p2 $0x0  }
0x1d: {  	s5 =	simm.s32 @p1 $0x1;
	p0 =	seq.s32 s7, s2  }
0x1e: {  	s7 =	smul.u32 @!p0 $0xF7A, s2;
	p2 =	seq.s32 @!p0 s5, $0x0  }
0x1f: {  	s9 =	smul.u32 $0xF7A, s1;
	s8 =	simm.s32 @!p0 $0x1BF5;
	p2 =	por !p2, p0  }
0x20: {  	[sflag:s8] =	ssyncset.s32 @!p0 $0xFFFFF086;
	s6 =	sadd.s32 @!p0 s3, s7;
	s7 =	simm.s32 @!p0 $0x108  }
0x21: {  	s3 =	sadd.s32 s3, s9;
	s6 =	sadd.s32 @!p0 $0x88, s6;
	s7 =	simm.s32 @p2 $0x1082  }
0x22: {  	[simem:s7], [sflag:s8] =	dma.local @!p0 [hbm:s6], $0xF7A  }
0x23: {  	s9 =	sor.u32 $0xD0000000, s2;
	s6 =	simm.s32 $0x108;
	_ =	swait.ge @!p0 [sflag:s8], $0x0  }
0x24: {  	s3 =	sadd.s32 $0x88, s3;
	s6 =	simm.s32 @!p1 $0x1082;
	[sflag:s4] =	ssyncset.s32 $0xFFFFF086  }
0x25: {  	[simem:s6], [sflag:s4] =	dma.local [hbm:s3], $0xF7A  }
0x26: {  	[smem:$0x3F9D] =	sst s1;
	(tag) =	ssettag s2;
	_ =	strace s9  }
0x27: {  	s1 =	sld [smem:$0x3FAD]  }
0x28: {  	s2 =	sld [smem:$0x3FAE]  }
0x29: {  	s4 =	sld [smem:$0x3FB0]  }
0x2a: {  	p0 =	seq.s32 s5, $0x0;
	s5 =	sld [smem:$0x3FB1]  }
0x2b: {  	s6 =	sld [smem:$0x3FB2]  }
0x2c: {  	s7 =	sld [smem:$0x3FB3]  }
0x2d: {  	s3 =	simm.s32 $0x108;
	s8 =	sld [smem:$0x3FB4]  }
0x2e: {  	s3 =	simm.s32 @!p0 $0x1082;
	s9 =	sld [smem:$0x3FB5]  }
0x2f: {  	lr =	sadd.s32 s0, s3;
	s0 =	sld [smem:$0x3FAC]  }
0x30: {  	s3 =	sld [smem:$0x3FAF]  }
0x31: {  	[smem:$0x3FB8] =	sst s10  }
0x32: {  	s10 =	sld [smem:$0x3FB6];
	_ =	sdelay $0x3  }
0x33: {  	p0 =	seq.s32 s10, $0x1;
	s10 =	sld [smem:$0x3FB8];
	_ =	sdelay $0x3  }
0x34: {  	[smem:$0x3FB8] =	sst s10  }
0x35: {  	s10 =	sld [smem:$0x3FB7];
	_ =	sdelay $0x3  }
0x36: {  	p1 =	seq.s32 s10, $0x1;
	s10 =	sld [smem:$0x3FB8];
	_ =	sdelay $0x3  }
0x37: {  	[smem:$0x3FB8] =	sst s10  }
0x38: {  	s10 =	sld [smem:$0x3FB9]  }
0x39: {  	_ = 	snop;
	(pc) =	sbr.ind lr, $3  }
0x3a: {  	_ = 	snop  }
0x3b: {  	_ = 	snop  }
0x3c: {  	p2 =	seq.s32 s10, $0x1;
	s10 =	sld [smem:$0x3FB8]  }
0x3d: {  	_ =	shalt  }
0x3e: {  	_ =	shalt  }
0x3f: {  	_ =	shalt  }
0x40: {  	_ =	shalt  }
0x41: {  	_ =	shalt  }
0x42: {  	_ =	shalt  }
0x43: {  	_ =	shalt  }
0x44: {  	_ =	shalt  }
0x45: {  	_ =	shalt  }
0x46: {  	_ =	shalt  }
0x47: {  	_ =	shalt  }
0x48: {  	_ =	shalt  }
0x49: {  	_ =	shalt  }
0x4a: {  	_ =	shalt  }
0x4b: {  	_ =	shalt  }
0x4c: {  	_ =	shalt  }
0x4d: {  	_ =	shalt  }
0x4e: {  	_ =	shalt  }
0x4f: {  	_ =	shalt  }
0x50: {  	_ =	shalt  }
0x51: {  	_ =	shalt  }
0x52: {  	_ =	shalt  }
0x53: {  	_ =	shalt  }
0x54: {  	_ =	shalt  }
0x55: {  	_ =	shalt  }
0x56: {  	_ =	shalt  }
0x57: {  	_ =	shalt  }
0x58: {  	_ =	shalt  }
0x59: {  	_ =	shalt  }
0x5a: {  	_ =	shalt  }
0x5b: {  	_ =	shalt  }
0x5c: {  	_ =	shalt  }
0x5d: {  	_ =	shalt  }
0x5e: {  	_ =	shalt  }
0x5f: {  	_ =	shalt  }
0x60: {  	_ =	shalt  }
0x61: {  	_ =	shalt  }
0x62: {  	_ =	shalt  }
0x63: {  	_ =	shalt  }
0x64: {  	_ =	shalt  }
0x65: {  	_ =	shalt  }
0x66: {  	_ =	shalt  }
0x67: {  	_ =	shalt  }
0x68: {  	_ =	shalt  }
0x69: {  	_ =	shalt  }
0x6a: {  	_ =	shalt  }
0x6b: {  	_ =	shalt  }
0x6c: {  	_ =	shalt  }
0x6d: {  	_ =	shalt  }
0x6e: {  	_ =	shalt  }
0x6f: {  	_ =	shalt  }
0x70: {  	_ =	shalt  }
0x71: {  	_ =	shalt  }
0x72: {  	_ =	shalt  }
0x73: {  	_ =	shalt  }
0x74: {  	_ =	shalt  }
0x75: {  	_ =	shalt  }
0x76: {  	_ =	shalt  }
0x77: {  	_ =	shalt  }
0x78: {  	_ =	shalt  }
0x79: {  	_ =	shalt  }
0x7a: {  	_ =	shalt  }
0x7b: {  	_ =	shalt  }
0x7c: {  	_ =	shalt  }
0x7d: {  	_ =	shalt  }
0x7e: {  	_ =	shalt  }
0x7f: {  	_ =	shalt  }
0x80: {  	_ =	shalt  }
0x81: {  	_ =	shalt  }
0x82: {  	_ =	shalt  }
0x83: {  	_ =	shalt  }
0x84: {  	_ =	shalt  }
0x85: {  	_ =	shalt  }
0x86: {  	_ =	shalt  }
0x87: {  	_ =	shalt  }
.Lfunc_end0:
.L_simem_size_0:
called_computation_lowered:
.L_overlay_start_0:
0x88: {  	s2 =	sld [smem:$0x3FD9]  }
0x89: {  	s3 =	sld [smem:$0x3FFE];
	_ =	sdelay $0x1  }
0x8a: {  	s1 =	srdreg.scid  }
0x8b: {  	s0 =	sand.u32 $0x1, s1  }
0x8c: {  	s17 =	sshll.u32 s0, $0xA;
	s2 =	sadd.s32 s3, s2  }
0x8d: {  	s2 =	sadd.s32 s2, s17  }
0x8e: {  	[smem:$0x3FC4] =	sst s2  }
0x8f: {  	_ = 	snop  }
0x90: {  	s2 =	sld [smem:$0x3FC9]  }
0x91: {  	s18 =	sld [smem:$0x3FC8]  }
0x92: {  	s4 =	sld [smem:$0x3FD0];
	(tm) =	ssettm $0x1  }
0x93: {  	s5 =	sld [smem:$0x3FFB];
	_ =	sdelay $0x3  }
0x94: {  	_ =	strace s5  }
0x95: {  	s5 =	sld [smem:$0x3FFC];
	_ =	sdelay $0x3  }
0x96: {  	_ =	strace s5  }
0x97: {  	s5 =	sld [smem:$0x3FFD];
	_ =	sdelay $0x3  }
0x98: {  	_ =	strace s5  }
0x99: {  	_ =	strace $0x8FFFFFFF  }
0x9a: {  	s19 =	sld [smem:$0x3FDB];
	_ =	sdelay $0x1  }
0x9b: {  	s6 =	simm.s32 $_scs_section_size  }
0x9c: {  	s7 =	simm.s32 $_size__tile_overlayer_lowered;
	s8 =	simm.s32 $_tile_overlayer_lowered  }
0x9d: {  	s22 =	simm.s32 $0x1BFF;
	s21 =	sshll.u32 s8, $0x1;
	s5 =	sadd.s32 s6, s19  }
0x9e: {  	s9 =	simm.s32 $0x0;
	s20 =	sshll.u32 s7, $0x1;
	s7 =	sadd.s32 s21, s5  }
0x9f: {  	[timem:s9], [sflag:s22] =	dma.local [hbm:s7], s20  }
0xa0: {  	_ =	swait.ge [sflag:s22], s20  }
0xa1: {  	s6 =	ssub.s32 $0x0, s20;
	[sflag:s22] =	ssyncset.done $0x0  }
0xa2: {  	[sflag:s22] =	ssyncadd.s32 s6;
	_ =	sdelay $0x1  }
0xa3: {  	s23 =	simm.s32 $0x1B8B  }
0xa4: {  	_ =	swait.ge [sflag:s23], $0x1  }
0xa5: {  	[sflag:s23] =	ssyncset.done $0x0  }
0xa6: {  	s25 =	simm.s32 $0x1B8E;
	s24 =	sld [smem:$0x3FFE];
	[sflag:s23] =	ssyncadd.s32 $0xFFFFFFFF  }
0xa7: {  	s26 =	simm.s32 $execute0_lowered;
	[smem:$0x3FD2] =	sst s25  }
0xa8: {  	s7 =	sshll.u32 s26, $0x1;
	_ =	strace $0x80000046;
	[dreg:$0x1] =	wrdreg $0xFFFFFFFF  }
0xa9: {  	s28 =	simm.s32 $_size_execute0_lowered;
	s5 =	sadd.s32 s5, s7;
	[dreg:$0x0] =	wrdreg $0x0  }
0xaa: {  	s7 =	sshll.u32 s28, $0x1;
	[dreg:$0x2] =	wrdreg s5  }
0xab: {  	[dreg:$0x3] =	wrdreg s7  }
0xac: {  	[dreg:$0x4] =	wrdreg $0xC0  }
0xad: {  	_ =	task [dreg:s9], $0x5FFFF  }
0xae: {  	[dreg:$0x1] =	wrdreg $0xFFFFFFFF  }
0xaf: {  	[dreg:$0x0] =	wrdreg $0x60  }
0xb0: {  	[dreg:$0x2] =	wrdreg s2  }
0xb1: {  	[dreg:$0x3] =	wrdreg s18  }
0xb2: {  	[dreg:$0x4] =	wrdreg s24  }
0xb3: {  	[dreg:$0x5] =	wrdreg s4  }
0xb4: {  	[dreg:$0x6] =	wrdreg $0x9  }
0xb5: {  	_ =	task.clear_ibuf [dreg:s9], $0x7FFFF;
	_ =	strace $0x90000046  }
0xb6: {  	s29 =	simm.s32 $0x9;
	_ =	strace $0x80000048  }
0xb7: {  	_ =	swait.ge [sflag:s29], $0x1  }
0xb8: {  	[sflag:s29] =	ssyncadd.s32 $0xFFFFFFFF  }
0xb9: {  	_ =	strace $0x90000048  }
0xba: {  	_ =	sfence  }
0xbb: {  	s30 =	sld [smem:$0x0];
	_ =	sdelay $0x2  }
0xbc: {  	s31 =	sshll.u32 s1, $0xD;
	s1 =	sshrl.u32 s1, $0x2  }
0xbd: {  	s3 =	sand.u32 $0x4000, s31;
	s1 =	sadd.s32 s1, s30  }
0xbe: {  	s0 =	sor.u32 s3, s0;
	s1 =	sshll.u32 s1, $0x11  }
0xbf: {  	s0 =	sor.u32 s1, s0  }
0xc0: {  	s0 =	sadd.s32 $0x8F2B, s0  }
0xc1: {  	[sflag:s0] =	ssyncadd.remote.s32 $0x1  }
0xc2: {  	_ =	sfence.sel $0xFFFF  }
0xc3: {  	[dreg:$0x0] =	wrdreg $0xFFFFFFFF;
	(pc) =	sbr.abs _section_cstart, $3  }
0xc4: {  	[dreg:$0x1] =	wrdreg $0xFFFFFFFF  }
0xc5: {  	_ =	task.clear_ibuf [dreg:s9], $0x2FFFF;
	_ =	strace $0x9FFFFFFF  }
0xc6: {  	(tm) =	ssettm $0x7FFFFFFF  }
0xc7: {  	_ =	shalt  }
tec
execute0_lowered:
.L_overlay_start_1:
0x0: {  	(tag) =	ssettag $0x1  }
0x1: {  	s0 =	rddreg [dreg:$0x0]  }
0x2: {  	s1 =	rddreg [dreg:$0x1]  }
0x3: {  	s4 =	rddreg [dreg:$0x2]  }
0x4: {  	s5 =	rddreg [dreg:$0x3]  }
0x5: {  	s2 =	simm.s32 $0x0;
	s3 =	srdreg.scid;
	s7 =	stileid.u32  }
0x6: {  	s21 =	simm.s32 $0x3;
	s28 =	simm.s32 $0xF80;
	s29 =	simm.s32 $0x1F80  }
0x7: {  	s30 =	simm.s32 $0x1000;
	s31 =	simm.s32 $0x2000;
	s10 =	simm.s32 $0x1100  }
0x8: {  	s11 =	simm.s32 $0x1280;
	s12 =	simm.s32 $0x2280;
	s13 =	simm.s32 $0x1300  }
0x9: {  	s14 =	simm.s32 $0x2300;
	s15 =	simm.s32 $0x1380;
	s16 =	simm.s32 $0x2380  }
0xa: {  	s17 =	simm.s32 $0x1;
	s18 =	simm.s32 $0x2;
	s19 =	simm.s32 $0x2400  }
0xb: {  	s22 =	simm.s32 $0x0;
	[smem:$0x7FF] =	sst s2;
	s3 =	sand.u32 $0x1, s3  }
0xc: {  	v0 =	vlaneseq.u32;
	s7 =	sshll.u32 s7, $0x7;
	_ =	strace $0x80000047;
	s6 =	ssub.s32 $0x2, s3  }
0xd: {  	v0 =	vmul.u32 $0x11, v0;
	s8 =	sshll.u32 s3, $0x6;
	s3 =	sadd.s32 $0x400, s4;
	s4 =	sadd.s32 $0xF42800, s4  }
0xe: {  	s9 =	sshrl.u32 s6, $0x1;
	s7 =	sor.u32 s8, s7;
	s8 =	simm.s32 $0x1200  }
0xf: {  	v1 =	vadd.s32 $0x1, v0;
	v2 =	vadd.s32 $0x2, v0;
	v3 =	vadd.s32 $0x3, v0;
	s6 =	ssub.s32 s6, s9;
	s0 =	sadd.s32 s0, s7;
	s24 =	sadd.s32 s1, s7  }
0x10: {  	v4 =	vadd.s32 $0x4, v0;
	v5 =	vadd.s32 $0x5, v0;
	v6 =	vadd.s32 $0x6, v0;
	s25 =	sadd.s32 s5, s7;
	s1 =	simm.s32 $0x2080;
	[dreg:$0x5] =	wrdreg s0  }
0x11: {  	v7 =	vadd.s32 $0x7, v0;
	v8 =	vadd.s32 $0x8, v0;
	v9 =	vadd.s32 $0x9, v0;
	s5 =	simm.s32 $0x2100;
	s7 =	simm.s32 $0x2180;
	[dreg:$0x6] =	wrdreg s24  }
0x12: {  	v10 =	vadd.s32 $0xA, v0;
	v11 =	vadd.s32 $0xB, v0;
	v12 =	vadd.s32 $0xC, v0;
	s9 =	simm.s32 $0x2200;
	[dreg:$0x7] =	wrdreg s25;
	s26 =	smax.u32 s6, $0x1  }
0x13: {  	v13 =	vadd.s32 $0xD, v0;
	v14 =	vadd.s32 $0xE, v0;
	v15 =	vadd.s32 $0xF, v0;
	s0 =	simm.s32 $0x1080;
	s6 =	simm.s32 $0x1180;
	[dreg:$0x8] =	wrdreg s26  }
.LBB2_1:
0x14: {  	[dreg:$0x9] =	wrdreg s22  }
0x15: {  	s20 =	rddreg [dreg:$0x5]  }
0x16: {  	[tilespmem:s2], [sflag:$0x3] =	stream.linear.gather [hbm4b:s20+s2], $0x200, $0x38;
	[tilespmem:$0x4800] =	vst v63  }
0x17: {  	_ =	swait.ge [sflag:s21], $0x200  }
0x18: {  	[sflag:s21] =	ssyncset.done $0x0  }
0x19: {  	s26 =	simm.s32 $0x200;
	s25 =	rddreg [dreg:$0x6];
	[sflag:s21] =	ssyncadd.s32 $0xFFFFFE00  }
0x1a: {  	[tilespmem:s26], [sflag:$0x3] =	stream.linear.gather [hbm4b:s25+s2], $0x200, $0x38;
	[tilespmem:$0x4800] =	vst v63  }
0x1b: {  	_ =	swait.ge [sflag:s21], $0x200  }
0x1c: {  	[sflag:s21] =	ssyncset.done $0x0  }
0x1d: {  	s26 =	simm.s32 $0x2400;
	[sflag:s21] =	ssyncadd.s32 $0xFFFFFE00;
	s21 =	simm.s32 $0x0  }
.LBB2_2:
0x1e: {  	s24 =	sshll.u32 s21, $0x5  }
0x1f: {  	v16 =	vld [tilespmem:s24+$0x0];
	_ =	sdelay $0x3  }
0x20: {  	v18 =	vld [tilespmem:s24+$0x200]  }
0x21: {  	v17 =	vshll.u32 v16, $0x4  }
0x22: {  	(v2sf) =	vpush v17, $0x0;
	_ =	sdelay $0x2  }
0x23: {  	v16 =	vshll.u32 v18, $0x4  }
0x24: {  	(v2sf) =	vpush v16, $0x0;
	_ =	sdelay $0x2  }
0x25: {  	(v2sf) =	vpush v17, $0x1;
	_ =	sdelay $0x2  }
0x26: {  	(v2sf) =	vpush v16, $0x1;
	_ =	sdelay $0x4  }
0x27: {  	s20 =	spop (v2sf);
	(v2sf) =	vpush v17, $0x2;
	_ =	sdelay $0x2  }
0x28: {  	s20 =	sand.u32 $0x1FFFFFF0, s20  }
0x29: {  	s22 =	simm.s32 $0x400;
	s23 =	spop (v2sf);
	(v2sf) =	vpush v16, $0x2;
	s20 =	sadd.s32 s3, s20  }
0x2a: {  	[tilespmem:s22], [sflag:$0x1] =	stream.linear.gather [hbm4b:s20+s2], $0x80, $0x38;
	[tilespmem:$0x4800] =	vst v63  }
0x2b: {  	s20 =	sand.u32 $0x1FFFFFF0, s23  }
0x2c: {  	s25 =	simm.s32 $0x1400;
	s22 =	spop (v2sf);
	s20 =	sadd.s32 s4, s20  }
0x2d: {  	(v2sf) =	vpush v17, $0x3;
	[tilespmem:s25], [sflag:$0x2] =	stream.linear.gather [hbm4b:s20+s2], $0x80, $0x38;
	[tilespmem:$0x4800] =	vst v63  }
0x2e: {  	s20 =	sand.u32 $0x1FFFFFF0, s22  }
0x2f: {  	s23 =	spop (v2sf);
	s22 =	simm.s32 $0x480;
	s20 =	sadd.s32 s3, s20  }
0x30: {  	[tilespmem:s22], [sflag:$0x1] =	stream.linear.gather [hbm4b:s20+s2], $0x80, $0x38;
	[tilespmem:$0x4800] =	vst v63  }
0x31: {  	(v2sf) =	vpush v16, $0x3;
	s20 =	sand.u32 $0x1FFFFFF0, s23  }
0x32: {  	s23 =	simm.s32 $0x1480;
	s20 =	sadd.s32 s4, s20  }
0x33: {  	[tilespmem:s23], [sflag:$0x2] =	stream.linear.gather [hbm4b:s20+s2], $0x80, $0x38;
	[tilespmem:$0x4800] =	vst v63  }
0x34: {  	s25 =	spop (v2sf)  }
0x35: {  	(v2sf) =	vpush v17, $0x4;
	s20 =	sand.u32 $0x1FFFFFF0, s25  }
0x36: {  	s25 =	simm.s32 $0x500;
	s20 =	sadd.s32 s3, s20  }
0x37: {  	[tilespmem:s25], [sflag:$0x1] =	stream.linear.gather [hbm4b:s20+s2], $0x80, $0x38;
	[tilespmem:$0x4800] =	vst v63  }
0x38: {  	s25 =	spop (v2sf)  }
0x39: {  	(v2sf) =	vpush v16, $0x4;
	s20 =	sand.u32 $0x1FFFFFF0, s25  }
0x3a: {  	s25 =	simm.s32 $0x1500;
	s20 =	sadd.s32 s4, s20  }
0x3b: {  	[tilespmem:s25], [sflag:$0x2] =	stream.linear.gather [hbm4b:s20+s2], $0x80, $0x38;
	[tilespmem:$0x4800] =	vst v63  }
0x3c: {  	s25 =	spop (v2sf)  }
0x3d: {  	(v2sf) =	vpush v17, $0x5;
	s20 =	sand.u32 $0x1FFFFFF0, s25  }
0x3e: {  	s25 =	simm.s32 $0x580;
	s20 =	sadd.s32 s3, s20  }
0x3f: {  	[tilespmem:s25], [sflag:$0x1] =	stream.linear.gather [hbm4b:s20+s2], $0x80, $0x38;
	[tilespmem:$0x4800] =	vst v63  }
0x40: {  	s25 =	spop (v2sf)  }
0x41: {  	(v2sf) =	vpush v16, $0x5;
	s20 =	sand.u32 $0x1FFFFFF0, s25  }
0x42: {  	s25 =	simm.s32 $0x1580;
	s20 =	sadd.s32 s4, s20  }
0x43: {  	[tilespmem:s25], [sflag:$0x2] =	stream.linear.gather [hbm4b:s20+s2], $0x80, $0x38;
	[tilespmem:$0x4800] =	vst v63  }
0x44: {  	s25 =	spop (v2sf)  }
0x45: {  	(v2sf) =	vpush v17, $0x6;
	s20 =	sand.u32 $0x1FFFFFF0, s25  }
0x46: {  	s25 =	simm.s32 $0x600;
	s20 =	sadd.s32 s3, s20  }
0x47: {  	[tilespmem:s25], [sflag:$0x1] =	stream.linear.gather [hbm4b:s20+s2], $0x80, $0x38;
	[tilespmem:$0x4800] =	vst v63  }
0x48: {  	s25 =	spop (v2sf)  }
0x49: {  	(v2sf) =	vpush v16, $0x6;
	s20 =	sand.u32 $0x1FFFFFF0, s25  }
0x4a: {  	s25 =	simm.s32 $0x1600;
	s20 =	sadd.s32 s4, s20  }
0x4b: {  	[tilespmem:s25], [sflag:$0x2] =	stream.linear.gather [hbm4b:s20+s2], $0x80, $0x38;
	[tilespmem:$0x4800] =	vst v63  }
0x4c: {  	s25 =	spop (v2sf)  }
0x4d: {  	(v2sf) =	vpush v17, $0x7;
	s20 =	sand.u32 $0x1FFFFFF0, s25  }
0x4e: {  	s25 =	simm.s32 $0x680;
	s20 =	sadd.s32 s3, s20  }
0x4f: {  	[tilespmem:s25], [sflag:$0x1] =	stream.linear.gather [hbm4b:s20+s2], $0x80, $0x38;
	[tilespmem:$0x4800] =	vst v63  }
0x50: {  	s25 =	spop (v2sf)  }
0x51: {  	(v2sf) =	vpush v16, $0x7;
	s20 =	sand.u32 $0x1FFFFFF0, s25  }
0x52: {  	s25 =	simm.s32 $0x1680;
	s20 =	sadd.s32 s4, s20  }
0x53: {  	[tilespmem:s25], [sflag:$0x2] =	stream.linear.gather [hbm4b:s20+s2], $0x80, $0x38;
	[tilespmem:$0x4800] =	vst v63  }
0x54: {  	s25 =	spop (v2sf)  }
0x55: {  	(v2sf) =	vpush v17, $0x8;
	s20 =	sand.u32 $0x1FFFFFF0, s25  }
0x56: {  	s25 =	simm.s32 $0x700;
	s20 =	sadd.s32 s3, s20  }
0x57: {  	[tilespmem:s25], [sflag:$0x1] =	stream.linear.gather [hbm4b:s20+s2], $0x80, $0x38;
	[tilespmem:$0x4800] =	vst v63  }
0x58: {  	s25 =	spop (v2sf)  }
0x59: {  	(v2sf) =	vpush v16, $0x8;
	s20 =	sand.u32 $0x1FFFFFF0, s25  }
0x5a: {  	s25 =	simm.s32 $0x1700;
	s20 =	sadd.s32 s4, s20  }
0x5b: {  	[tilespmem:s25], [sflag:$0x2] =	stream.linear.gather [hbm4b:s20+s2], $0x80, $0x38;
	[tilespmem:$0x4800] =	vst v63  }
0x5c: {  	s25 =	spop (v2sf)  }
0x5d: {  	(v2sf) =	vpush v17, $0x9;
	s20 =	sand.u32 $0x1FFFFFF0, s25  }
0x5e: {  	s25 =	simm.s32 $0x780;
	s20 =	sadd.s32 s3, s20  }
0x5f: {  	[tilespmem:s25], [sflag:$0x1] =	stream.linear.gather [hbm4b:s20+s2], $0x80, $0x38;
	[tilespmem:$0x4800] =	vst v63  }
0x60: {  	s25 =	spop (v2sf)  }
0x61: {  	(v2sf) =	vpush v16, $0x9;
	s20 =	sand.u32 $0x1FFFFFF0, s25  }
0x62: {  	s25 =	simm.s32 $0x1780;
	s20 =	sadd.s32 s4, s20  }
0x63: {  	[tilespmem:s25], [sflag:$0x2] =	stream.linear.gather [hbm4b:s20+s2], $0x80, $0x38;
	[tilespmem:$0x4800] =	vst v63  }
0x64: {  	s25 =	spop (v2sf)  }
0x65: {  	(v2sf) =	vpush v17, $0xA;
	s20 =	sand.u32 $0x1FFFFFF0, s25  }
0x66: {  	s25 =	simm.s32 $0x800;
	s20 =	sadd.s32 s3, s20  }
0x67: {  	[tilespmem:s25], [sflag:$0x1] =	stream.linear.gather [hbm4b:s20+s2], $0x80, $0x38;
	[tilespmem:$0x4800] =	vst v63  }
0x68: {  	s25 =	spop (v2sf)  }
0x69: {  	(v2sf) =	vpush v16, $0xA;
	s20 =	sand.u32 $0x1FFFFFF0, s25  }
0x6a: {  	s25 =	simm.s32 $0x1800;
	s20 =	sadd.s32 s4, s20  }
0x6b: {  	[tilespmem:s25], [sflag:$0x2] =	stream.linear.gather [hbm4b:s20+s2], $0x80, $0x38;
	[tilespmem:$0x4800] =	vst v63  }
0x6c: {  	s25 =	spop (v2sf)  }
0x6d: {  	(v2sf) =	vpush v17, $0xB;
	s20 =	sand.u32 $0x1FFFFFF0, s25  }
0x6e: {  	s25 =	simm.s32 $0x880;
	s20 =	sadd.s32 s3, s20  }
0x6f: {  	[tilespmem:s25], [sflag:$0x1] =	stream.linear.gather [hbm4b:s20+s2], $0x80, $0x38;
	[tilespmem:$0x4800] =	vst v63  }
0x70: {  	s25 =	spop (v2sf)  }
0x71: {  	(v2sf) =	vpush v16, $0xB;
	s20 =	sand.u32 $0x1FFFFFF0, s25  }
0x72: {  	s25 =	simm.s32 $0x1880;
	s20 =	sadd.s32 s4, s20  }
0x73: {  	[tilespmem:s25], [sflag:$0x2] =	stream.linear.gather [hbm4b:s20+s2], $0x80, $0x38;
	[tilespmem:$0x4800] =	vst v63  }
0x74: {  	s25 =	spop (v2sf)  }
0x75: {  	(v2sf) =	vpush v17, $0xC;
	s20 =	sand.u32 $0x1FFFFFF0, s25  }
0x76: {  	s25 =	simm.s32 $0x900;
	s20 =	sadd.s32 s3, s20  }
0x77: {  	[tilespmem:s25], [sflag:$0x1] =	stream.linear.gather [hbm4b:s20+s2], $0x80, $0x38;
	[tilespmem:$0x4800] =	vst v63  }
0x78: {  	s25 =	spop (v2sf)  }
0x79: {  	(v2sf) =	vpush v16, $0xC;
	s20 =	sand.u32 $0x1FFFFFF0, s25  }
0x7a: {  	s25 =	simm.s32 $0x1900;
	s20 =	sadd.s32 s4, s20  }
0x7b: {  	[tilespmem:s25], [sflag:$0x2] =	stream.linear.gather [hbm4b:s20+s2], $0x80, $0x38;
	[tilespmem:$0x4800] =	vst v63  }
0x7c: {  	s25 =	spop (v2sf)  }
0x7d: {  	(v2sf) =	vpush v17, $0xD;
	s20 =	sand.u32 $0x1FFFFFF0, s25  }
0x7e: {  	s25 =	simm.s32 $0x980;
	s20 =	sadd.s32 s3, s20  }
0x7f: {  	[tilespmem:s25], [sflag:$0x1] =	stream.linear.gather [hbm4b:s20+s2], $0x80, $0x38;
	[tilespmem:$0x4800] =	vst v63  }
0x80: {  	s25 =	spop (v2sf)  }
0x81: {  	(v2sf) =	vpush v16, $0xD;
	s20 =	sand.u32 $0x1FFFFFF0, s25  }
0x82: {  	s25 =	simm.s32 $0x1980;
	s20 =	sadd.s32 s4, s20  }
0x83: {  	[tilespmem:s25], [sflag:$0x2] =	stream.linear.gather [hbm4b:s20+s2], $0x80, $0x38;
	[tilespmem:$0x4800] =	vst v63  }
0x84: {  	s25 =	spop (v2sf)  }
0x85: {  	(v2sf) =	vpush v17, $0xE;
	s20 =	sand.u32 $0x1FFFFFF0, s25  }
0x86: {  	s25 =	simm.s32 $0xA00;
	s20 =	sadd.s32 s3, s20  }
0x87: {  	[tilespmem:s25], [sflag:$0x1] =	stream.linear.gather [hbm4b:s20+s2], $0x80, $0x38;
	[tilespmem:$0x4800] =	vst v63  }
0x88: {  	s25 =	spop (v2sf)  }
0x89: {  	(v2sf) =	vpush v16, $0xE;
	s20 =	sand.u32 $0x1FFFFFF0, s25  }
0x8a: {  	s25 =	simm.s32 $0x1A00;
	s20 =	sadd.s32 s4, s20  }
0x8b: {  	[tilespmem:s25], [sflag:$0x2] =	stream.linear.gather [hbm4b:s20+s2], $0x80, $0x38;
	[tilespmem:$0x4800] =	vst v63  }
0x8c: {  	s25 =	spop (v2sf)  }
0x8d: {  	(v2sf) =	vpush v17, $0xF;
	s20 =	sand.u32 $0x1FFFFFF0, s25  }
0x8e: {  	s25 =	simm.s32 $0xA80;
	s20 =	sadd.s32 s3, s20  }
0x8f: {  	[tilespmem:s25], [sflag:$0x1] =	stream.linear.gather [hbm4b:s20+s2], $0x80, $0x38;
	[tilespmem:$0x4800] =	vst v63  }
0x90: {  	s25 =	spop (v2sf)  }
0x91: {  	(v2sf) =	vpush v16, $0xF;
	s20 =	sand.u32 $0x1FFFFFF0, s25  }
0x92: {  	s25 =	simm.s32 $0x1A80;
	s20 =	sadd.s32 s4, s20  }
0x93: {  	[tilespmem:s25], [sflag:$0x2] =	stream.linear.gather [hbm4b:s20+s2], $0x80, $0x38;
	[tilespmem:$0x4800] =	vst v63  }
0x94: {  	s25 =	spop (v2sf)  }
0x95: {  	s20 =	sand.u32 $0x1FFFFFF0, s25  }
0x96: {  	s25 =	simm.s32 $0xB00;
	s20 =	sadd.s32 s3, s20  }
0x97: {  	[tilespmem:s25], [sflag:$0x1] =	stream.linear.gather [hbm4b:s20+s2], $0x80, $0x38;
	[tilespmem:$0x4800] =	vst v63  }
0x98: {  	s25 =	spop (v2sf)  }
0x99: {  	s20 =	sand.u32 $0x1FFFFFF0, s25  }
0x9a: {  	s25 =	simm.s32 $0x1B00;
	s20 =	sadd.s32 s4, s20  }
0x9b: {  	[tilespmem:s25], [sflag:$0x2] =	stream.linear.gather [hbm4b:s20+s2], $0x80, $0x38;
	[tilespmem:$0x4800] =	vst v63  }
0x9c: {  	s25 =	spop (v2sf)  }
0x9d: {  	s20 =	sand.u32 $0x1FFFFFF0, s25  }
0x9e: {  	s25 =	simm.s32 $0xB80;
	s20 =	sadd.s32 s3, s20  }
0x9f: {  	[tilespmem:s25], [sflag:$0x1] =	stream.linear.gather [hbm4b:s20+s2], $0x80, $0x38;
	[tilespmem:$0x4800] =	vst v63  }
0xa0: {  	s25 =	spop (v2sf)  }
0xa1: {  	s20 =	sand.u32 $0x1FFFFFF0, s25  }
0xa2: {  	s25 =	simm.s32 $0x1B80;
	s20 =	sadd.s32 s4, s20  }
0xa3: {  	[tilespmem:s25], [sflag:$0x2] =	stream.linear.gather [hbm4b:s20+s2], $0x80, $0x38;
	[tilespmem:$0x4800] =	vst v63  }
0xa4: {  	v16 =	vld [tilespmem:s24+$0x10];
	_ =	sdelay $0x1  }
0xa5: {  	v18 =	vld [tilespmem:s24+$0x210];
	_ =	sdelay $0x2  }
0xa6: {  	v17 =	vshll.u32 v16, $0x4  }
0xa7: {  	(v2sf) =	vpush v17, $0x0  }
0xa8: {  	v16 =	vshll.u32 v18, $0x4  }
0xa9: {  	(v2sf) =	vpush v16, $0x0;
	_ =	sdelay $0x2  }
0xaa: {  	(v2sf) =	vpush v17, $0x1;
	_ =	sdelay $0x2  }
0xab: {  	(v2sf) =	vpush v16, $0x1;
	_ =	sdelay $0x1  }
0xac: {  	(v2sf) =	vpush v17, $0x2;
	_ =	sdelay $0x4  }
0xad: {  	s24 =	spop (v2sf);
	(v2sf) =	vpush v16, $0x2  }
0xae: {  	s20 =	sand.u32 $0x1FFFFFF0, s24  }
0xaf: {  	s25 =	simm.s32 $0xC00;
	s24 =	spop (v2sf);
	s20 =	sadd.s32 s3, s20  }
0xb0: {  	[tilespmem:s25], [sflag:$0x1] =	stream.linear.gather [hbm4b:s20+s2], $0x80, $0x38;
	[tilespmem:$0x4800] =	vst v63  }
0xb1: {  	s20 =	sand.u32 $0x1FFFFFF0, s24  }
0xb2: {  	s25 =	simm.s32 $0x1C00;
	s24 =	spop (v2sf);
	(v2sf) =	vpush v17, $0x3;
	s20 =	sadd.s32 s4, s20  }
0xb3: {  	[tilespmem:s25], [sflag:$0x2] =	stream.linear.gather [hbm4b:s20+s2], $0x80, $0x38;
	[tilespmem:$0x4800] =	vst v63  }
0xb4: {  	s20 =	sand.u32 $0x1FFFFFF0, s24  }
0xb5: {  	s25 =	simm.s32 $0xC80;
	s24 =	spop (v2sf);
	(v2sf) =	vpush v16, $0x3;
	s20 =	sadd.s32 s3, s20  }
0xb6: {  	[tilespmem:s25], [sflag:$0x1] =	stream.linear.gather [hbm4b:s20+s2], $0x80, $0x38;
	[tilespmem:$0x4800] =	vst v63  }
0xb7: {  	s20 =	sand.u32 $0x1FFFFFF0, s24;
	s24 =	spop (v2sf);
	(v2sf) =	vpush v17, $0x4;
	_ =	sdelay $0x2  }
0xb8: {  	s25 =	simm.s32 $0x1C80;
	s20 =	sadd.s32 s4, s20  }
0xb9: {  	[tilespmem:s25], [sflag:$0x2] =	stream.linear.gather [hbm4b:s20+s2], $0x80, $0x38;
	[tilespmem:$0x4800] =	vst v63  }
0xba: {  	s20 =	sand.u32 $0x1FFFFFF0, s24;
	s24 =	spop (v2sf);
	(v2sf) =	vpush v16, $0x4;
	_ =	sdelay $0x1  }
0xbb: {  	s25 =	simm.s32 $0xD00;
	s20 =	sadd.s32 s3, s20  }
0xbc: {  	[tilespmem:s25], [sflag:$0x1] =	stream.linear.gather [hbm4b:s20+s2], $0x80, $0x38;
	[tilespmem:$0x4800] =	vst v63  }
0xbd: {  	s20 =	sand.u32 $0x1FFFFFF0, s24  }
0xbe: {  	s25 =	simm.s32 $0x1D00;
	s20 =	sadd.s32 s4, s20;
	s24 =	spop (v2sf);
	(v2sf) =	vpush v17, $0x5  }
0xbf: {  	[tilespmem:s25], [sflag:$0x2] =	stream.linear.gather [hbm4b:s20+s2], $0x80, $0x38;
	[tilespmem:$0x4800] =	vst v63  }
0xc0: {  	s20 =	sand.u32 $0x1FFFFFF0, s24  }
0xc1: {  	s25 =	simm.s32 $0xD80;
	s20 =	sadd.s32 s3, s20;
	s24 =	spop (v2sf);
	(v2sf) =	vpush v16, $0x5  }
0xc2: {  	[tilespmem:s25], [sflag:$0x1] =	stream.linear.gather [hbm4b:s20+s2], $0x80, $0x38;
	[tilespmem:$0x4800] =	vst v63  }
0xc3: {  	s20 =	sand.u32 $0x1FFFFFF0, s24;
	s24 =	spop (v2sf);
	(v2sf) =	vpush v17, $0x6;
	_ =	sdelay $0x2  }
0xc4: {  	s25 =	simm.s32 $0x1D80;
	s20 =	sadd.s32 s4, s20  }
0xc5: {  	[tilespmem:s25], [sflag:$0x2] =	stream.linear.gather [hbm4b:s20+s2], $0x80, $0x38;
	[tilespmem:$0x4800] =	vst v63  }
0xc6: {  	s20 =	sand.u32 $0x1FFFFFF0, s24;
	s24 =	spop (v2sf);
	(v2sf) =	vpush v16, $0x6;
	_ =	sdelay $0x1  }
0xc7: {  	s25 =	simm.s32 $0xE00;
	s20 =	sadd.s32 s3, s20  }
0xc8: {  	[tilespmem:s25], [sflag:$0x1] =	stream.linear.gather [hbm4b:s20+s2], $0x80, $0x38;
	[tilespmem:$0x4800] =	vst v63  }
0xc9: {  	s20 =	sand.u32 $0x1FFFFFF0, s24  }
0xca: {  	s25 =	simm.s32 $0x1E00;
	s20 =	sadd.s32 s4, s20;
	s24 =	spop (v2sf);
	(v2sf) =	vpush v17, $0x7  }
0xcb: {  	[tilespmem:s25], [sflag:$0x2] =	stream.linear.gather [hbm4b:s20+s2], $0x80, $0x38;
	[tilespmem:$0x4800] =	vst v63  }
0xcc: {  	s20 =	sand.u32 $0x1FFFFFF0, s24  }
0xcd: {  	s25 =	simm.s32 $0xE80;
	s20 =	sadd.s32 s3, s20;
	s24 =	spop (v2sf);
	(v2sf) =	vpush v16, $0x7  }
0xce: {  	[tilespmem:s25], [sflag:$0x1] =	stream.linear.gather [hbm4b:s20+s2], $0x80, $0x38;
	[tilespmem:$0x4800] =	vst v63  }
0xcf: {  	s20 =	sand.u32 $0x1FFFFFF0, s24;
	s24 =	spop (v2sf);
	(v2sf) =	vpush v17, $0x8;
	_ =	sdelay $0x2  }
0xd0: {  	s25 =	simm.s32 $0x1E80;
	s20 =	sadd.s32 s4, s20  }
0xd1: {  	[tilespmem:s25], [sflag:$0x2] =	stream.linear.gather [hbm4b:s20+s2], $0x80, $0x38;
	[tilespmem:$0x4800] =	vst v63  }
0xd2: {  	s20 =	sand.u32 $0x1FFFFFF0, s24;
	s24 =	spop (v2sf);
	(v2sf) =	vpush v16, $0x8;
	_ =	sdelay $0x2  }
0xd3: {  	s25 =	simm.s32 $0xF00;
	s20 =	sadd.s32 s3, s20  }
0xd4: {  	[tilespmem:s25], [sflag:$0x1] =	stream.linear.gather [hbm4b:s20+s2], $0x80, $0x38;
	[tilespmem:$0x4800] =	vst v63  }
0xd5: {  	s20 =	sand.u32 $0x1FFFFFF0, s24;
	s24 =	spop (v2sf);
	(v2sf) =	vpush v17, $0x9  }
0xd6: {  	s25 =	simm.s32 $0x1F00;
	s20 =	sadd.s32 s4, s20  }
0xd7: {  	[tilespmem:s25], [sflag:$0x2] =	stream.linear.gather [hbm4b:s20+s2], $0x80, $0x38;
	[tilespmem:$0x4800] =	vst v63  }
0xd8: {  	s25 =	spop (v2sf);
	(v2sf) =	vpush v16, $0x9;
	_ =	sdelay $0x1  }
0xd9: {  	s20 =	sand.u32 $0x1FFFFFF0, s24;
	s24 =	spop (v2sf);
	(v2sf) =	vpush v17, $0xA;
	_ =	sdelay $0x1  }
0xda: {  	s20 =	sadd.s32 s3, s20  }
0xdb: {  	[tilespmem:s28], [sflag:$0x1] =	stream.linear.gather [hbm4b:s20+s2], $0x80, $0x38;
	[tilespmem:$0x4800] =	vst v63  }
0xdc: {  	s20 =	sand.u32 $0x1FFFFFF0, s25  }
0xdd: {  	s20 =	sadd.s32 s4, s20;
	s25 =	spop (v2sf);
	(v2sf) =	vpush v16, $0xA  }
0xde: {  	[tilespmem:s29], [sflag:$0x2] =	stream.linear.gather [hbm4b:s20+s2], $0x80, $0x38;
	[tilespmem:$0x4800] =	vst v63  }
0xdf: {  	s20 =	sand.u32 $0x1FFFFFF0, s24  }
0xe0: {  	s20 =	sadd.s32 s3, s20  }
0xe1: {  	[tilespmem:s30], [sflag:$0x1] =	stream.linear.gather [hbm4b:s20+s2], $0x80, $0x38;
	[tilespmem:$0x4800] =	vst v63  }
0xe2: {  	s20 =	sand.u32 $0x1FFFFFF0, s25;
	s24 =	spop (v2sf);
	(v2sf) =	vpush v17, $0xB  }
0xe3: {  	s20 =	sadd.s32 s4, s20  }
0xe4: {  	[tilespmem:s31], [sflag:$0x2] =	stream.linear.gather [hbm4b:s20+s2], $0x80, $0x38;
	[tilespmem:$0x4800] =	vst v63  }
0xe5: {  	s25 =	spop (v2sf);
	(v2sf) =	vpush v16, $0xB  }
0xe6: {  	s20 =	sand.u32 $0x1FFFFFF0, s24  }
0xe7: {  	s20 =	sadd.s32 s3, s20;
	s24 =	spop (v2sf);
	(v2sf) =	vpush v17, $0xC  }
0xe8: {  	[tilespmem:s0], [sflag:$0x1] =	stream.linear.gather [hbm4b:s20+s2], $0x80, $0x38;
	[tilespmem:$0x4800] =	vst v63  }
0xe9: {  	s20 =	sand.u32 $0x1FFFFFF0, s25  }
0xea: {  	s20 =	sadd.s32 s4, s20  }
0xeb: {  	[tilespmem:s1], [sflag:$0x2] =	stream.linear.gather [hbm4b:s20+s2], $0x80, $0x38;
	[tilespmem:$0x4800] =	vst v63  }
0xec: {  	s25 =	spop (v2sf);
	(v2sf) =	vpush v16, $0xC  }
0xed: {  	s20 =	sand.u32 $0x1FFFFFF0, s24  }
0xee: {  	s20 =	sadd.s32 s3, s20;
	(v2sf) =	vpush v17, $0xD  }
0xef: {  	[tilespmem:s10], [sflag:$0x1] =	stream.linear.gather [hbm4b:s20+s2], $0x80, $0x38;
	[tilespmem:$0x4800] =	vst v63  }
0xf0: {  	s20 =	sand.u32 $0x1FFFFFF0, s25  }
0xf1: {  	s20 =	sadd.s32 s4, s20;
	s24 =	spop (v2sf);
	(v2sf) =	vpush v16, $0xD  }
0xf2: {  	[tilespmem:s5], [sflag:$0x2] =	stream.linear.gather [hbm4b:s20+s2], $0x80, $0x38;
	[tilespmem:$0x4800] =	vst v63  }
0xf3: {  	s20 =	sand.u32 $0x1FFFFFF0, s24  }
0xf4: {  	s20 =	sadd.s32 s3, s20;
	s25 =	spop (v2sf);
	(v2sf) =	vpush v17, $0xE  }
0xf5: {  	[tilespmem:s6], [sflag:$0x1] =	stream.linear.gather [hbm4b:s20+s2], $0x80, $0x38;
	[tilespmem:$0x4800] =	vst v63  }
0xf6: {  	s24 =	spop (v2sf);
	(v2sf) =	vpush v16, $0xE  }
0xf7: {  	s20 =	sand.u32 $0x1FFFFFF0, s25  }
0xf8: {  	s20 =	sadd.s32 s4, s20  }
0xf9: {  	[tilespmem:s7], [sflag:$0x2] =	stream.linear.gather [hbm4b:s20+s2], $0x80, $0x38;
	[tilespmem:$0x4800] =	vst v63  }
0xfa: {  	s20 =	sand.u32 $0x1FFFFFF0, s24  }
0xfb: {  	s20 =	sadd.s32 s3, s20;
	s25 =	spop (v2sf);
	(v2sf) =	vpush v17, $0xF  }
0xfc: {  	[tilespmem:s8], [sflag:$0x1] =	stream.linear.gather [hbm4b:s20+s2], $0x80, $0x38;
	[tilespmem:$0x4800] =	vst v63  }
0xfd: {  	s20 =	sand.u32 $0x1FFFFFF0, s25;
	s24 =	spop (v2sf);
	(v2sf) =	vpush v16, $0xF  }
0xfe: {  	s20 =	sadd.s32 s4, s20  }
0xff: {  	[tilespmem:s9], [sflag:$0x2] =	stream.linear.gather [hbm4b:s20+s2], $0x80, $0x38;
	[tilespmem:$0x4800] =	vst v63  }
0x100: {  	s20 =	sand.u32 $0x1FFFFFF0, s24;
	s25 =	spop (v2sf)  }
0x101: {  	s20 =	sadd.s32 s3, s20;
	s24 =	sand.u32 $0x1FFFFFF0, s25  }
0x102: {  	[tilespmem:s11], [sflag:$0x1] =	stream.linear.gather [hbm4b:s20+s2], $0x80, $0x38;
	[tilespmem:$0x4800] =	vst v63  }
0x103: {  	s25 =	spop (v2sf);
	s20 =	sadd.s32 s4, s24  }
0x104: {  	[tilespmem:s12], [sflag:$0x2] =	stream.linear.gather [hbm4b:s20+s2], $0x80, $0x38;
	[tilespmem:$0x4800] =	vst v63  }
0x105: {  	s24 =	sand.u32 $0x1FFFFFF0, s25;
	s25 =	spop (v2sf)  }
0x106: {  	s20 =	sadd.s32 s3, s24;
	s24 =	sand.u32 $0x1FFFFFF0, s25  }
0x107: {  	[tilespmem:s13], [sflag:$0x1] =	stream.linear.gather [hbm4b:s20+s2], $0x80, $0x38;
	[tilespmem:$0x4800] =	vst v63  }
0x108: {  	s20 =	sadd.s32 s4, s24  }
0x109: {  	[tilespmem:s14], [sflag:$0x2] =	stream.linear.gather [hbm4b:s20+s2], $0x80, $0x38;
	[tilespmem:$0x4800] =	vst v63  }
0x10a: {  	s25 =	spop (v2sf)  }
0x10b: {  	s24 =	sand.u32 $0x1FFFFFF0, s25  }
0x10c: {  	s25 =	spop (v2sf);
	s20 =	sadd.s32 s3, s24  }
0x10d: {  	[tilespmem:s15], [sflag:$0x1] =	stream.linear.gather [hbm4b:s20+s2], $0x80, $0x38;
	[tilespmem:$0x4800] =	vst v63  }
0x10e: {  	s20 =	sand.u32 $0x1FFFFFF0, s25  }
0x10f: {  	s20 =	sadd.s32 s4, s20  }
0x110: {  	[tilespmem:s16], [sflag:$0x2] =	stream.linear.gather [hbm4b:s20+s2], $0x80, $0x38;
	[tilespmem:$0x4800] =	vst v63  }
0x111: {  	_ =	swait.ge [sflag:s17], $0x80  }
0x112: {  	[sflag:s17] =	ssyncset.done $0x0  }
0x113: {  	[sflag:s17] =	ssyncadd.s32 $0xFFFFFF80  }
0x114: {  	_ =	swait.ge [sflag:s18], $0x80  }
0x115: {  	[sflag:s18] =	ssyncset.done $0x0  }
0x116: {  	[sflag:s18] =	ssyncadd.s32 $0xFFFFFF80  }
0x117: {  	_ =	swait.ge [sflag:s17], $0x80  }
0x118: {  	[sflag:s17] =	ssyncset.done $0x0  }
0x119: {  	[sflag:s17] =	ssyncadd.s32 $0xFFFFFF80  }
0x11a: {  	_ =	swait.ge [sflag:s18], $0x80  }
0x11b: {  	[sflag:s18] =	ssyncset.done $0x0  }
0x11c: {  	[sflag:s18] =	ssyncadd.s32 $0xFFFFFF80  }
0x11d: {  	_ =	swait.ge [sflag:s17], $0x80  }
0x11e: {  	[sflag:s17] =	ssyncset.done $0x0  }
0x11f: {  	[sflag:s17] =	ssyncadd.s32 $0xFFFFFF80  }
0x120: {  	_ =	swait.ge [sflag:s18], $0x80  }
0x121: {  	[sflag:s18] =	ssyncset.done $0x0  }
0x122: {  	[sflag:s18] =	ssyncadd.s32 $0xFFFFFF80  }
0x123: {  	_ =	swait.ge [sflag:s17], $0x80  }
0x124: {  	[sflag:s17] =	ssyncset.done $0x0  }
0x125: {  	[sflag:s17] =	ssyncadd.s32 $0xFFFFFF80  }
0x126: {  	_ =	swait.ge [sflag:s18], $0x80  }
0x127: {  	[sflag:s18] =	ssyncset.done $0x0  }
0x128: {  	[sflag:s18] =	ssyncadd.s32 $0xFFFFFF80  }
0x129: {  	_ =	swait.ge [sflag:s17], $0x80  }
0x12a: {  	[sflag:s17] =	ssyncset.done $0x0  }
0x12b: {  	[sflag:s17] =	ssyncadd.s32 $0xFFFFFF80  }
0x12c: {  	_ =	swait.ge [sflag:s18], $0x80  }
0x12d: {  	[sflag:s18] =	ssyncset.done $0x0  }
0x12e: {  	[sflag:s18] =	ssyncadd.s32 $0xFFFFFF80  }
0x12f: {  	_ =	swait.ge [sflag:s17], $0x80  }
0x130: {  	[sflag:s17] =	ssyncset.done $0x0  }
0x131: {  	[sflag:s17] =	ssyncadd.s32 $0xFFFFFF80  }
0x132: {  	_ =	swait.ge [sflag:s18], $0x80  }
0x133: {  	[sflag:s18] =	ssyncset.done $0x0  }
0x134: {  	[sflag:s18] =	ssyncadd.s32 $0xFFFFFF80  }
0x135: {  	_ =	swait.ge [sflag:s17], $0x80  }
0x136: {  	[sflag:s17] =	ssyncset.done $0x0  }
0x137: {  	[sflag:s17] =	ssyncadd.s32 $0xFFFFFF80  }
0x138: {  	_ =	swait.ge [sflag:s18], $0x80  }
0x139: {  	[sflag:s18] =	ssyncset.done $0x0  }
0x13a: {  	[sflag:s18] =	ssyncadd.s32 $0xFFFFFF80  }
0x13b: {  	_ =	swait.ge [sflag:s17], $0x80  }
0x13c: {  	[sflag:s17] =	ssyncset.done $0x0  }
0x13d: {  	[sflag:s17] =	ssyncadd.s32 $0xFFFFFF80  }
0x13e: {  	_ =	swait.ge [sflag:s18], $0x80  }
0x13f: {  	[sflag:s18] =	ssyncset.done $0x0  }
0x140: {  	[sflag:s18] =	ssyncadd.s32 $0xFFFFFF80  }
0x141: {  	_ =	swait.ge [sflag:s17], $0x80  }
0x142: {  	[sflag:s17] =	ssyncset.done $0x0  }
0x143: {  	[sflag:s17] =	ssyncadd.s32 $0xFFFFFF80  }
0x144: {  	_ =	swait.ge [sflag:s18], $0x80  }
0x145: {  	[sflag:s18] =	ssyncset.done $0x0  }
0x146: {  	[sflag:s18] =	ssyncadd.s32 $0xFFFFFF80  }
0x147: {  	_ =	swait.ge [sflag:s17], $0x80  }
0x148: {  	[sflag:s17] =	ssyncset.done $0x0  }
0x149: {  	[sflag:s17] =	ssyncadd.s32 $0xFFFFFF80  }
0x14a: {  	_ =	swait.ge [sflag:s18], $0x80  }
0x14b: {  	[sflag:s18] =	ssyncset.done $0x0  }
0x14c: {  	[sflag:s18] =	ssyncadd.s32 $0xFFFFFF80  }
0x14d: {  	_ =	swait.ge [sflag:s17], $0x80  }
0x14e: {  	[sflag:s17] =	ssyncset.done $0x0  }
0x14f: {  	[sflag:s17] =	ssyncadd.s32 $0xFFFFFF80  }
0x150: {  	_ =	swait.ge [sflag:s18], $0x80  }
0x151: {  	[sflag:s18] =	ssyncset.done $0x0  }
0x152: {  	[sflag:s18] =	ssyncadd.s32 $0xFFFFFF80  }
0x153: {  	_ =	swait.ge [sflag:s17], $0x80  }
0x154: {  	[sflag:s17] =	ssyncset.done $0x0  }
0x155: {  	[sflag:s17] =	ssyncadd.s32 $0xFFFFFF80  }
0x156: {  	_ =	swait.ge [sflag:s18], $0x80  }
0x157: {  	[sflag:s18] =	ssyncset.done $0x0  }
0x158: {  	[sflag:s18] =	ssyncadd.s32 $0xFFFFFF80  }
0x159: {  	_ =	swait.ge [sflag:s17], $0x80  }
0x15a: {  	[sflag:s17] =	ssyncset.done $0x0  }
0x15b: {  	[sflag:s17] =	ssyncadd.s32 $0xFFFFFF80  }
0x15c: {  	_ =	swait.ge [sflag:s18], $0x80  }
0x15d: {  	[sflag:s18] =	ssyncset.done $0x0  }
0x15e: {  	[sflag:s18] =	ssyncadd.s32 $0xFFFFFF80  }
0x15f: {  	_ =	swait.ge [sflag:s17], $0x80  }
0x160: {  	[sflag:s17] =	ssyncset.done $0x0  }
0x161: {  	[sflag:s17] =	ssyncadd.s32 $0xFFFFFF80  }
0x162: {  	_ =	swait.ge [sflag:s18], $0x80  }
0x163: {  	[sflag:s18] =	ssyncset.done $0x0  }
0x164: {  	[sflag:s18] =	ssyncadd.s32 $0xFFFFFF80  }
0x165: {  	_ =	swait.ge [sflag:s17], $0x80  }
0x166: {  	[sflag:s17] =	ssyncset.done $0x0  }
0x167: {  	[sflag:s17] =	ssyncadd.s32 $0xFFFFFF80  }
0x168: {  	_ =	swait.ge [sflag:s18], $0x80  }
0x169: {  	[sflag:s18] =	ssyncset.done $0x0  }
0x16a: {  	[sflag:s18] =	ssyncadd.s32 $0xFFFFFF80  }
0x16b: {  	_ =	swait.ge [sflag:s17], $0x80  }
0x16c: {  	[sflag:s17] =	ssyncset.done $0x0  }
0x16d: {  	[sflag:s17] =	ssyncadd.s32 $0xFFFFFF80  }
0x16e: {  	_ =	swait.ge [sflag:s18], $0x80  }
0x16f: {  	[sflag:s18] =	ssyncset.done $0x0  }
0x170: {  	[sflag:s18] =	ssyncadd.s32 $0xFFFFFF80  }
0x171: {  	_ =	swait.ge [sflag:s17], $0x80  }
0x172: {  	[sflag:s17] =	ssyncset.done $0x0  }
0x173: {  	[sflag:s17] =	ssyncadd.s32 $0xFFFFFF80  }
0x174: {  	_ =	swait.ge [sflag:s18], $0x80  }
0x175: {  	[sflag:s18] =	ssyncset.done $0x0  }
0x176: {  	[sflag:s18] =	ssyncadd.s32 $0xFFFFFF80  }
0x177: {  	_ =	swait.ge [sflag:s17], $0x80  }
0x178: {  	[sflag:s17] =	ssyncset.done $0x0  }
0x179: {  	[sflag:s17] =	ssyncadd.s32 $0xFFFFFF80  }
0x17a: {  	_ =	swait.ge [sflag:s18], $0x80  }
0x17b: {  	[sflag:s18] =	ssyncset.done $0x0  }
0x17c: {  	[sflag:s18] =	ssyncadd.s32 $0xFFFFFF80  }
0x17d: {  	_ =	swait.ge [sflag:s17], $0x80  }
0x17e: {  	[sflag:s17] =	ssyncset.done $0x0  }
0x17f: {  	[sflag:s17] =	ssyncadd.s32 $0xFFFFFF80  }
0x180: {  	_ =	swait.ge [sflag:s18], $0x80  }
0x181: {  	[sflag:s18] =	ssyncset.done $0x0  }
0x182: {  	[sflag:s18] =	ssyncadd.s32 $0xFFFFFF80  }
0x183: {  	_ =	swait.ge [sflag:s17], $0x80  }
0x184: {  	[sflag:s17] =	ssyncset.done $0x0  }
0x185: {  	[sflag:s17] =	ssyncadd.s32 $0xFFFFFF80  }
0x186: {  	_ =	swait.ge [sflag:s18], $0x80  }
0x187: {  	[sflag:s18] =	ssyncset.done $0x0  }
0x188: {  	[sflag:s18] =	ssyncadd.s32 $0xFFFFFF80  }
0x189: {  	_ =	swait.ge [sflag:s17], $0x80  }
0x18a: {  	[sflag:s17] =	ssyncset.done $0x0  }
0x18b: {  	[sflag:s17] =	ssyncadd.s32 $0xFFFFFF80  }
0x18c: {  	_ =	swait.ge [sflag:s18], $0x80  }
0x18d: {  	[sflag:s18] =	ssyncset.done $0x0  }
0x18e: {  	[sflag:s18] =	ssyncadd.s32 $0xFFFFFF80  }
0x18f: {  	_ =	swait.ge [sflag:s17], $0x80  }
0x190: {  	[sflag:s17] =	ssyncset.done $0x0  }
0x191: {  	[sflag:s17] =	ssyncadd.s32 $0xFFFFFF80  }
0x192: {  	_ =	swait.ge [sflag:s18], $0x80  }
0x193: {  	[sflag:s18] =	ssyncset.done $0x0  }
0x194: {  	[sflag:s18] =	ssyncadd.s32 $0xFFFFFF80  }
0x195: {  	_ =	swait.ge [sflag:s17], $0x80  }
0x196: {  	[sflag:s17] =	ssyncset.done $0x0  }
0x197: {  	[sflag:s17] =	ssyncadd.s32 $0xFFFFFF80  }
0x198: {  	_ =	swait.ge [sflag:s18], $0x80  }
0x199: {  	[sflag:s18] =	ssyncset.done $0x0  }
0x19a: {  	[sflag:s18] =	ssyncadd.s32 $0xFFFFFF80  }
0x19b: {  	_ =	swait.ge [sflag:s17], $0x80  }
0x19c: {  	[sflag:s17] =	ssyncset.done $0x0  }
0x19d: {  	[sflag:s17] =	ssyncadd.s32 $0xFFFFFF80  }
0x19e: {  	_ =	swait.ge [sflag:s18], $0x80  }
0x19f: {  	[sflag:s18] =	ssyncset.done $0x0  }
0x1a0: {  	[sflag:s18] =	ssyncadd.s32 $0xFFFFFF80  }
0x1a1: {  	_ =	swait.ge [sflag:s17], $0x80  }
0x1a2: {  	[sflag:s17] =	ssyncset.done $0x0  }
0x1a3: {  	[sflag:s17] =	ssyncadd.s32 $0xFFFFFF80  }
0x1a4: {  	_ =	swait.ge [sflag:s18], $0x80  }
0x1a5: {  	[sflag:s18] =	ssyncset.done $0x0  }
0x1a6: {  	[sflag:s18] =	ssyncadd.s32 $0xFFFFFF80  }
0x1a7: {  	_ =	swait.ge [sflag:s17], $0x80  }
0x1a8: {  	[sflag:s17] =	ssyncset.done $0x0  }
0x1a9: {  	[sflag:s17] =	ssyncadd.s32 $0xFFFFFF80  }
0x1aa: {  	_ =	swait.ge [sflag:s18], $0x80  }
0x1ab: {  	[sflag:s18] =	ssyncset.done $0x0  }
0x1ac: {  	[sflag:s18] =	ssyncadd.s32 $0xFFFFFF80  }
0x1ad: {  	_ =	swait.ge [sflag:s17], $0x80  }
0x1ae: {  	[sflag:s17] =	ssyncset.done $0x0  }
0x1af: {  	[sflag:s17] =	ssyncadd.s32 $0xFFFFFF80  }
0x1b0: {  	_ =	swait.ge [sflag:s18], $0x80  }
0x1b1: {  	[sflag:s18] =	ssyncset.done $0x0  }
0x1b2: {  	[sflag:s18] =	ssyncadd.s32 $0xFFFFFF80  }
0x1b3: {  	_ =	swait.ge [sflag:s17], $0x80  }
0x1b4: {  	[sflag:s17] =	ssyncset.done $0x0  }
0x1b5: {  	[sflag:s17] =	ssyncadd.s32 $0xFFFFFF80  }
0x1b6: {  	_ =	swait.ge [sflag:s18], $0x80  }
0x1b7: {  	[sflag:s18] =	ssyncset.done $0x0  }
0x1b8: {  	[sflag:s18] =	ssyncadd.s32 $0xFFFFFF80  }
0x1b9: {  	_ =	swait.ge [sflag:s17], $0x80  }
0x1ba: {  	[sflag:s17] =	ssyncset.done $0x0  }
0x1bb: {  	[sflag:s17] =	ssyncadd.s32 $0xFFFFFF80  }
0x1bc: {  	_ =	swait.ge [sflag:s18], $0x80  }
0x1bd: {  	[sflag:s18] =	ssyncset.done $0x0  }
0x1be: {  	[sflag:s18] =	ssyncadd.s32 $0xFFFFFF80  }
0x1bf: {  	_ =	swait.ge [sflag:s17], $0x80  }
0x1c0: {  	[sflag:s17] =	ssyncset.done $0x0  }
0x1c1: {  	[sflag:s17] =	ssyncadd.s32 $0xFFFFFF80  }
0x1c2: {  	_ =	swait.ge [sflag:s18], $0x80  }
0x1c3: {  	[sflag:s18] =	ssyncset.done $0x0  }
0x1c4: {  	[sflag:s18] =	ssyncadd.s32 $0xFFFFFF80  }
0x1c5: {  	_ =	swait.ge [sflag:s17], $0x80  }
0x1c6: {  	[sflag:s17] =	ssyncset.done $0x0  }
0x1c7: {  	[sflag:s17] =	ssyncadd.s32 $0xFFFFFF80  }
0x1c8: {  	_ =	swait.ge [sflag:s18], $0x80  }
0x1c9: {  	[sflag:s18] =	ssyncset.done $0x0  }
0x1ca: {  	[sflag:s18] =	ssyncadd.s32 $0xFFFFFF80  }
0x1cb: {  	_ =	swait.ge [sflag:s17], $0x80  }
0x1cc: {  	[sflag:s17] =	ssyncset.done $0x0  }
0x1cd: {  	[sflag:s17] =	ssyncadd.s32 $0xFFFFFF80  }
0x1ce: {  	_ =	swait.ge [sflag:s18], $0x80  }
0x1cf: {  	[sflag:s18] =	ssyncset.done $0x0  }
0x1d0: {  	[sflag:s18] =	ssyncadd.s32 $0xFFFFFF80  }
0x1d1: {  	v16 =	vld [tilespmem:s23+$0xFFFFFF90]  }
0x1d2: {  	v17 =	vld [tilespmem:s22+$0xFFFFFF90]  }
0x1d3: {  	v18 =	vld [tilespmem:s22+$0xFFFFFF80]  }
0x1d4: {  	v19 =	vld [tilespmem:s23+$0xFFFFFF80]  }
0x1d5: {  	v20 =	vld [tilespmem:s23+$0xFFFFFFA0]  }
0x1d6: {  	v21 =	vld [tilespmem:s22+$0xFFFFFFA0]  }
0x1d7: {  	v22 =	vld [tilespmem:s23+$0xFFFFFFB0]  }
0x1d8: {  	v23 =	vld [tilespmem:s22+$0xFFFFFFB0]  }
0x1d9: {  	v18 =	vmul.f32 v19, v18;
	v16 =	vmul.f32 v16, v17;
	_ =	sdelay $0x1  }
0x1da: {  	v17 =	vmul.f32 v20, v21;
	v16 =	vadd.f32 v16, v18;
	_ =	sdelay $0x1  }
0x1db: {  	v16 =	vadd.f32 v17, v16;
	v17 =	vmul.f32 v22, v23;
	_ =	sdelay $0x1  }
0x1dc: {  	v16 =	vadd.f32 v17, v16;
	_ =	sdelay $0x1  }
0x1dd: {  	[tilespmem:s26+$0x0] =	vst v16  }
0x1de: {  	v19 =	vld [tilespmem:s22+$0x0]  }
0x1df: {  	v20 =	vld [tilespmem:s23+$0x0]  }
0x1e0: {  	v21 =	vld [tilespmem:s23+$0x10]  }
0x1e1: {  	v22 =	vld [tilespmem:s22+$0x10]  }
0x1e2: {  	v16 =	vld [tilespmem:s23+$0x20]  }
0x1e3: {  	v18 =	vld [tilespmem:s22+$0x20]  }
0x1e4: {  	v17 =	vld [tilespmem:s23+$0x30]  }
0x1e5: {  	s24 =	simm.s32 $0x0;
	v20 =	vmul.f32 v20, v19;
	v19 =	vld [tilespmem:s22+$0x30]  }
0x1e6: {  	s25 =	simm.s32 $0x1580;
	s20 =	smov.u32 s26;
	s23 =	smov.u32 s26;
	v21 =	vmul.f32 v21, v22  }
.LBB2_3:
0x1e7: {  	s24 =	sadd.s32 $0x2, s24;
	s20 =	sadd.s32 $0x22, s20;
	s22 =	sadd.s32 $0x100, s22  }
0x1e8: {  	p0 =	slt.u32 s24, $0x1E;
	v20 =	vadd.f32 v21, v20;
	v16 =	vmul.f32 v16, v18;
	_ =	sdelay $0x1  }
0x1e9: {  	v16 =	vadd.f32 v16, v20;
	v17 =	vmul.f32 v17, v19;
	_ =	sdelay $0x1  }
0x1ea: {  	v16 =	vadd.f32 v17, v16;
	_ =	sdelay $0x1  }
0x1eb: {  	[tilespmem:s23+$0x11] =	vst v16;
	s23 =	smov.u32 s20  }
0x1ec: {  	v16 =	vld [tilespmem:s25+$0xFFFFFF90]  }
0x1ed: {  	v17 =	vld [tilespmem:s22+$0xFFFFFF90]  }
0x1ee: {  	v18 =	vld [tilespmem:s22+$0xFFFFFF80]  }
0x1ef: {  	v19 =	vld [tilespmem:s25+$0xFFFFFF80]  }
0x1f0: {  	v20 =	vld [tilespmem:s25+$0xFFFFFFA0]  }
0x1f1: {  	v21 =	vld [tilespmem:s22+$0xFFFFFFA0]  }
0x1f2: {  	v22 =	vld [tilespmem:s25+$0xFFFFFFB0]  }
0x1f3: {  	v23 =	vld [tilespmem:s22+$0xFFFFFFB0]  }
0x1f4: {  	v16 =	vmul.f32 v16, v17;
	v18 =	vmul.f32 v19, v18;
	_ =	sdelay $0x1  }
0x1f5: {  	v16 =	vadd.f32 v16, v18;
	v17 =	vmul.f32 v20, v21;
	_ =	sdelay $0x1  }
0x1f6: {  	v16 =	vadd.f32 v17, v16;
	v17 =	vmul.f32 v22, v23;
	_ =	sdelay $0x1  }
0x1f7: {  	v16 =	vadd.f32 v17, v16;
	_ =	sdelay $0x1  }
0x1f8: {  	[tilespmem:s20+$0x0] =	vst v16  }
0x1f9: {  	v17 =	vld [tilespmem:s22+$0x0]  }
0x1fa: {  	v19 =	vld [tilespmem:s25+$0x0]  }
0x1fb: {  	v21 =	vld [tilespmem:s25+$0x10]  }
0x1fc: {  	v22 =	vld [tilespmem:s22+$0x10]  }
.Ltmp0:
0x1fd: {  	v16 =	vld [tilespmem:s25+$0x20];
	(pc) =	sbr.rel @p0 .LBB2_3-.Ltmp0, $4  }
0x1fe: {  	v18 =	vld [tilespmem:s22+$0x20]  }
0x1ff: {  	v20 =	vmul.f32 v19, v17;
	v17 =	vld [tilespmem:s25+$0x30]  }
0x200: {  	v19 =	vld [tilespmem:s22+$0x30]  }
0x201: {  	s25 =	sadd.s32 $0x100, s25;
	v21 =	vmul.f32 v21, v22  }
0x202: {  	_ = 	snop  }
0x203: {  	s21 =	sadd.s32 $0x1, s21;
	v20 =	vadd.f32 v21, v20;
	v16 =	vmul.f32 v16, v18  }
0x204: {  	p0 =	sne.s32 s21, $0x10  }
.Ltmp1:
0x205: {  	v16 =	vadd.f32 v16, v20;
	v17 =	vmul.f32 v17, v19;
	(pc) =	sbr.rel @p0 .LBB2_2-.Ltmp1, $3  }
0x206: {  	_ = 	snop  }
0x207: {  	v16 =	vadd.f32 v17, v16;
	_ =	sdelay $0x1  }
0x208: {  	s26 =	sadd.s32 $0x220, s26;
	[tilespmem:s23+$0x11] =	vst v16  }
0x209: {  	s20 =	simm.s32 $0x0  }
0x20a: {  	v16 =	vmov s20  }
0x20b: {  	v16 =	vmul.u32 $0x11, v16;
	_ =	sdelay $0x1  }
0x20c: {  	v16 =	vbroadcast v16, $0x0;
	_ =	sdelay $0x1  }
0x20d: {  	v17 =	vadd.s32 v0, v16  }
0x20e: {  	v18 =	vadd.s32 v1, v16;
	_ =	sdelay $0x1  }
0x20f: {  	v19 =	vadd.s32 v2, v16;
	_ =	sdelay $0x1  }
0x210: {  	v20 =	vadd.s32 v3, v16;
	v17 =	vld.idx.msk [tilespmem:v17+s19+$0x0], $0xffff  }
0x211: {  	v18 =	vld.idx.msk [tilespmem:v18+s19+$0x0], $0xffff  }
0x212: {  	v21 =	vadd.s32 v4, v16  }
0x213: {  	v19 =	vld.idx.msk [tilespmem:v19+s19+$0x0], $0xffff  }
0x214: {  	v22 =	vadd.s32 v5, v16  }
0x215: {  	v20 =	vld.idx.msk [tilespmem:v20+s19+$0x0], $0xffff  }
0x216: {  	v23 =	vadd.s32 v6, v16;
	v17 =	vadd.f32 v18, v17  }
0x217: {  	v18 =	vld.idx.msk [tilespmem:v21+s19+$0x0], $0xffff  }
0x218: {  	v21 =	vadd.s32 v7, v16;
	v17 =	vadd.f32 v19, v17  }
0x219: {  	v19 =	vld.idx.msk [tilespmem:v22+s19+$0x0], $0xffff  }
0x21a: {  	v22 =	vadd.s32 v8, v16;
	v17 =	vadd.f32 v20, v17  }
0x21b: {  	v20 =	vld.idx.msk [tilespmem:v23+s19+$0x0], $0xffff  }
0x21c: {  	v23 =	vadd.s32 v9, v16;
	v17 =	vadd.f32 v18, v17  }
0x21d: {  	v18 =	vld.idx.msk [tilespmem:v21+s19+$0x0], $0xffff  }
0x21e: {  	v21 =	vadd.s32 v10, v16;
	v17 =	vadd.f32 v19, v17  }
0x21f: {  	v19 =	vld.idx.msk [tilespmem:v22+s19+$0x0], $0xffff  }
0x220: {  	v22 =	vadd.s32 v11, v16;
	v17 =	vadd.f32 v20, v17  }
0x221: {  	v20 =	vld.idx.msk [tilespmem:v23+s19+$0x0], $0xffff  }
0x222: {  	v23 =	vadd.s32 v12, v16;
	v17 =	vadd.f32 v18, v17  }
0x223: {  	v18 =	vld.idx.msk [tilespmem:v21+s19+$0x0], $0xffff  }
0x224: {  	v21 =	vadd.s32 v13, v16;
	v17 =	vadd.f32 v19, v17  }
0x225: {  	v19 =	vld.idx.msk [tilespmem:v22+s19+$0x0], $0xffff  }
0x226: {  	v22 =	vadd.s32 v14, v16;
	v17 =	vadd.f32 v20, v17  }
0x227: {  	v20 =	vld.idx.msk [tilespmem:v23+s19+$0x0], $0xffff  }
0x228: {  	v16 =	vadd.s32 v15, v16;
	v17 =	vadd.f32 v18, v17  }
0x229: {  	v18 =	vld.idx.msk [tilespmem:v21+s19+$0x0], $0xffff  }
0x22a: {  	s26 =	simm.s32 $0x10;
	v17 =	vadd.f32 v19, v17  }
0x22b: {  	v21 =	vmov s26;
	v19 =	vld.idx.msk [tilespmem:v22+s19+$0x0], $0xffff  }
0x22c: {  	v17 =	vadd.f32 v20, v17;
	v20 =	vmul.u32 $0x11, v21  }
0x22d: {  	v16 =	vld.idx.msk [tilespmem:v16+s19+$0x0], $0xffff  }
0x22e: {  	v17 =	vadd.f32 v18, v17;
	v18 =	vbroadcast v20, $0x0;
	_ =	sdelay $0x1  }
0x22f: {  	v17 =	vadd.f32 v19, v17;
	v19 =	vadd.s32 v0, v18  }
0x230: {  	v20 =	vadd.s32 v1, v18  }
0x231: {  	v16 =	vadd.f32 v16, v17  }
0x232: {  	s20 =	simm.s32 $0x4610;
	v17 =	vadd.s32 v2, v18  }
0x233: {  	[tilespmem:s20+$0xFFFFFFF0] =	vst v16  }
0x234: {  	v16 =	vadd.s32 v3, v18;
	v19 =	vld.idx.msk [tilespmem:v19+s19+$0x0], $0xffff  }
0x235: {  	v20 =	vld.idx.msk [tilespmem:v20+s19+$0x0], $0xffff  }
0x236: {  	v21 =	vadd.s32 v4, v18  }
0x237: {  	v17 =	vld.idx.msk [tilespmem:v17+s19+$0x0], $0xffff  }
0x238: {  	v22 =	vadd.s32 v5, v18  }
0x239: {  	v16 =	vld.idx.msk [tilespmem:v16+s19+$0x0], $0xffff  }
0x23a: {  	v23 =	vadd.s32 v6, v18;
	v19 =	vadd.f32 v20, v19  }
0x23b: {  	v20 =	vld.idx.msk [tilespmem:v21+s19+$0x0], $0xffff  }
0x23c: {  	v21 =	vadd.s32 v7, v18;
	v17 =	vadd.f32 v17, v19  }
0x23d: {  	v19 =	vld.idx.msk [tilespmem:v22+s19+$0x0], $0xffff  }
0x23e: {  	v22 =	vadd.s32 v8, v18;
	v16 =	vadd.f32 v16, v17  }
0x23f: {  	v17 =	vld.idx.msk [tilespmem:v23+s19+$0x0], $0xffff  }
0x240: {  	v23 =	vadd.s32 v9, v18;
	v16 =	vadd.f32 v20, v16  }
0x241: {  	v20 =	vld.idx.msk [tilespmem:v21+s19+$0x0], $0xffff  }
0x242: {  	v21 =	vadd.s32 v10, v18;
	v16 =	vadd.f32 v19, v16  }
0x243: {  	v19 =	vld.idx.msk [tilespmem:v22+s19+$0x0], $0xffff  }
0x244: {  	v22 =	vadd.s32 v11, v18;
	v16 =	vadd.f32 v17, v16  }
0x245: {  	v17 =	vld.idx.msk [tilespmem:v23+s19+$0x0], $0xffff  }
0x246: {  	v23 =	vadd.s32 v12, v18;
	v16 =	vadd.f32 v20, v16  }
0x247: {  	v20 =	vld.idx.msk [tilespmem:v21+s19+$0x0], $0xffff  }
0x248: {  	v21 =	vadd.s32 v13, v18;
	v16 =	vadd.f32 v19, v16  }
0x249: {  	v19 =	vld.idx.msk [tilespmem:v22+s19+$0x0], $0xffff  }
0x24a: {  	v22 =	vadd.s32 v14, v18;
	v16 =	vadd.f32 v17, v16  }
0x24b: {  	v17 =	vld.idx.msk [tilespmem:v23+s19+$0x0], $0xffff  }
0x24c: {  	v18 =	vadd.s32 v15, v18;
	v16 =	vadd.f32 v20, v16  }
0x24d: {  	s21 =	simm.s32 $0x20;
	v20 =	vld.idx.msk [tilespmem:v21+s19+$0x0], $0xffff  }
0x24e: {  	v16 =	vadd.f32 v19, v16;
	v19 =	vmov s21  }
0x24f: {  	v21 =	vld.idx.msk [tilespmem:v22+s19+$0x0], $0xffff;
	v19 =	vmul.u32 $0x11, v19  }
0x250: {  	v17 =	vadd.f32 v17, v16  }
0x251: {  	v16 =	vbroadcast v19, $0x0;
	v19 =	vld.idx.msk [tilespmem:v18+s19+$0x0], $0xffff  }
0x252: {  	v20 =	vadd.f32 v20, v17;
	_ =	sdelay $0x1  }
0x253: {  	s22 =	simm.s32 $0x2;
	s23 =	simm.s32 $0x4610;
	s21 =	simm.s32 $0x30;
	v18 =	vadd.s32 v0, v16;
	v17 =	vadd.s32 v1, v16;
	v20 =	vadd.f32 v21, v20  }
.LBB2_6:
0x254: {  	s22 =	sadd.s32 $0x2, s22;
	s20 =	sadd.s32 $0x20, s20  }
0x255: {  	p0 =	slt.u32 s22, $0x1E;
	v19 =	vadd.f32 v19, v20  }
0x256: {  	v20 =	vadd.s32 v2, v16  }
0x257: {  	[tilespmem:s23+$0x0] =	vst v19;
	s23 =	smov.u32 s20  }
0x258: {  	v19 =	vadd.s32 v3, v16;
	v18 =	vld.idx.msk [tilespmem:v18+s19+$0x0], $0xffff  }
0x259: {  	v17 =	vld.idx.msk [tilespmem:v17+s19+$0x0], $0xffff  }
0x25a: {  	v21 =	vadd.s32 v4, v16  }
0x25b: {  	v20 =	vld.idx.msk [tilespmem:v20+s19+$0x0], $0xffff  }
0x25c: {  	v22 =	vadd.s32 v5, v16  }
0x25d: {  	v19 =	vld.idx.msk [tilespmem:v19+s19+$0x0], $0xffff  }
0x25e: {  	v23 =	vadd.s32 v6, v16  }
0x25f: {  	v17 =	vadd.f32 v17, v18;
	v18 =	vld.idx.msk [tilespmem:v21+s19+$0x0], $0xffff  }
0x260: {  	v21 =	vadd.s32 v7, v16  }
0x261: {  	v17 =	vadd.f32 v20, v17;
	v20 =	vld.idx.msk [tilespmem:v22+s19+$0x0], $0xffff  }
0x262: {  	v22 =	vadd.s32 v8, v16  }
0x263: {  	v17 =	vadd.f32 v19, v17;
	v19 =	vld.idx.msk [tilespmem:v23+s19+$0x0], $0xffff  }
0x264: {  	v23 =	vadd.s32 v9, v16  }
0x265: {  	v17 =	vadd.f32 v18, v17;
	v18 =	vld.idx.msk [tilespmem:v21+s19+$0x0], $0xffff  }
0x266: {  	v21 =	vadd.s32 v10, v16  }
0x267: {  	v17 =	vadd.f32 v20, v17;
	v20 =	vld.idx.msk [tilespmem:v22+s19+$0x0], $0xffff  }
0x268: {  	v22 =	vadd.s32 v11, v16  }
0x269: {  	v17 =	vadd.f32 v19, v17;
	v19 =	vld.idx.msk [tilespmem:v23+s19+$0x0], $0xffff  }
0x26a: {  	v23 =	vadd.s32 v12, v16  }
0x26b: {  	v17 =	vadd.f32 v18, v17;
	v18 =	vld.idx.msk [tilespmem:v21+s19+$0x0], $0xffff  }
0x26c: {  	v21 =	vadd.s32 v13, v16  }
0x26d: {  	v17 =	vadd.f32 v20, v17;
	v20 =	vld.idx.msk [tilespmem:v22+s19+$0x0], $0xffff  }
0x26e: {  	v22 =	vadd.s32 v14, v16  }
0x26f: {  	v17 =	vadd.f32 v19, v17;
	v19 =	vld.idx.msk [tilespmem:v23+s19+$0x0], $0xffff  }
0x270: {  	v16 =	vadd.s32 v15, v16  }
0x271: {  	v17 =	vadd.f32 v18, v17;
	v18 =	vld.idx.msk [tilespmem:v21+s19+$0x0], $0xffff;
	_ =	sdelay $0x1  }
0x272: {  	v17 =	vadd.f32 v20, v17;
	v20 =	vld.idx.msk [tilespmem:v22+s19+$0x0], $0xffff  }
0x273: {  	v21 =	vmov s21  }
0x274: {  	v17 =	vadd.f32 v19, v17;
	v19 =	vmul.u32 $0x11, v21;
	v16 =	vld.idx.msk [tilespmem:v16+s19+$0x0], $0xffff;
	_ =	sdelay $0x1  }
0x275: {  	v17 =	vadd.f32 v18, v17;
	v18 =	vbroadcast v19, $0x0;
	_ =	sdelay $0x1  }
0x276: {  	v17 =	vadd.f32 v20, v17;
	v19 =	vadd.s32 v0, v18  }
0x277: {  	v20 =	vadd.s32 v1, v18  }
0x278: {  	v16 =	vadd.f32 v16, v17  }
0x279: {  	v17 =	vadd.s32 v2, v18  }
0x27a: {  	[tilespmem:s20+$0xFFFFFFF0] =	vst v16;
	v16 =	vadd.s32 v3, v18  }
0x27b: {  	v19 =	vld.idx.msk [tilespmem:v19+s19+$0x0], $0xffff  }
0x27c: {  	v21 =	vadd.s32 v4, v18;
	v20 =	vld.idx.msk [tilespmem:v20+s19+$0x0], $0xffff;
	_ =	sdelay $0x1  }
0x27d: {  	v22 =	vadd.s32 v5, v18;
	v17 =	vld.idx.msk [tilespmem:v17+s19+$0x0], $0xffff  }
0x27e: {  	v16 =	vld.idx.msk [tilespmem:v16+s19+$0x0], $0xffff  }
0x27f: {  	v23 =	vadd.s32 v6, v18  }
0x280: {  	v21 =	vld.idx.msk [tilespmem:v21+s19+$0x0], $0xffff  }
0x281: {  	v19 =	vadd.f32 v20, v19;
	v20 =	vadd.s32 v7, v18  }
0x282: {  	v22 =	vld.idx.msk [tilespmem:v22+s19+$0x0], $0xffff  }
0x283: {  	v17 =	vadd.f32 v17, v19;
	v19 =	vadd.s32 v8, v18  }
0x284: {  	v23 =	vld.idx.msk [tilespmem:v23+s19+$0x0], $0xffff  }
0x285: {  	v16 =	vadd.f32 v16, v17;
	v17 =	vadd.s32 v9, v18  }
0x286: {  	v20 =	vld.idx.msk [tilespmem:v20+s19+$0x0], $0xffff  }
0x287: {  	v16 =	vadd.f32 v21, v16;
	v21 =	vadd.s32 v10, v18  }
0x288: {  	v19 =	vld.idx.msk [tilespmem:v19+s19+$0x0], $0xffff  }
0x289: {  	v16 =	vadd.f32 v22, v16;
	v22 =	vadd.s32 v11, v18  }
0x28a: {  	v17 =	vld.idx.msk [tilespmem:v17+s19+$0x0], $0xffff  }
0x28b: {  	v16 =	vadd.f32 v23, v16;
	v23 =	vadd.s32 v12, v18  }
0x28c: {  	v21 =	vld.idx.msk [tilespmem:v21+s19+$0x0], $0xffff  }
0x28d: {  	v16 =	vadd.f32 v20, v16;
	v20 =	vadd.s32 v13, v18  }
0x28e: {  	v22 =	vld.idx.msk [tilespmem:v22+s19+$0x0], $0xffff  }
0x28f: {  	v16 =	vadd.f32 v19, v16;
	v19 =	vadd.s32 v14, v18  }
0x290: {  	v23 =	vld.idx.msk [tilespmem:v23+s19+$0x0], $0xffff  }
0x291: {  	v16 =	vadd.f32 v17, v16;
	v17 =	vadd.s32 v15, v18  }
0x292: {  	v18 =	vld.idx.msk [tilespmem:v20+s19+$0x0], $0xffff  }
0x293: {  	s21 =	sadd.s32 $0x20, s21;
	v16 =	vadd.f32 v21, v16  }
0x294: {  	s24 =	sadd.s32 $0xFFFFFFF0, s21;
	v20 =	vld.idx.msk [tilespmem:v19+s19+$0x0], $0xffff  }
0x295: {  	v19 =	vmov s24;
	v16 =	vadd.f32 v22, v16  }
0x296: {  	v21 =	vmul.u32 $0x11, v19;
	v19 =	vld.idx.msk [tilespmem:v17+s19+$0x0], $0xffff  }
.Ltmp2:
0x297: {  	v17 =	vadd.f32 v23, v16;
	(pc) =	sbr.rel @p0 .LBB2_6-.Ltmp2, $4  }
0x298: {  	v16 =	vbroadcast v21, $0x0  }
0x299: {  	v21 =	vadd.f32 v18, v17  }
0x29a: {  	v18 =	vadd.s32 v0, v16;
	v17 =	vadd.s32 v1, v16  }
0x29b: {  	v20 =	vadd.f32 v20, v21  }
0x29c: {  	_ = 	snop  }
0x29d: {  	v19 =	vadd.f32 v19, v20  }
0x29e: {  	v60 =	vadd.s32 v2, v16  }
0x29f: {  	[tilespmem:s23+$0x0] =	vst v19  }
0x2a0: {  	v61 =	vadd.s32 v3, v16;
	v18 =	vld.idx.msk [tilespmem:v18+s19+$0x0], $0xffff  }
0x2a1: {  	v17 =	vld.idx.msk [tilespmem:v17+s19+$0x0], $0xffff  }
0x2a2: {  	v21 =	vadd.s32 v4, v16  }
0x2a3: {  	v20 =	vld.idx.msk [tilespmem:v60+s19+$0x0], $0xffff  }
0x2a4: {  	v22 =	vadd.s32 v5, v16  }
0x2a5: {  	v19 =	vld.idx.msk [tilespmem:v61+s19+$0x0], $0xffff  }
0x2a6: {  	v23 =	vadd.s32 v6, v16;
	v17 =	vadd.f32 v17, v18  }
0x2a7: {  	v62 =	vld.idx.msk [tilespmem:v21+s19+$0x0], $0xffff  }
0x2a8: {  	v63 =	vadd.s32 v7, v16;
	v17 =	vadd.f32 v20, v17  }
0x2a9: {  	v24 =	vld.idx.msk [tilespmem:v22+s19+$0x0], $0xffff  }
0x2aa: {  	v25 =	vadd.s32 v8, v16;
	v17 =	vadd.f32 v19, v17  }
0x2ab: {  	v26 =	vld.idx.msk [tilespmem:v23+s19+$0x0], $0xffff  }
0x2ac: {  	v27 =	vadd.s32 v9, v16;
	v17 =	vadd.f32 v62, v17  }
0x2ad: {  	v28 =	vld.idx.msk [tilespmem:v63+s19+$0x0], $0xffff  }
0x2ae: {  	v29 =	vadd.s32 v10, v16;
	v17 =	vadd.f32 v24, v17  }
0x2af: {  	v30 =	vld.idx.msk [tilespmem:v25+s19+$0x0], $0xffff  }
0x2b0: {  	v31 =	vadd.s32 v11, v16;
	v17 =	vadd.f32 v26, v17  }
0x2b1: {  	v32 =	vld.idx.msk [tilespmem:v27+s19+$0x0], $0xffff  }
0x2b2: {  	v33 =	vadd.s32 v12, v16;
	v17 =	vadd.f32 v28, v17  }
0x2b3: {  	v34 =	vld.idx.msk [tilespmem:v29+s19+$0x0], $0xffff  }
0x2b4: {  	v35 =	vadd.s32 v13, v16;
	v17 =	vadd.f32 v30, v17  }
0x2b5: {  	v36 =	vld.idx.msk [tilespmem:v31+s19+$0x0], $0xffff  }
0x2b6: {  	v37 =	vadd.s32 v14, v16;
	v17 =	vadd.f32 v32, v17  }
0x2b7: {  	v38 =	vld.idx.msk [tilespmem:v33+s19+$0x0], $0xffff  }
0x2b8: {  	v16 =	vadd.s32 v15, v16;
	v17 =	vadd.f32 v34, v17  }
0x2b9: {  	v39 =	vld.idx.msk [tilespmem:v35+s19+$0x0], $0xffff  }
0x2ba: {  	v17 =	vadd.f32 v36, v17  }
0x2bb: {  	v41 =	vmov s21;
	v40 =	vld.idx.msk [tilespmem:v37+s19+$0x0], $0xffff  }
0x2bc: {  	v42 =	vmul.u32 $0x11, v41;
	v17 =	vadd.f32 v38, v17  }
0x2bd: {  	v16 =	vld.idx.msk [tilespmem:v16+s19+$0x0], $0xffff  }
0x2be: {  	v43 =	vbroadcast v42, $0x0;
	v17 =	vadd.f32 v39, v17;
	_ =	sdelay $0x1  }
0x2bf: {  	v19 =	vadd.s32 v0, v43;
	v17 =	vadd.f32 v40, v17  }
0x2c0: {  	v44 =	vadd.s32 v1, v43  }
0x2c1: {  	v16 =	vadd.f32 v16, v17  }
0x2c2: {  	s20 =	sadd.s32 $0x20, s20;
	v17 =	vadd.s32 v2, v43  }
0x2c3: {  	[tilespmem:s20+$0xFFFFFFF0] =	vst v16  }
0x2c4: {  	v16 =	vadd.s32 v3, v43;
	v19 =	vld.idx.msk [tilespmem:v19+s19+$0x0], $0xffff  }
0x2c5: {  	v20 =	vld.idx.msk [tilespmem:v44+s19+$0x0], $0xffff  }
0x2c6: {  	v45 =	vadd.s32 v4, v43  }
0x2c7: {  	v17 =	vld.idx.msk [tilespmem:v17+s19+$0x0], $0xffff  }
0x2c8: {  	v46 =	vadd.s32 v5, v43  }
0x2c9: {  	v16 =	vld.idx.msk [tilespmem:v16+s19+$0x0], $0xffff  }
0x2ca: {  	v47 =	vadd.s32 v6, v43;
	v19 =	vadd.f32 v20, v19  }
0x2cb: {  	v48 =	vld.idx.msk [tilespmem:v45+s19+$0x0], $0xffff  }
0x2cc: {  	v49 =	vadd.s32 v7, v43;
	v17 =	vadd.f32 v17, v19  }
0x2cd: {  	v50 =	vld.idx.msk [tilespmem:v46+s19+$0x0], $0xffff  }
0x2ce: {  	v51 =	vadd.s32 v8, v43;
	v16 =	vadd.f32 v16, v17  }
0x2cf: {  	v17 =	vld.idx.msk [tilespmem:v47+s19+$0x0], $0xffff  }
0x2d0: {  	v52 =	vadd.s32 v9, v43;
	v16 =	vadd.f32 v48, v16  }
0x2d1: {  	v53 =	vld.idx.msk [tilespmem:v49+s19+$0x0], $0xffff  }
0x2d2: {  	v54 =	vadd.s32 v10, v43;
	v16 =	vadd.f32 v50, v16  }
0x2d3: {  	v55 =	vld.idx.msk [tilespmem:v51+s19+$0x0], $0xffff  }
0x2d4: {  	v56 =	vadd.s32 v11, v43;
	v16 =	vadd.f32 v17, v16  }
0x2d5: {  	v17 =	vld.idx.msk [tilespmem:v52+s19+$0x0], $0xffff  }
0x2d6: {  	v57 =	vadd.s32 v12, v43;
	v16 =	vadd.f32 v53, v16  }
0x2d7: {  	v58 =	vld.idx.msk [tilespmem:v54+s19+$0x0], $0xffff  }
0x2d8: {  	v59 =	vadd.s32 v13, v43;
	v16 =	vadd.f32 v55, v16  }
0x2d9: {  	v60 =	vld.idx.msk [tilespmem:v56+s19+$0x0], $0xffff  }
0x2da: {  	v61 =	vadd.s32 v14, v43;
	v16 =	vadd.f32 v17, v16  }
0x2db: {  	v17 =	vld.idx.msk [tilespmem:v57+s19+$0x0], $0xffff  }
0x2dc: {  	v18 =	vadd.s32 v15, v43;
	v16 =	vadd.f32 v58, v16  }
0x2dd: {  	v62 =	vld.idx.msk [tilespmem:v59+s19+$0x0], $0xffff  }
0x2de: {  	v16 =	vadd.f32 v60, v16  }
0x2df: {  	v63 =	vld.idx.msk [tilespmem:v61+s19+$0x0], $0xffff  }
0x2e0: {  	v16 =	vadd.f32 v17, v16  }
0x2e1: {  	v17 =	vld.idx.msk [tilespmem:v18+s19+$0x0], $0xffff  }
0x2e2: {  	v16 =	vadd.f32 v62, v16;
	_ =	sdelay $0x1  }
0x2e3: {  	v16 =	vadd.f32 v63, v16;
	_ =	sdelay $0x1  }
0x2e4: {  	v16 =	vadd.f32 v17, v16;
	_ =	sdelay $0x1  }
0x2e5: {  	s24 =	rddreg [dreg:$0x7];
	s25 =	simm.s32 $0x4600;
	s21 =	simm.s32 $0x3;
	[tilespmem:s20+$0x0] =	vst v16  }
0x2e6: {  	[hbm4b:s24+s2] =	stream.linear.scatter [tilespmem:s25], [sflag:$0x3], $0x200, $0x38;
	[tilespmem:$0x4800] =	vst v63  }
0x2e7: {  	_ =	swait.ge [sflag:s21], $0x200  }
0x2e8: {  	s22 =	rddreg [dreg:$0x9]  }
0x2e9: {  	s26 =	rddreg [dreg:$0x8];
	s22 =	sadd.s32 $0x1, s22  }
0x2ea: {  	p0 =	sne.s32 s22, s26  }
.Ltmp3:
0x2eb: {  	_ = 	snop;
	(pc) =	sbr.rel @p0 .LBB2_1-.Ltmp3, $3  }
0x2ec: {  	_ =	sdelay $0x1  }
0x2ed: {  	[sflag:s21] =	ssyncset.done $0x0  }
0x2ee: {  	[sflag:s21] =	ssyncadd.s32 $0xFFFFFE00  }
0x2ef: {  	_ =	sfence.sel $0x180000  }
0x2f0: {  	[bflag:$0x0] =	sbarrier.arrive $0xFFFF  }
0x2f1: {  	_ =	strace $0x90000047  }
0x2f2: {  	s0 =	stileid.u32;
	[bflag:$0x2] =	sbarrier.arrive $0xFFFF  }
0x2f3: {  	p0 =	sne.s32 s0, $0x0;
	s0 =	rddreg [dreg:$0x4]  }
0x2f4: {  	s0 =	sadd.s32 @!p0 $0x100000, s0  }
0x2f5: {  	[sflag:s0] =	ssyncadd.tile.s32 @!p0 $0x1;
	_ =	shalt  }
.Lfunc_end2:
_tile_overlayer_lowered:
.L_overlay_start_2:
0x2f6: {  	(tag) =	ssettag $0x2  }
0x2f7: {  	s0 =	rddreg [dreg:$0x0];
	s2 =	stileid.u32  }
0x2f8: {  	s1 =	rddreg [dreg:$0x1];
	p0 =	sne.s32 s2, $0x0  }
0x2f9: {  	s3 =	rddreg [dreg:$0x2];
	[bflag:$0x3] =	sbarrier.arrive $0xFFFF;
	s2 =	simm.s32 @!p0 $0x1C03  }
0x2fa: {  	[timem:s3], [sflag:s2] =	dma.local @!p0 [hbm:s0], s1  }
0x2fb: {  	s0 =	simm.s32 @!p0 $0x3  }
0x2fc: {  	_ =	swait.ge @!p0 [sflag:s0], s1  }
0x2fd: {  	s1 =	ssub.s32 @!p0 $0x0, s1;
	[sflag:s0] =	ssyncset.done @!p0 $0x0  }
0x2fe: {  	[sflag:s0] =	ssyncadd.s32 @!p0 s1  }
0x2ff: {  	[bflag:$0x3] =	sbarrier.arrive $0xFFFF  }
0x300: {  	_ =	shalt  }

</sc_bundles>
